<compile_context>
chip_gen: v7x
topology: tpu7x:2x2x1
jax: 0.10.2.dev20260603
libtpu: 0.0.44.dev20260713+nightly
codegen_flags: <defaults>
</compile_context>

<pallas_src>
import functools

import jax
import jax.numpy as jnp
from jax import lax
from jax.experimental import pallas as pl
from jax.experimental.pallas import tpu as pltpu
from jax.experimental.pallas import tpu_sc as plsc

N_NODES = 10000
D = 128
E = 320000
NC = 2
NS = 16
L = 16
NW = NC * NS
E_PER_W = E // NW
CHUNK = 80
STEPS = E_PER_W // CHUNK


def _normalize_rows(z):
    def body(z_ref, op_ref, on_ref):
        x = z_ref[...]
        s = jnp.sum(x * x, axis=1, keepdims=True)
        zh = x * lax.rsqrt(s)
        op_ref[...] = zh
        on_ref[...] = -zh

    return pl.pallas_call(
        body,
        out_shape=[
            jax.ShapeDtypeStruct((N_NODES, D), jnp.float32),
            jax.ShapeDtypeStruct((N_NODES, D), jnp.float32),
        ],
        grid=(10,),
        in_specs=[pl.BlockSpec((N_NODES // 10, D), lambda i: (i, 0))],
        out_specs=[
            pl.BlockSpec((N_NODES // 10, D), lambda i: (i, 0)),
            pl.BlockSpec((N_NODES // 10, D), lambda i: (i, 0)),
        ],
    )(z)


def _rsqrt16(q):
    i = plsc.bitcast(q, jnp.int32)
    i = jnp.int32(0x5F3759DF) - (i >> 1)
    y = plsc.bitcast(i, jnp.float32)
    for _ in range(3):
        y = y * (1.5 - 0.5 * q * y * y)
    return y


def _sc_decode(zpos, zneg, src, dst):
    mesh = plsc.VectorSubcoreMesh(
        core_axis_name="c", subcore_axis_name="s", num_cores=NC, num_subcores=NS
    )

    @functools.partial(
        pl.kernel,
        out_type=jax.ShapeDtypeStruct((E,), jnp.float32),
        mesh=mesh,
        scratch_types=[
            pltpu.VMEM((E_PER_W,), jnp.int32),
            pltpu.VMEM((E_PER_W,), jnp.int32),
            pltpu.VMEM((E_PER_W,), jnp.float32),
            pltpu.VMEM((CHUNK, D), jnp.float32),
            pltpu.VMEM((CHUNK, D), jnp.float32),
            pltpu.VMEM((CHUNK, D), jnp.float32),
            pltpu.VMEM((CHUNK * L,), jnp.float32),
            pltpu.SemaphoreType.DMA,
            pltpu.SemaphoreType.DMA,
            pltpu.SemaphoreType.DMA,
            pltpu.SemaphoreType.DMA,
            pltpu.SemaphoreType.DMA,
            pltpu.SemaphoreType.DMA,
        ],
        compiler_params=pltpu.CompilerParams(needs_layout_passes=False),
    )
    def k(zp_hbm, zn_hbm, src_hbm, dst_hbm, out_hbm,
          idx_a_all, idx_b_all, out_all, dd0, dd1, dd2, tmp,
          sa0, sb0, sa1, sb1, sa2, sb2):
        wid = lax.axis_index("s") * NC + lax.axis_index("c")
        base = pl.multiple_of(wid * E_PER_W, 16)
        pltpu.sync_copy(src_hbm.at[pl.ds(base, E_PER_W)], idx_a_all)
        pltpu.sync_copy(dst_hbm.at[pl.ds(base, E_PER_W)], idx_b_all)

        bufs = ((dd0, sa0, sb0), (dd1, sa1, sb1), (dd2, sa2, sb2))

        def copy_a(s, bi):
            dd, sa, _ = bufs[bi]
            sl = pl.ds(pl.multiple_of(s * CHUNK, 16), CHUNK)
            return pltpu.make_async_copy(zp_hbm.at[idx_a_all.at[sl]], dd, sa)

        def copy_b(s, bi):
            dd, _, sb = bufs[bi]
            sl = pl.ds(pl.multiple_of(s * CHUNK, 16), CHUNK)
            return pltpu.make_async_copy(zn_hbm.at[idx_b_all.at[sl]], dd, sb)

        def issue_a(s, bi):
            copy_a(s, bi).start()

        def drain_a_issue_b(s, bi):
            copy_a(s, bi).wait()
            copy_b(s, bi).start(add=True)

        def compute(s, bi):
            dd = bufs[bi][0]
            copy_b(s, bi).wait()
            obase = s * CHUNK

            @plsc.parallel_loop(0, CHUNK, 1, unroll=8)
            def _(e):
                accs = [jnp.zeros((L,), jnp.float32) for _ in range(4)]
                for kk in range(D // L):
                    v = dd[e, pl.ds(kk * L, L)]
                    accs[kk % 4] = accs[kk % 4] + v * v
                tmp[pl.ds(e * L, L)] = (accs[0] + accs[1]) + (accs[2] + accs[3])

            def group(g, carry):
                q = jnp.zeros((L,), jnp.float32)
                lanes = lax.iota(jnp.int32, L) * L + g * (L * L)
                for l in range(L):
                    q = q + plsc.load_gather(tmp, [lanes + l])
                q = jnp.maximum(q, 1e-30)
                dist = q * _rsqrt16(q)
                out_all[pl.ds(obase + g * L, L)] = 1.0 / (1.0 + jnp.exp(dist - 1.0))
                return carry

            lax.fori_loop(0, CHUNK // L, group, None)

        issue_a(0, 0)
        issue_a(1, 1)
        issue_a(2, 2)
        drain_a_issue_b(0, 0)
        drain_a_issue_b(1, 1)

        def triple(t, carry):
            for r in range(3):
                s = 3 * t + r
                compute(s, r)

                @pl.when(s + 3 < STEPS)
                def _():
                    issue_a(s + 3, r)

                @pl.when(s + 2 < STEPS)
                def _():
                    drain_a_issue_b(s + 2, (r + 2) % 3)
            return carry

        lax.fori_loop(0, STEPS // 3, triple, None)
        compute(STEPS - 2, 0)
        compute(STEPS - 1, 1)
        pltpu.sync_copy(out_all, out_hbm.at[pl.ds(base, E_PER_W)])

    return k(zpos, zneg, src, dst)


def kernel(z, edge_index):
    idx = edge_index.astype(jnp.int32)
    zpos, zneg = _normalize_rows(z.astype(jnp.float32))
    return _sc_decode(zpos, zneg, idx[0], idx[1])

# --- scband reference (transcript-rebuilt; emitter-appended) ---
"""Pipeline reference for scband-euclidean-distance-decoder-40166534152505 (READ-ONLY COPY).

The authoritative reference and input builder live on the scoring server;
editing this copy changes nothing except your own understanding.
"""

import jax, jax.numpy as jnp
import numpy as np


def setup_inputs(seed: int = 0) -> dict:
    key = jax.random.key(seed)
    k1, k2 = jax.random.split(key)
    z = jax.random.normal(k1, (10000, 128), dtype=jnp.float32)
    edge_index = jax.random.randint(k2, (2, 320000), 0, 10000, dtype=jnp.int64)
    return {"z": z, "edge_index": edge_index}


def _norm_batch(batch):
    return batch / jnp.linalg.norm(batch, axis=1)[:, None]


def reference(z, edge_index):
    # gather endpoint embeddings
    a = jnp.take(z, edge_index[0], axis=0)
    b = jnp.take(z, edge_index[1], axis=0)
    # normalize=True path
    a = _norm_batch(a)
    b = _norm_batch(b)
    # F.pairwise_distance(a, b, p=2, eps=1e-6) == ||a - b + eps||_2
    distance = jnp.linalg.norm(a - b + 1e-6, axis=1)
    value = 1.0 - distance
    # sigmoid=True path
    return jax.nn.sigmoid(value)

if __name__ == "__main__":
    import jax
    _d = setup_inputs()
    print(jax.jit(kernel)(*tuple(_d.values())))

</pallas_src>

<mosaic_0001>
#map = affine_map<(d0, d1) -> (0, 0)>
#map1 = affine_map<(d0, d1) -> (0)>
module attributes {stable_mosaic.version = 14 : i64} {
  func.func @k(%arg0: i32, %arg1: i32, %arg2: memref<10000x128xf32, #tpu.memory_space<hbm>>, %arg3: memref<10000x128xf32, #tpu.memory_space<hbm>>, %arg4: memref<320000xi32, #tpu.memory_space<hbm>>, %arg5: memref<320000xi32, #tpu.memory_space<hbm>>, %arg6: memref<320000xf32, #tpu.memory_space<hbm>>, %arg7: memref<10000xi32, #tpu.memory_space<vmem>>, %arg8: memref<10000xi32, #tpu.memory_space<vmem>>, %arg9: memref<10000xf32, #tpu.memory_space<vmem>>, %arg10: memref<80x128xf32, #tpu.memory_space<vmem>>, %arg11: memref<80x128xf32, #tpu.memory_space<vmem>>, %arg12: memref<80x128xf32, #tpu.memory_space<vmem>>, %arg13: memref<1280xf32, #tpu.memory_space<vmem>>, %arg14: memref<!tpu.dma_semaphore, #tpu.memory_space<semaphore_mem>>, %arg15: memref<!tpu.dma_semaphore, #tpu.memory_space<semaphore_mem>>, %arg16: memref<!tpu.dma_semaphore, #tpu.memory_space<semaphore_mem>>, %arg17: memref<!tpu.dma_semaphore, #tpu.memory_space<semaphore_mem>>, %arg18: memref<!tpu.dma_semaphore, #tpu.memory_space<semaphore_mem>>, %arg19: memref<!tpu.dma_semaphore, #tpu.memory_space<semaphore_mem>>) attributes {dimension_semantics = [#tpu.dimension_semantics<core_parallel>, #tpu.dimension_semantics<subcore_parallel>], iteration_bounds = array<i64: 2, 16>, scalar_prefetch = 0 : i64, scratch_operands = 13 : i64, tpu.core_type = #tpu.core_type<sc_vector_subcore>, window_params = [{transform_indices = #map}, {transform_indices = #map}, {transform_indices = #map1}, {transform_indices = #map1}, {transform_indices = #map1}]} {
    %mul3A = arith.constant 2 : i32
    %mul3A_0 = arith.muli %arg1, %mul3A : i32
    %add3A = arith.addi %mul3A_0, %arg0 : i32
    %mul3A_1 = arith.constant 10000 : i32
    %mul3A_2 = arith.muli %add3A, %mul3A_1 : i32
    %multiple_of3A = tpu.assume_multiple %mul3A_2, 16 : i32
    "tpu.region"() ({
      %run_scoped3A = tpu.sem_alloc : memref<!tpu.dma_semaphore, #tpu.memory_space<semaphore_mem>>
      %dma_start3A_74 = tpu.memref_slice %arg4[%multiple_of3A] : memref<320000xi32, #tpu.memory_space<hbm>> -> memref<10000xi32, #tpu.memory_space<hbm>>
      %dma_start3A_75 = tpu.memref_slice %arg4[%multiple_of3A] : memref<320000xi32, #tpu.memory_space<hbm>> -> memref<10000xi32, #tpu.memory_space<hbm>>
      tpu.enqueue_dma source(%dma_start3A_75 : memref<10000xi32, #tpu.memory_space<hbm>>) target(%arg7 : memref<10000xi32, #tpu.memory_space<vmem>>) target_semaphore(%run_scoped3A : memref<!tpu.dma_semaphore, #tpu.memory_space<semaphore_mem>>)
      %dma_wait3A_76 = tpu.memref_slice %arg4[%multiple_of3A] : memref<320000xi32, #tpu.memory_space<hbm>> -> memref<10000xi32, #tpu.memory_space<hbm>>
      %dma_wait3A_77 = tpu.memref_slice %arg4[%multiple_of3A] : memref<320000xi32, #tpu.memory_space<hbm>> -> memref<10000xi32, #tpu.memory_space<hbm>>
      tpu.wait_dma2 semaphore(%run_scoped3A : memref<!tpu.dma_semaphore, #tpu.memory_space<semaphore_mem>>) src(%dma_wait3A_77 : memref<10000xi32, #tpu.memory_space<hbm>>) dst(%arg7 : memref<10000xi32, #tpu.memory_space<vmem>>)
      tpu.yield
    }) : () -> ()
    "tpu.region"() ({
      %run_scoped3A = tpu.sem_alloc : memref<!tpu.dma_semaphore, #tpu.memory_space<semaphore_mem>>
      %dma_start3A_74 = tpu.memref_slice %arg5[%multiple_of3A] : memref<320000xi32, #tpu.memory_space<hbm>> -> memref<10000xi32, #tpu.memory_space<hbm>>
      %dma_start3A_75 = tpu.memref_slice %arg5[%multiple_of3A] : memref<320000xi32, #tpu.memory_space<hbm>> -> memref<10000xi32, #tpu.memory_space<hbm>>
      tpu.enqueue_dma source(%dma_start3A_75 : memref<10000xi32, #tpu.memory_space<hbm>>) target(%arg8 : memref<10000xi32, #tpu.memory_space<vmem>>) target_semaphore(%run_scoped3A : memref<!tpu.dma_semaphore, #tpu.memory_space<semaphore_mem>>)
      %dma_wait3A_76 = tpu.memref_slice %arg5[%multiple_of3A] : memref<320000xi32, #tpu.memory_space<hbm>> -> memref<10000xi32, #tpu.memory_space<hbm>>
      %dma_wait3A_77 = tpu.memref_slice %arg5[%multiple_of3A] : memref<320000xi32, #tpu.memory_space<hbm>> -> memref<10000xi32, #tpu.memory_space<hbm>>
      tpu.wait_dma2 semaphore(%run_scoped3A : memref<!tpu.dma_semaphore, #tpu.memory_space<semaphore_mem>>) src(%dma_wait3A_77 : memref<10000xi32, #tpu.memory_space<hbm>>) dst(%arg8 : memref<10000xi32, #tpu.memory_space<vmem>>)
      tpu.yield
    }) : () -> ()
    %multiple_of3A_3 = arith.constant 0 : i32
    %multiple_of3A_4 = tpu.assume_multiple %multiple_of3A_3, 16 : i32
    %dma_start3A = tpu.memref_slice %arg7[%multiple_of3A_4] : memref<10000xi32, #tpu.memory_space<vmem>> -> memref<80xi32, #tpu.memory_space<vmem>>
    %dma_start3A_5 = arith.constant 0 : i32
    %dma_start3A_6 = arith.constant 0 : i32
    %dma_start3A_7 = tpu.memref_slice %arg2[%dma_start3A_5, %dma_start3A_6] : memref<10000x128xf32, #tpu.memory_space<hbm>> -> memref<10000x128xf32, #tpu.memory_space<hbm>>
    tpu.enqueue_indirect_dma source(%dma_start3A_7 : memref<10000x128xf32, #tpu.memory_space<hbm>>) target(%arg10 : memref<80x128xf32, #tpu.memory_space<vmem>>) offsets(%dma_start3A : memref<80xi32, #tpu.memory_space<vmem>>) semaphore(%arg14 : memref<!tpu.dma_semaphore, #tpu.memory_space<semaphore_mem>>)
    %multiple_of3A_8 = arith.constant 80 : i32
    %multiple_of3A_9 = tpu.assume_multiple %multiple_of3A_8, 16 : i32
    %dma_start3A_10 = tpu.memref_slice %arg7[%multiple_of3A_9] : memref<10000xi32, #tpu.memory_space<vmem>> -> memref<80xi32, #tpu.memory_space<vmem>>
    %dma_start3A_11 = arith.constant 0 : i32
    %dma_start3A_12 = arith.constant 0 : i32
    %dma_start3A_13 = tpu.memref_slice %arg2[%dma_start3A_11, %dma_start3A_12] : memref<10000x128xf32, #tpu.memory_space<hbm>> -> memref<10000x128xf32, #tpu.memory_space<hbm>>
    tpu.enqueue_indirect_dma source(%dma_start3A_13 : memref<10000x128xf32, #tpu.memory_space<hbm>>) target(%arg11 : memref<80x128xf32, #tpu.memory_space<vmem>>) offsets(%dma_start3A_10 : memref<80xi32, #tpu.memory_space<vmem>>) semaphore(%arg16 : memref<!tpu.dma_semaphore, #tpu.memory_space<semaphore_mem>>)
    %multiple_of3A_14 = arith.constant 160 : i32
    %multiple_of3A_15 = tpu.assume_multiple %multiple_of3A_14, 16 : i32
    %dma_start3A_16 = tpu.memref_slice %arg7[%multiple_of3A_15] : memref<10000xi32, #tpu.memory_space<vmem>> -> memref<80xi32, #tpu.memory_space<vmem>>
    %dma_start3A_17 = arith.constant 0 : i32
    %dma_start3A_18 = arith.constant 0 : i32
    %dma_start3A_19 = tpu.memref_slice %arg2[%dma_start3A_17, %dma_start3A_18] : memref<10000x128xf32, #tpu.memory_space<hbm>> -> memref<10000x128xf32, #tpu.memory_space<hbm>>
    tpu.enqueue_indirect_dma source(%dma_start3A_19 : memref<10000x128xf32, #tpu.memory_space<hbm>>) target(%arg12 : memref<80x128xf32, #tpu.memory_space<vmem>>) offsets(%dma_start3A_16 : memref<80xi32, #tpu.memory_space<vmem>>) semaphore(%arg18 : memref<!tpu.dma_semaphore, #tpu.memory_space<semaphore_mem>>)
    %multiple_of3A_20 = arith.constant 0 : i32
    %multiple_of3A_21 = tpu.assume_multiple %multiple_of3A_20, 16 : i32
    %dma_wait3A = tpu.memref_slice %arg7[%multiple_of3A_21] : memref<10000xi32, #tpu.memory_space<vmem>> -> memref<80xi32, #tpu.memory_space<vmem>>
    %dma_wait3A_22 = arith.constant 0 : i32
    %dma_wait3A_23 = arith.constant 0 : i32
    %dma_wait3A_24 = tpu.memref_slice %arg2[%dma_wait3A_22, %dma_wait3A_23] : memref<10000x128xf32, #tpu.memory_space<hbm>> -> memref<10000x128xf32, #tpu.memory_space<hbm>>
    tpu.wait_indirect_dma semaphore(%arg14 : memref<!tpu.dma_semaphore, #tpu.memory_space<semaphore_mem>>) src(%dma_wait3A_24 : memref<10000x128xf32, #tpu.memory_space<hbm>>) dst(%arg10 : memref<80x128xf32, #tpu.memory_space<vmem>>)
    %multiple_of3A_25 = arith.constant 0 : i32
    %multiple_of3A_26 = tpu.assume_multiple %multiple_of3A_25, 16 : i32
    %dma_start3A_27 = tpu.memref_slice %arg8[%multiple_of3A_26] : memref<10000xi32, #tpu.memory_space<vmem>> -> memref<80xi32, #tpu.memory_space<vmem>>
    %dma_start3A_28 = arith.constant 0 : i32
    %dma_start3A_29 = arith.constant 0 : i32
    %dma_start3A_30 = tpu.memref_slice %arg3[%dma_start3A_28, %dma_start3A_29] : memref<10000x128xf32, #tpu.memory_space<hbm>> -> memref<10000x128xf32, #tpu.memory_space<hbm>>
    tpu.enqueue_indirect_dma source(%dma_start3A_30 : memref<10000x128xf32, #tpu.memory_space<hbm>>) target(%arg10 : memref<80x128xf32, #tpu.memory_space<vmem>>) offsets(%dma_start3A_27 : memref<80xi32, #tpu.memory_space<vmem>>) semaphore(%arg15 : memref<!tpu.dma_semaphore, #tpu.memory_space<semaphore_mem>>) {add = true}
    %multiple_of3A_31 = arith.constant 80 : i32
    %multiple_of3A_32 = tpu.assume_multiple %multiple_of3A_31, 16 : i32
    %dma_wait3A_33 = tpu.memref_slice %arg7[%multiple_of3A_32] : memref<10000xi32, #tpu.memory_space<vmem>> -> memref<80xi32, #tpu.memory_space<vmem>>
    %dma_wait3A_34 = arith.constant 0 : i32
    %dma_wait3A_35 = arith.constant 0 : i32
    %dma_wait3A_36 = tpu.memref_slice %arg2[%dma_wait3A_34, %dma_wait3A_35] : memref<10000x128xf32, #tpu.memory_space<hbm>> -> memref<10000x128xf32, #tpu.memory_space<hbm>>
    tpu.wait_indirect_dma semaphore(%arg16 : memref<!tpu.dma_semaphore, #tpu.memory_space<semaphore_mem>>) src(%dma_wait3A_36 : memref<10000x128xf32, #tpu.memory_space<hbm>>) dst(%arg11 : memref<80x128xf32, #tpu.memory_space<vmem>>)
    %multiple_of3A_37 = arith.constant 80 : i32
    %multiple_of3A_38 = tpu.assume_multiple %multiple_of3A_37, 16 : i32
    %dma_start3A_39 = tpu.memref_slice %arg8[%multiple_of3A_38] : memref<10000xi32, #tpu.memory_space<vmem>> -> memref<80xi32, #tpu.memory_space<vmem>>
    %dma_start3A_40 = arith.constant 0 : i32
    %dma_start3A_41 = arith.constant 0 : i32
    %dma_start3A_42 = tpu.memref_slice %arg3[%dma_start3A_40, %dma_start3A_41] : memref<10000x128xf32, #tpu.memory_space<hbm>> -> memref<10000x128xf32, #tpu.memory_space<hbm>>
    tpu.enqueue_indirect_dma source(%dma_start3A_42 : memref<10000x128xf32, #tpu.memory_space<hbm>>) target(%arg11 : memref<80x128xf32, #tpu.memory_space<vmem>>) offsets(%dma_start3A_39 : memref<80xi32, #tpu.memory_space<vmem>>) semaphore(%arg17 : memref<!tpu.dma_semaphore, #tpu.memory_space<semaphore_mem>>) {add = true}
    %scan3A = arith.constant 0 : i32
    %scan3A_43 = arith.constant 41 : i32
    %scan3A_44 = arith.addi %scan3A, %scan3A_43 : i32
    %scan3A_45 = arith.constant 1 : i32
    scf.for %scan3A_74 = %scan3A to %scan3A_44 step %scan3A_45  : i32 {
      %mul3A_75 = arith.constant 3 : i32
      %mul3A_76 = arith.muli %mul3A_75, %scan3A_74 : i32
      %add3A_77 = arith.constant 0 : i32
      %add3A_78 = arith.addi %mul3A_76, %add3A_77 : i32
      %mul3A_79 = arith.constant 80 : i32
      %mul3A_80 = arith.muli %add3A_78, %mul3A_79 : i32
      %multiple_of3A_81 = tpu.assume_multiple %mul3A_80, 16 : i32
      %dma_wait3A_82 = tpu.memref_slice %arg8[%multiple_of3A_81] : memref<10000xi32, #tpu.memory_space<vmem>> -> memref<80xi32, #tpu.memory_space<vmem>>
      %dma_wait3A_83 = arith.constant 0 : i32
      %dma_wait3A_84 = arith.constant 0 : i32
      %dma_wait3A_85 = tpu.memref_slice %arg3[%dma_wait3A_83, %dma_wait3A_84] : memref<10000x128xf32, #tpu.memory_space<hbm>> -> memref<10000x128xf32, #tpu.memory_space<hbm>>
      tpu.wait_indirect_dma semaphore(%arg15 : memref<!tpu.dma_semaphore, #tpu.memory_space<semaphore_mem>>) src(%dma_wait3A_85 : memref<10000x128xf32, #tpu.memory_space<hbm>>) dst(%arg10 : memref<80x128xf32, #tpu.memory_space<vmem>>)
      %mul3A_86 = arith.constant 80 : i32
      %mul3A_87 = arith.muli %add3A_78, %mul3A_86 : i32
      %parallel_loop3A_88 = arith.constant 0 : i32
      %parallel_loop3A_89 = arith.constant 80 : i32
      %parallel_loop3A_90 = arith.constant 1 : i32
      scf.for %parallel_loop3A_177 = %parallel_loop3A_88 to %parallel_loop3A_89 step %parallel_loop3A_90  : i32 {
        %parallel_loop3A_178 = arith.constant 0.000000e+00 : f32
        %parallel_loop3A_179 = vector.broadcast %parallel_loop3A_178 : f32 to vector<16xf32>
        %parallel_loop3A_180 = arith.constant 0.000000e+00 : f32
        %parallel_loop3A_181 = vector.broadcast %parallel_loop3A_180 : f32 to vector<16xf32>
        %parallel_loop3A_182 = arith.constant 0.000000e+00 : f32
        %parallel_loop3A_183 = vector.broadcast %parallel_loop3A_182 : f32 to vector<16xf32>
        %parallel_loop3A_184 = arith.constant 0.000000e+00 : f32
        %parallel_loop3A_185 = vector.broadcast %parallel_loop3A_184 : f32 to vector<16xf32>
        %parallel_loop3A_186 = arith.index_cast %parallel_loop3A_177 : i32 to index
        %parallel_loop3A_187 = arith.constant 0 : index
        %parallel_loop3A_188 = tpu.vector_load %arg10[%parallel_loop3A_186, %parallel_loop3A_187] {strides = array<i32>} : memref<80x128xf32, #tpu.memory_space<vmem>>, vector<16xf32>,
        %parallel_loop3A_189 = arith.mulf %parallel_loop3A_188, %parallel_loop3A_188 : vector<16xf32>
        %parallel_loop3A_190 = arith.addf %parallel_loop3A_179, %parallel_loop3A_189 : vector<16xf32>
        %parallel_loop3A_191 = arith.index_cast %parallel_loop3A_177 : i32 to index
        %parallel_loop3A_192 = arith.constant 16 : index
        %parallel_loop3A_193 = tpu.vector_load %arg10[%parallel_loop3A_191, %parallel_loop3A_192] {strides = array<i32>} : memref<80x128xf32, #tpu.memory_space<vmem>>, vector<16xf32>,
        %parallel_loop3A_194 = arith.mulf %parallel_loop3A_193, %parallel_loop3A_193 : vector<16xf32>
        %parallel_loop3A_195 = arith.addf %parallel_loop3A_181, %parallel_loop3A_194 : vector<16xf32>
        %parallel_loop3A_196 = arith.index_cast %parallel_loop3A_177 : i32 to index
        %parallel_loop3A_197 = arith.constant 32 : index
        %parallel_loop3A_198 = tpu.vector_load %arg10[%parallel_loop3A_196, %parallel_loop3A_197] {strides = array<i32>} : memref<80x128xf32, #tpu.memory_space<vmem>>, vector<16xf32>,
        %parallel_loop3A_199 = arith.mulf %parallel_loop3A_198, %parallel_loop3A_198 : vector<16xf32>
        %parallel_loop3A_200 = arith.addf %parallel_loop3A_183, %parallel_loop3A_199 : vector<16xf32>
        %parallel_loop3A_201 = arith.index_cast %parallel_loop3A_177 : i32 to index
        %parallel_loop3A_202 = arith.constant 48 : index
        %parallel_loop3A_203 = tpu.vector_load %arg10[%parallel_loop3A_201, %parallel_loop3A_202] {strides = array<i32>} : memref<80x128xf32, #tpu.memory_space<vmem>>, vector<16xf32>,
        %parallel_loop3A_204 = arith.mulf %parallel_loop3A_203, %parallel_loop3A_203 : vector<16xf32>
        %parallel_loop3A_205 = arith.addf %parallel_loop3A_185, %parallel_loop3A_204 : vector<16xf32>
        %parallel_loop3A_206 = arith.index_cast %parallel_loop3A_177 : i32 to index
        %parallel_loop3A_207 = arith.constant 64 : index
        %parallel_loop3A_208 = tpu.vector_load %arg10[%parallel_loop3A_206, %parallel_loop3A_207] {strides = array<i32>} : memref<80x128xf32, #tpu.memory_space<vmem>>, vector<16xf32>,
        %parallel_loop3A_209 = arith.mulf %parallel_loop3A_208, %parallel_loop3A_208 : vector<16xf32>
        %parallel_loop3A_210 = arith.addf %parallel_loop3A_190, %parallel_loop3A_209 : vector<16xf32>
        %parallel_loop3A_211 = arith.index_cast %parallel_loop3A_177 : i32 to index
        %parallel_loop3A_212 = arith.constant 80 : index
        %parallel_loop3A_213 = tpu.vector_load %arg10[%parallel_loop3A_211, %parallel_loop3A_212] {strides = array<i32>} : memref<80x128xf32, #tpu.memory_space<vmem>>, vector<16xf32>,
        %parallel_loop3A_214 = arith.mulf %parallel_loop3A_213, %parallel_loop3A_213 : vector<16xf32>
        %parallel_loop3A_215 = arith.addf %parallel_loop3A_195, %parallel_loop3A_214 : vector<16xf32>
        %parallel_loop3A_216 = arith.index_cast %parallel_loop3A_177 : i32 to index
        %parallel_loop3A_217 = arith.constant 96 : index
        %parallel_loop3A_218 = tpu.vector_load %arg10[%parallel_loop3A_216, %parallel_loop3A_217] {strides = array<i32>} : memref<80x128xf32, #tpu.memory_space<vmem>>, vector<16xf32>,
        %parallel_loop3A_219 = arith.mulf %parallel_loop3A_218, %parallel_loop3A_218 : vector<16xf32>
        %parallel_loop3A_220 = arith.addf %parallel_loop3A_200, %parallel_loop3A_219 : vector<16xf32>
        %parallel_loop3A_221 = arith.index_cast %parallel_loop3A_177 : i32 to index
        %parallel_loop3A_222 = arith.constant 112 : index
        %parallel_loop3A_223 = tpu.vector_load %arg10[%parallel_loop3A_221, %parallel_loop3A_222] {strides = array<i32>} : memref<80x128xf32, #tpu.memory_space<vmem>>, vector<16xf32>,
        %parallel_loop3A_224 = arith.mulf %parallel_loop3A_223, %parallel_loop3A_223 : vector<16xf32>
        %parallel_loop3A_225 = arith.addf %parallel_loop3A_205, %parallel_loop3A_224 : vector<16xf32>
        %parallel_loop3A_226 = arith.addf %parallel_loop3A_210, %parallel_loop3A_215 : vector<16xf32>
        %parallel_loop3A_227 = arith.addf %parallel_loop3A_220, %parallel_loop3A_225 : vector<16xf32>
        %parallel_loop3A_228 = arith.addf %parallel_loop3A_226, %parallel_loop3A_227 : vector<16xf32>
        %parallel_loop3A_229 = arith.constant 16 : i32
        %parallel_loop3A_230 = arith.muli %parallel_loop3A_177, %parallel_loop3A_229 : i32
        %parallel_loop3A_231 = arith.index_cast %parallel_loop3A_230 : i32 to index
        %parallel_loop3A_232 = tpu.vector_load %arg13[%parallel_loop3A_231] {strides = array<i32>} : memref<1280xf32, #tpu.memory_space<vmem>>, vector<16xf32>,
        tpu.vector_store %arg13[%parallel_loop3A_231], %parallel_loop3A_228 {strides = array<i32>} : memref<1280xf32, #tpu.memory_space<vmem>>, vector<16xf32>,
      } {sc.loop_unroll_factor = 8 : i64, sc.parallel_access}
      %scan3A_91 = arith.constant 0 : i32
      %scan3A_92 = arith.constant 5 : i32
      %scan3A_93 = arith.addi %scan3A_91, %scan3A_92 : i32
      %scan3A_94 = arith.constant 1 : i32
      scf.for %scan3A_177 = %scan3A_91 to %scan3A_93 step %scan3A_94  : i32 {
        %broadcast_in_dim3A = arith.constant 0.000000e+00 : f32
        %broadcast_in_dim3A_178 = vector.broadcast %broadcast_in_dim3A : f32 to vector<16xf32>
        %iota3A = tpu.iota {dimensions = array<i32: 0>} : vector<16xi32>
        %mul3A_179 = arith.constant 16 : i32
        %mul3A_180 = vector.broadcast %mul3A_179 : i32 to vector<16xi32>
        %mul3A_181 = arith.muli %iota3A, %mul3A_180 : vector<16xi32>
        %mul3A_182 = arith.constant 256 : i32
        %mul3A_183 = arith.muli %scan3A_177, %mul3A_182 : i32
        %add3A_184 = vector.broadcast %mul3A_183 : i32 to vector<16xi32>
        %add3A_185 = arith.addi %mul3A_181, %add3A_184 : vector<16xi32>
        %add3A_186 = arith.constant 0 : i32
        %add3A_187 = vector.broadcast %add3A_186 : i32 to vector<16xi32>
        %add3A_188 = arith.addi %add3A_185, %add3A_187 : vector<16xi32>
        %gather3A = tpu.vector_load_idx %arg13[%add3A_188] : memref<1280xf32, #tpu.memory_space<vmem>>[vector<16xi32>], vector<16xf32>,
        %add3A_189 = arith.addf %broadcast_in_dim3A_178, %gather3A : vector<16xf32>
        %add3A_190 = arith.constant 1 : i32
        %add3A_191 = vector.broadcast %add3A_190 : i32 to vector<16xi32>
        %add3A_192 = arith.addi %add3A_185, %add3A_191 : vector<16xi32>
        %gather3A_193 = tpu.vector_load_idx %arg13[%add3A_192] : memref<1280xf32, #tpu.memory_space<vmem>>[vector<16xi32>], vector<16xf32>,
        %add3A_194 = arith.addf %add3A_189, %gather3A_193 : vector<16xf32>
        %add3A_195 = arith.constant 2 : i32
        %add3A_196 = vector.broadcast %add3A_195 : i32 to vector<16xi32>
        %add3A_197 = arith.addi %add3A_185, %add3A_196 : vector<16xi32>
        %gather3A_198 = tpu.vector_load_idx %arg13[%add3A_197] : memref<1280xf32, #tpu.memory_space<vmem>>[vector<16xi32>], vector<16xf32>,
        %add3A_199 = arith.addf %add3A_194, %gather3A_198 : vector<16xf32>
        %add3A_200 = arith.constant 3 : i32
        %add3A_201 = vector.broadcast %add3A_200 : i32 to vector<16xi32>
        %add3A_202 = arith.addi %add3A_185, %add3A_201 : vector<16xi32>
        %gather3A_203 = tpu.vector_load_idx %arg13[%add3A_202] : memref<1280xf32, #tpu.memory_space<vmem>>[vector<16xi32>], vector<16xf32>,
        %add3A_204 = arith.addf %add3A_199, %gather3A_203 : vector<16xf32>
        %add3A_205 = arith.constant 4 : i32
        %add3A_206 = vector.broadcast %add3A_205 : i32 to vector<16xi32>
        %add3A_207 = arith.addi %add3A_185, %add3A_206 : vector<16xi32>
        %gather3A_208 = tpu.vector_load_idx %arg13[%add3A_207] : memref<1280xf32, #tpu.memory_space<vmem>>[vector<16xi32>], vector<16xf32>,
        %add3A_209 = arith.addf %add3A_204, %gather3A_208 : vector<16xf32>
        %add3A_210 = arith.constant 5 : i32
        %add3A_211 = vector.broadcast %add3A_210 : i32 to vector<16xi32>
        %add3A_212 = arith.addi %add3A_185, %add3A_211 : vector<16xi32>
        %gather3A_213 = tpu.vector_load_idx %arg13[%add3A_212] : memref<1280xf32, #tpu.memory_space<vmem>>[vector<16xi32>], vector<16xf32>,
        %add3A_214 = arith.addf %add3A_209, %gather3A_213 : vector<16xf32>
        %add3A_215 = arith.constant 6 : i32
        %add3A_216 = vector.broadcast %add3A_215 : i32 to vector<16xi32>
        %add3A_217 = arith.addi %add3A_185, %add3A_216 : vector<16xi32>
        %gather3A_218 = tpu.vector_load_idx %arg13[%add3A_217] : memref<1280xf32, #tpu.memory_space<vmem>>[vector<16xi32>], vector<16xf32>,
        %add3A_219 = arith.addf %add3A_214, %gather3A_218 : vector<16xf32>
        %add3A_220 = arith.constant 7 : i32
        %add3A_221 = vector.broadcast %add3A_220 : i32 to vector<16xi32>
        %add3A_222 = arith.addi %add3A_185, %add3A_221 : vector<16xi32>
        %gather3A_223 = tpu.vector_load_idx %arg13[%add3A_222] : memref<1280xf32, #tpu.memory_space<vmem>>[vector<16xi32>], vector<16xf32>,
        %add3A_224 = arith.addf %add3A_219, %gather3A_223 : vector<16xf32>
        %add3A_225 = arith.constant 8 : i32
        %add3A_226 = vector.broadcast %add3A_225 : i32 to vector<16xi32>
        %add3A_227 = arith.addi %add3A_185, %add3A_226 : vector<16xi32>
        %gather3A_228 = tpu.vector_load_idx %arg13[%add3A_227] : memref<1280xf32, #tpu.memory_space<vmem>>[vector<16xi32>], vector<16xf32>,
        %add3A_229 = arith.addf %add3A_224, %gather3A_228 : vector<16xf32>
        %add3A_230 = arith.constant 9 : i32
        %add3A_231 = vector.broadcast %add3A_230 : i32 to vector<16xi32>
        %add3A_232 = arith.addi %add3A_185, %add3A_231 : vector<16xi32>
        %gather3A_233 = tpu.vector_load_idx %arg13[%add3A_232] : memref<1280xf32, #tpu.memory_space<vmem>>[vector<16xi32>], vector<16xf32>,
        %add3A_234 = arith.addf %add3A_229, %gather3A_233 : vector<16xf32>
        %add3A_235 = arith.constant 10 : i32
        %add3A_236 = vector.broadcast %add3A_235 : i32 to vector<16xi32>
        %add3A_237 = arith.addi %add3A_185, %add3A_236 : vector<16xi32>
        %gather3A_238 = tpu.vector_load_idx %arg13[%add3A_237] : memref<1280xf32, #tpu.memory_space<vmem>>[vector<16xi32>], vector<16xf32>,
        %add3A_239 = arith.addf %add3A_234, %gather3A_238 : vector<16xf32>
        %add3A_240 = arith.constant 11 : i32
        %add3A_241 = vector.broadcast %add3A_240 : i32 to vector<16xi32>
        %add3A_242 = arith.addi %add3A_185, %add3A_241 : vector<16xi32>
        %gather3A_243 = tpu.vector_load_idx %arg13[%add3A_242] : memref<1280xf32, #tpu.memory_space<vmem>>[vector<16xi32>], vector<16xf32>,
        %add3A_244 = arith.addf %add3A_239, %gather3A_243 : vector<16xf32>
        %add3A_245 = arith.constant 12 : i32
        %add3A_246 = vector.broadcast %add3A_245 : i32 to vector<16xi32>
        %add3A_247 = arith.addi %add3A_185, %add3A_246 : vector<16xi32>
        %gather3A_248 = tpu.vector_load_idx %arg13[%add3A_247] : memref<1280xf32, #tpu.memory_space<vmem>>[vector<16xi32>], vector<16xf32>,
        %add3A_249 = arith.addf %add3A_244, %gather3A_248 : vector<16xf32>
        %add3A_250 = arith.constant 13 : i32
        %add3A_251 = vector.broadcast %add3A_250 : i32 to vector<16xi32>
        %add3A_252 = arith.addi %add3A_185, %add3A_251 : vector<16xi32>
        %gather3A_253 = tpu.vector_load_idx %arg13[%add3A_252] : memref<1280xf32, #tpu.memory_space<vmem>>[vector<16xi32>], vector<16xf32>,
        %add3A_254 = arith.addf %add3A_249, %gather3A_253 : vector<16xf32>
        %add3A_255 = arith.constant 14 : i32
        %add3A_256 = vector.broadcast %add3A_255 : i32 to vector<16xi32>
        %add3A_257 = arith.addi %add3A_185, %add3A_256 : vector<16xi32>
        %gather3A_258 = tpu.vector_load_idx %arg13[%add3A_257] : memref<1280xf32, #tpu.memory_space<vmem>>[vector<16xi32>], vector<16xf32>,
        %add3A_259 = arith.addf %add3A_254, %gather3A_258 : vector<16xf32>
        %add3A_260 = arith.constant 15 : i32
        %add3A_261 = vector.broadcast %add3A_260 : i32 to vector<16xi32>
        %add3A_262 = arith.addi %add3A_185, %add3A_261 : vector<16xi32>
        %gather3A_263 = tpu.vector_load_idx %arg13[%add3A_262] : memref<1280xf32, #tpu.memory_space<vmem>>[vector<16xi32>], vector<16xf32>,
        %add3A_264 = arith.addf %add3A_259, %gather3A_263 : vector<16xf32>
        %max3A = arith.constant 1.000000e-30 : f32
        %max3A_265 = vector.broadcast %max3A : f32 to vector<16xf32>
        %max3A_266 = arith.maximumf %add3A_264, %max3A_265 : vector<16xf32>
        %bitcast3A = vector.bitcast %max3A_266 : vector<16xf32> to vector<16xi32>
        %shift_right_arithmetic3A = arith.constant 1 : i32
        %shift_right_arithmetic3A_267 = vector.broadcast %shift_right_arithmetic3A : i32 to vector<16xi32>
        %shift_right_arithmetic3A_268 = arith.shrsi %bitcast3A, %shift_right_arithmetic3A_267 : vector<16xi32>
        %sub3A = arith.constant 1597463007 : i32
        %sub3A_269 = vector.broadcast %sub3A : i32 to vector<16xi32>
        %sub3A_270 = arith.subi %sub3A_269, %shift_right_arithmetic3A_268 : vector<16xi32>
        %bitcast3A_271 = vector.bitcast %sub3A_270 : vector<16xi32> to vector<16xf32>
        %mul3A_272 = arith.constant 5.000000e-01 : f32
        %mul3A_273 = vector.broadcast %mul3A_272 : f32 to vector<16xf32>
        %mul3A_274 = arith.mulf %mul3A_273, %max3A_266 : vector<16xf32>
        %mul3A_275 = arith.mulf %mul3A_274, %bitcast3A_271 : vector<16xf32>
        %mul3A_276 = arith.mulf %mul3A_275, %bitcast3A_271 : vector<16xf32>
        %sub3A_277 = arith.constant 1.500000e+00 : f32
        %sub3A_278 = vector.broadcast %sub3A_277 : f32 to vector<16xf32>
        %sub3A_279 = arith.subf %sub3A_278, %mul3A_276 : vector<16xf32>
        %mul3A_280 = arith.mulf %bitcast3A_271, %sub3A_279 : vector<16xf32>
        %mul3A_281 = arith.constant 5.000000e-01 : f32
        %mul3A_282 = vector.broadcast %mul3A_281 : f32 to vector<16xf32>
        %mul3A_283 = arith.mulf %mul3A_282, %max3A_266 : vector<16xf32>
        %mul3A_284 = arith.mulf %mul3A_283, %mul3A_280 : vector<16xf32>
        %mul3A_285 = arith.mulf %mul3A_284, %mul3A_280 : vector<16xf32>
        %sub3A_286 = arith.constant 1.500000e+00 : f32
        %sub3A_287 = vector.broadcast %sub3A_286 : f32 to vector<16xf32>
        %sub3A_288 = arith.subf %sub3A_287, %mul3A_285 : vector<16xf32>
        %mul3A_289 = arith.mulf %mul3A_280, %sub3A_288 : vector<16xf32>
        %mul3A_290 = arith.constant 5.000000e-01 : f32
        %mul3A_291 = vector.broadcast %mul3A_290 : f32 to vector<16xf32>
        %mul3A_292 = arith.mulf %mul3A_291, %max3A_266 : vector<16xf32>
        %mul3A_293 = arith.mulf %mul3A_292, %mul3A_289 : vector<16xf32>
        %mul3A_294 = arith.mulf %mul3A_293, %mul3A_289 : vector<16xf32>
        %sub3A_295 = arith.constant 1.500000e+00 : f32
        %sub3A_296 = vector.broadcast %sub3A_295 : f32 to vector<16xf32>
        %sub3A_297 = arith.subf %sub3A_296, %mul3A_294 : vector<16xf32>
        %mul3A_298 = arith.mulf %mul3A_289, %sub3A_297 : vector<16xf32>
        %mul3A_299 = arith.mulf %max3A_266, %mul3A_298 : vector<16xf32>
        %sub3A_300 = arith.constant 1.000000e+00 : f32
        %sub3A_301 = vector.broadcast %sub3A_300 : f32 to vector<16xf32>
        %sub3A_302 = arith.subf %mul3A_299, %sub3A_301 : vector<16xf32>
        %exp3A = math.exp %sub3A_302 : vector<16xf32>
        %add3A_303 = arith.constant 1.000000e+00 : f32
        %add3A_304 = vector.broadcast %add3A_303 : f32 to vector<16xf32>
        %add3A_305 = arith.addf %add3A_304, %exp3A : vector<16xf32>
        %div3A = arith.constant 1.000000e+00 : f32
        %div3A_306 = vector.broadcast %div3A : f32 to vector<16xf32>
        %div3A_307 = arith.divf %div3A_306, %add3A_305 : vector<16xf32>
        %mul3A_308 = arith.constant 16 : i32
        %mul3A_309 = arith.muli %scan3A_177, %mul3A_308 : i32
        %add3A_310 = arith.addi %mul3A_87, %mul3A_309 : i32
        %swap3A = arith.index_cast %add3A_310 : i32 to index
        %swap3A_311 = tpu.vector_load %arg9[%swap3A] {strides = array<i32>} : memref<10000xf32, #tpu.memory_space<vmem>>, vector<16xf32>,
        tpu.vector_store %arg9[%swap3A], %div3A_307 {strides = array<i32>} : memref<10000xf32, #tpu.memory_space<vmem>>, vector<16xf32>,
      }
      %scan3A_95 = arith.constant 5 : i32
      %add3A_96 = arith.constant 3 : i32
      %add3A_97 = arith.addi %add3A_78, %add3A_96 : i32
      %lt3A = arith.constant 125 : i32
      %lt3A_98 = arith.cmpi slt, %add3A_97, %lt3A : i32
      %convert_element_type3A = arith.extui %lt3A_98 : i1 to i32
      %cond3A = arith.constant 0 : i32
      %cond3A_99 = arith.cmpi ne, %convert_element_type3A, %cond3A : i32
      scf.if %cond3A_99 {
        %add3A_177 = arith.constant 3 : i32
        %add3A_178 = arith.addi %add3A_78, %add3A_177 : i32
        %mul3A_179 = arith.constant 80 : i32
        %mul3A_180 = arith.muli %add3A_178, %mul3A_179 : i32
        %multiple_of3A_181 = tpu.assume_multiple %mul3A_180, 16 : i32
        %dma_start3A_182 = tpu.memref_slice %arg7[%multiple_of3A_181] : memref<10000xi32, #tpu.memory_space<vmem>> -> memref<80xi32, #tpu.memory_space<vmem>>
        %dma_start3A_183 = arith.constant 0 : i32
        %dma_start3A_184 = arith.constant 0 : i32
        %dma_start3A_185 = tpu.memref_slice %arg2[%dma_start3A_183, %dma_start3A_184] : memref<10000x128xf32, #tpu.memory_space<hbm>> -> memref<10000x128xf32, #tpu.memory_space<hbm>>
        tpu.enqueue_indirect_dma source(%dma_start3A_185 : memref<10000x128xf32, #tpu.memory_space<hbm>>) target(%arg10 : memref<80x128xf32, #tpu.memory_space<vmem>>) offsets(%dma_start3A_182 : memref<80xi32, #tpu.memory_space<vmem>>) semaphore(%arg14 : memref<!tpu.dma_semaphore, #tpu.memory_space<semaphore_mem>>)
      } else {
      }
      %add3A_100 = arith.constant 2 : i32
      %add3A_101 = arith.addi %add3A_78, %add3A_100 : i32
      %lt3A_102 = arith.constant 125 : i32
      %lt3A_103 = arith.cmpi slt, %add3A_101, %lt3A_102 : i32
      %convert_element_type3A_104 = arith.extui %lt3A_103 : i1 to i32
      %cond3A_105 = arith.constant 0 : i32
      %cond3A_106 = arith.cmpi ne, %convert_element_type3A_104, %cond3A_105 : i32
      scf.if %cond3A_106 {
        %add3A_177 = arith.constant 2 : i32
        %add3A_178 = arith.addi %add3A_78, %add3A_177 : i32
        %mul3A_179 = arith.constant 80 : i32
        %mul3A_180 = arith.muli %add3A_178, %mul3A_179 : i32
        %multiple_of3A_181 = tpu.assume_multiple %mul3A_180, 16 : i32
        %dma_wait3A_182 = tpu.memref_slice %arg7[%multiple_of3A_181] : memref<10000xi32, #tpu.memory_space<vmem>> -> memref<80xi32, #tpu.memory_space<vmem>>
        %dma_wait3A_183 = arith.constant 0 : i32
        %dma_wait3A_184 = arith.constant 0 : i32
        %dma_wait3A_185 = tpu.memref_slice %arg2[%dma_wait3A_183, %dma_wait3A_184] : memref<10000x128xf32, #tpu.memory_space<hbm>> -> memref<10000x128xf32, #tpu.memory_space<hbm>>
        tpu.wait_indirect_dma semaphore(%arg18 : memref<!tpu.dma_semaphore, #tpu.memory_space<semaphore_mem>>) src(%dma_wait3A_185 : memref<10000x128xf32, #tpu.memory_space<hbm>>) dst(%arg12 : memref<80x128xf32, #tpu.memory_space<vmem>>)
        %mul3A_186 = arith.constant 80 : i32
        %mul3A_187 = arith.muli %add3A_178, %mul3A_186 : i32
        %multiple_of3A_188 = tpu.assume_multiple %mul3A_187, 16 : i32
        %dma_start3A_189 = tpu.memref_slice %arg8[%multiple_of3A_188] : memref<10000xi32, #tpu.memory_space<vmem>> -> memref<80xi32, #tpu.memory_space<vmem>>
        %dma_start3A_190 = arith.constant 0 : i32
        %dma_start3A_191 = arith.constant 0 : i32
        %dma_start3A_192 = tpu.memref_slice %arg3[%dma_start3A_190, %dma_start3A_191] : memref<10000x128xf32, #tpu.memory_space<hbm>> -> memref<10000x128xf32, #tpu.memory_space<hbm>>
        tpu.enqueue_indirect_dma source(%dma_start3A_192 : memref<10000x128xf32, #tpu.memory_space<hbm>>) target(%arg12 : memref<80x128xf32, #tpu.memory_space<vmem>>) offsets(%dma_start3A_189 : memref<80xi32, #tpu.memory_space<vmem>>) semaphore(%arg19 : memref<!tpu.dma_semaphore, #tpu.memory_space<semaphore_mem>>) {add = true}
      } else {
      }
      %mul3A_107 = arith.constant 3 : i32
      %mul3A_108 = arith.muli %mul3A_107, %scan3A_74 : i32
      %add3A_109 = arith.constant 1 : i32
      %add3A_110 = arith.addi %mul3A_108, %add3A_109 : i32
      %mul3A_111 = arith.constant 80 : i32
      %mul3A_112 = arith.muli %add3A_110, %mul3A_111 : i32
      %multiple_of3A_113 = tpu.assume_multiple %mul3A_112, 16 : i32
      %dma_wait3A_114 = tpu.memref_slice %arg8[%multiple_of3A_113] : memref<10000xi32, #tpu.memory_space<vmem>> -> memref<80xi32, #tpu.memory_space<vmem>>
      %dma_wait3A_115 = arith.constant 0 : i32
      %dma_wait3A_116 = arith.constant 0 : i32
      %dma_wait3A_117 = tpu.memref_slice %arg3[%dma_wait3A_115, %dma_wait3A_116] : memref<10000x128xf32, #tpu.memory_space<hbm>> -> memref<10000x128xf32, #tpu.memory_space<hbm>>
      tpu.wait_indirect_dma semaphore(%arg17 : memref<!tpu.dma_semaphore, #tpu.memory_space<semaphore_mem>>) src(%dma_wait3A_117 : memref<10000x128xf32, #tpu.memory_space<hbm>>) dst(%arg11 : memref<80x128xf32, #tpu.memory_space<vmem>>)
      %mul3A_118 = arith.constant 80 : i32
      %mul3A_119 = arith.muli %add3A_110, %mul3A_118 : i32
      %parallel_loop3A_120 = arith.constant 0 : i32
      %parallel_loop3A_121 = arith.constant 80 : i32
      %parallel_loop3A_122 = arith.constant 1 : i32
      scf.for %parallel_loop3A_177 = %parallel_loop3A_120 to %parallel_loop3A_121 step %parallel_loop3A_122  : i32 {
        %parallel_loop3A_178 = arith.constant 0.000000e+00 : f32
        %parallel_loop3A_179 = vector.broadcast %parallel_loop3A_178 : f32 to vector<16xf32>
        %parallel_loop3A_180 = arith.constant 0.000000e+00 : f32
        %parallel_loop3A_181 = vector.broadcast %parallel_loop3A_180 : f32 to vector<16xf32>
        %parallel_loop3A_182 = arith.constant 0.000000e+00 : f32
        %parallel_loop3A_183 = vector.broadcast %parallel_loop3A_182 : f32 to vector<16xf32>
        %parallel_loop3A_184 = arith.constant 0.000000e+00 : f32
        %parallel_loop3A_185 = vector.broadcast %parallel_loop3A_184 : f32 to vector<16xf32>
        %parallel_loop3A_186 = arith.index_cast %parallel_loop3A_177 : i32 to index
        %parallel_loop3A_187 = arith.constant 0 : index
        %parallel_loop3A_188 = tpu.vector_load %arg11[%parallel_loop3A_186, %parallel_loop3A_187] {strides = array<i32>} : memref<80x128xf32, #tpu.memory_space<vmem>>, vector<16xf32>,
        %parallel_loop3A_189 = arith.mulf %parallel_loop3A_188, %parallel_loop3A_188 : vector<16xf32>
        %parallel_loop3A_190 = arith.addf %parallel_loop3A_179, %parallel_loop3A_189 : vector<16xf32>
        %parallel_loop3A_191 = arith.index_cast %parallel_loop3A_177 : i32 to index
        %parallel_loop3A_192 = arith.constant 16 : index
        %parallel_loop3A_193 = tpu.vector_load %arg11[%parallel_loop3A_191, %parallel_loop3A_192] {strides = array<i32>} : memref<80x128xf32, #tpu.memory_space<vmem>>, vector<16xf32>,
        %parallel_loop3A_194 = arith.mulf %parallel_loop3A_193, %parallel_loop3A_193 : vector<16xf32>
        %parallel_loop3A_195 = arith.addf %parallel_loop3A_181, %parallel_loop3A_194 : vector<16xf32>
        %parallel_loop3A_196 = arith.index_cast %parallel_loop3A_177 : i32 to index
        %parallel_loop3A_197 = arith.constant 32 : index
        %parallel_loop3A_198 = tpu.vector_load %arg11[%parallel_loop3A_196, %parallel_loop3A_197] {strides = array<i32>} : memref<80x128xf32, #tpu.memory_space<vmem>>, vector<16xf32>,
        %parallel_loop3A_199 = arith.mulf %parallel_loop3A_198, %parallel_loop3A_198 : vector<16xf32>
        %parallel_loop3A_200 = arith.addf %parallel_loop3A_183, %parallel_loop3A_199 : vector<16xf32>
        %parallel_loop3A_201 = arith.index_cast %parallel_loop3A_177 : i32 to index
        %parallel_loop3A_202 = arith.constant 48 : index
        %parallel_loop3A_203 = tpu.vector_load %arg11[%parallel_loop3A_201, %parallel_loop3A_202] {strides = array<i32>} : memref<80x128xf32, #tpu.memory_space<vmem>>, vector<16xf32>,
        %parallel_loop3A_204 = arith.mulf %parallel_loop3A_203, %parallel_loop3A_203 : vector<16xf32>
        %parallel_loop3A_205 = arith.addf %parallel_loop3A_185, %parallel_loop3A_204 : vector<16xf32>
        %parallel_loop3A_206 = arith.index_cast %parallel_loop3A_177 : i32 to index
        %parallel_loop3A_207 = arith.constant 64 : index
        %parallel_loop3A_208 = tpu.vector_load %arg11[%parallel_loop3A_206, %parallel_loop3A_207] {strides = array<i32>} : memref<80x128xf32, #tpu.memory_space<vmem>>, vector<16xf32>,
        %parallel_loop3A_209 = arith.mulf %parallel_loop3A_208, %parallel_loop3A_208 : vector<16xf32>
        %parallel_loop3A_210 = arith.addf %parallel_loop3A_190, %parallel_loop3A_209 : vector<16xf32>
        %parallel_loop3A_211 = arith.index_cast %parallel_loop3A_177 : i32 to index
        %parallel_loop3A_212 = arith.constant 80 : index
        %parallel_loop3A_213 = tpu.vector_load %arg11[%parallel_loop3A_211, %parallel_loop3A_212] {strides = array<i32>} : memref<80x128xf32, #tpu.memory_space<vmem>>, vector<16xf32>,
        %parallel_loop3A_214 = arith.mulf %parallel_loop3A_213, %parallel_loop3A_213 : vector<16xf32>
        %parallel_loop3A_215 = arith.addf %parallel_loop3A_195, %parallel_loop3A_214 : vector<16xf32>
        %parallel_loop3A_216 = arith.index_cast %parallel_loop3A_177 : i32 to index
        %parallel_loop3A_217 = arith.constant 96 : index
        %parallel_loop3A_218 = tpu.vector_load %arg11[%parallel_loop3A_216, %parallel_loop3A_217] {strides = array<i32>} : memref<80x128xf32, #tpu.memory_space<vmem>>, vector<16xf32>,
        %parallel_loop3A_219 = arith.mulf %parallel_loop3A_218, %parallel_loop3A_218 : vector<16xf32>
        %parallel_loop3A_220 = arith.addf %parallel_loop3A_200, %parallel_loop3A_219 : vector<16xf32>
        %parallel_loop3A_221 = arith.index_cast %parallel_loop3A_177 : i32 to index
        %parallel_loop3A_222 = arith.constant 112 : index
        %parallel_loop3A_223 = tpu.vector_load %arg11[%parallel_loop3A_221, %parallel_loop3A_222] {strides = array<i32>} : memref<80x128xf32, #tpu.memory_space<vmem>>, vector<16xf32>,
        %parallel_loop3A_224 = arith.mulf %parallel_loop3A_223, %parallel_loop3A_223 : vector<16xf32>
        %parallel_loop3A_225 = arith.addf %parallel_loop3A_205, %parallel_loop3A_224 : vector<16xf32>
        %parallel_loop3A_226 = arith.addf %parallel_loop3A_210, %parallel_loop3A_215 : vector<16xf32>
        %parallel_loop3A_227 = arith.addf %parallel_loop3A_220, %parallel_loop3A_225 : vector<16xf32>
        %parallel_loop3A_228 = arith.addf %parallel_loop3A_226, %parallel_loop3A_227 : vector<16xf32>
        %parallel_loop3A_229 = arith.constant 16 : i32
        %parallel_loop3A_230 = arith.muli %parallel_loop3A_177, %parallel_loop3A_229 : i32
        %parallel_loop3A_231 = arith.index_cast %parallel_loop3A_230 : i32 to index
        %parallel_loop3A_232 = tpu.vector_load %arg13[%parallel_loop3A_231] {strides = array<i32>} : memref<1280xf32, #tpu.memory_space<vmem>>, vector<16xf32>,
        tpu.vector_store %arg13[%parallel_loop3A_231], %parallel_loop3A_228 {strides = array<i32>} : memref<1280xf32, #tpu.memory_space<vmem>>, vector<16xf32>,
      } {sc.loop_unroll_factor = 8 : i64, sc.parallel_access}
      %scan3A_123 = arith.constant 0 : i32
      %scan3A_124 = arith.constant 5 : i32
      %scan3A_125 = arith.addi %scan3A_123, %scan3A_124 : i32
      %scan3A_126 = arith.constant 1 : i32
      scf.for %scan3A_177 = %scan3A_123 to %scan3A_125 step %scan3A_126  : i32 {
        %broadcast_in_dim3A = arith.constant 0.000000e+00 : f32
        %broadcast_in_dim3A_178 = vector.broadcast %broadcast_in_dim3A : f32 to vector<16xf32>
        %iota3A = tpu.iota {dimensions = array<i32: 0>} : vector<16xi32>
        %mul3A_179 = arith.constant 16 : i32
        %mul3A_180 = vector.broadcast %mul3A_179 : i32 to vector<16xi32>
        %mul3A_181 = arith.muli %iota3A, %mul3A_180 : vector<16xi32>
        %mul3A_182 = arith.constant 256 : i32
        %mul3A_183 = arith.muli %scan3A_177, %mul3A_182 : i32
        %add3A_184 = vector.broadcast %mul3A_183 : i32 to vector<16xi32>
        %add3A_185 = arith.addi %mul3A_181, %add3A_184 : vector<16xi32>
        %add3A_186 = arith.constant 0 : i32
        %add3A_187 = vector.broadcast %add3A_186 : i32 to vector<16xi32>
        %add3A_188 = arith.addi %add3A_185, %add3A_187 : vector<16xi32>
        %gather3A = tpu.vector_load_idx %arg13[%add3A_188] : memref<1280xf32, #tpu.memory_space<vmem>>[vector<16xi32>], vector<16xf32>,
        %add3A_189 = arith.addf %broadcast_in_dim3A_178, %gather3A : vector<16xf32>
        %add3A_190 = arith.constant 1 : i32
        %add3A_191 = vector.broadcast %add3A_190 : i32 to vector<16xi32>
        %add3A_192 = arith.addi %add3A_185, %add3A_191 : vector<16xi32>
        %gather3A_193 = tpu.vector_load_idx %arg13[%add3A_192] : memref<1280xf32, #tpu.memory_space<vmem>>[vector<16xi32>], vector<16xf32>,
        %add3A_194 = arith.addf %add3A_189, %gather3A_193 : vector<16xf32>
        %add3A_195 = arith.constant 2 : i32
        %add3A_196 = vector.broadcast %add3A_195 : i32 to vector<16xi32>
        %add3A_197 = arith.addi %add3A_185, %add3A_196 : vector<16xi32>
        %gather3A_198 = tpu.vector_load_idx %arg13[%add3A_197] : memref<1280xf32, #tpu.memory_space<vmem>>[vector<16xi32>], vector<16xf32>,
        %add3A_199 = arith.addf %add3A_194, %gather3A_198 : vector<16xf32>
        %add3A_200 = arith.constant 3 : i32
        %add3A_201 = vector.broadcast %add3A_200 : i32 to vector<16xi32>
        %add3A_202 = arith.addi %add3A_185, %add3A_201 : vector<16xi32>
        %gather3A_203 = tpu.vector_load_idx %arg13[%add3A_202] : memref<1280xf32, #tpu.memory_space<vmem>>[vector<16xi32>], vector<16xf32>,
        %add3A_204 = arith.addf %add3A_199, %gather3A_203 : vector<16xf32>
        %add3A_205 = arith.constant 4 : i32
        %add3A_206 = vector.broadcast %add3A_205 : i32 to vector<16xi32>
        %add3A_207 = arith.addi %add3A_185, %add3A_206 : vector<16xi32>
        %gather3A_208 = tpu.vector_load_idx %arg13[%add3A_207] : memref<1280xf32, #tpu.memory_space<vmem>>[vector<16xi32>], vector<16xf32>,
        %add3A_209 = arith.addf %add3A_204, %gather3A_208 : vector<16xf32>
        %add3A_210 = arith.constant 5 : i32
        %add3A_211 = vector.broadcast %add3A_210 : i32 to vector<16xi32>
        %add3A_212 = arith.addi %add3A_185, %add3A_211 : vector<16xi32>
        %gather3A_213 = tpu.vector_load_idx %arg13[%add3A_212] : memref<1280xf32, #tpu.memory_space<vmem>>[vector<16xi32>], vector<16xf32>,
        %add3A_214 = arith.addf %add3A_209, %gather3A_213 : vector<16xf32>
        %add3A_215 = arith.constant 6 : i32
        %add3A_216 = vector.broadcast %add3A_215 : i32 to vector<16xi32>
        %add3A_217 = arith.addi %add3A_185, %add3A_216 : vector<16xi32>
        %gather3A_218 = tpu.vector_load_idx %arg13[%add3A_217] : memref<1280xf32, #tpu.memory_space<vmem>>[vector<16xi32>], vector<16xf32>,
        %add3A_219 = arith.addf %add3A_214, %gather3A_218 : vector<16xf32>
        %add3A_220 = arith.constant 7 : i32
        %add3A_221 = vector.broadcast %add3A_220 : i32 to vector<16xi32>
        %add3A_222 = arith.addi %add3A_185, %add3A_221 : vector<16xi32>
        %gather3A_223 = tpu.vector_load_idx %arg13[%add3A_222] : memref<1280xf32, #tpu.memory_space<vmem>>[vector<16xi32>], vector<16xf32>,
        %add3A_224 = arith.addf %add3A_219, %gather3A_223 : vector<16xf32>
        %add3A_225 = arith.constant 8 : i32
        %add3A_226 = vector.broadcast %add3A_225 : i32 to vector<16xi32>
        %add3A_227 = arith.addi %add3A_185, %add3A_226 : vector<16xi32>
        %gather3A_228 = tpu.vector_load_idx %arg13[%add3A_227] : memref<1280xf32, #tpu.memory_space<vmem>>[vector<16xi32>], vector<16xf32>,
        %add3A_229 = arith.addf %add3A_224, %gather3A_228 : vector<16xf32>
        %add3A_230 = arith.constant 9 : i32
        %add3A_231 = vector.broadcast %add3A_230 : i32 to vector<16xi32>
        %add3A_232 = arith.addi %add3A_185, %add3A_231 : vector<16xi32>
        %gather3A_233 = tpu.vector_load_idx %arg13[%add3A_232] : memref<1280xf32, #tpu.memory_space<vmem>>[vector<16xi32>], vector<16xf32>,
        %add3A_234 = arith.addf %add3A_229, %gather3A_233 : vector<16xf32>
        %add3A_235 = arith.constant 10 : i32
        %add3A_236 = vector.broadcast %add3A_235 : i32 to vector<16xi32>
        %add3A_237 = arith.addi %add3A_185, %add3A_236 : vector<16xi32>
        %gather3A_238 = tpu.vector_load_idx %arg13[%add3A_237] : memref<1280xf32, #tpu.memory_space<vmem>>[vector<16xi32>], vector<16xf32>,
        %add3A_239 = arith.addf %add3A_234, %gather3A_238 : vector<16xf32>
        %add3A_240 = arith.constant 11 : i32
        %add3A_241 = vector.broadcast %add3A_240 : i32 to vector<16xi32>
        %add3A_242 = arith.addi %add3A_185, %add3A_241 : vector<16xi32>
        %gather3A_243 = tpu.vector_load_idx %arg13[%add3A_242] : memref<1280xf32, #tpu.memory_space<vmem>>[vector<16xi32>], vector<16xf32>,
        %add3A_244 = arith.addf %add3A_239, %gather3A_243 : vector<16xf32>
        %add3A_245 = arith.constant 12 : i32
        %add3A_246 = vector.broadcast %add3A_245 : i32 to vector<16xi32>
        %add3A_247 = arith.addi %add3A_185, %add3A_246 : vector<16xi32>
        %gather3A_248 = tpu.vector_load_idx %arg13[%add3A_247] : memref<1280xf32, #tpu.memory_space<vmem>>[vector<16xi32>], vector<16xf32>,
        %add3A_249 = arith.addf %add3A_244, %gather3A_248 : vector<16xf32>
        %add3A_250 = arith.constant 13 : i32
        %add3A_251 = vector.broadcast %add3A_250 : i32 to vector<16xi32>
        %add3A_252 = arith.addi %add3A_185, %add3A_251 : vector<16xi32>
        %gather3A_253 = tpu.vector_load_idx %arg13[%add3A_252] : memref<1280xf32, #tpu.memory_space<vmem>>[vector<16xi32>], vector<16xf32>,
        %add3A_254 = arith.addf %add3A_249, %gather3A_253 : vector<16xf32>
        %add3A_255 = arith.constant 14 : i32
        %add3A_256 = vector.broadcast %add3A_255 : i32 to vector<16xi32>
        %add3A_257 = arith.addi %add3A_185, %add3A_256 : vector<16xi32>
        %gather3A_258 = tpu.vector_load_idx %arg13[%add3A_257] : memref<1280xf32, #tpu.memory_space<vmem>>[vector<16xi32>], vector<16xf32>,
        %add3A_259 = arith.addf %add3A_254, %gather3A_258 : vector<16xf32>
        %add3A_260 = arith.constant 15 : i32
        %add3A_261 = vector.broadcast %add3A_260 : i32 to vector<16xi32>
        %add3A_262 = arith.addi %add3A_185, %add3A_261 : vector<16xi32>
        %gather3A_263 = tpu.vector_load_idx %arg13[%add3A_262] : memref<1280xf32, #tpu.memory_space<vmem>>[vector<16xi32>], vector<16xf32>,
        %add3A_264 = arith.addf %add3A_259, %gather3A_263 : vector<16xf32>
        %max3A = arith.constant 1.000000e-30 : f32
        %max3A_265 = vector.broadcast %max3A : f32 to vector<16xf32>
        %max3A_266 = arith.maximumf %add3A_264, %max3A_265 : vector<16xf32>
        %bitcast3A = vector.bitcast %max3A_266 : vector<16xf32> to vector<16xi32>
        %shift_right_arithmetic3A = arith.constant 1 : i32
        %shift_right_arithmetic3A_267 = vector.broadcast %shift_right_arithmetic3A : i32 to vector<16xi32>
        %shift_right_arithmetic3A_268 = arith.shrsi %bitcast3A, %shift_right_arithmetic3A_267 : vector<16xi32>
        %sub3A = arith.constant 1597463007 : i32
        %sub3A_269 = vector.broadcast %sub3A : i32 to vector<16xi32>
        %sub3A_270 = arith.subi %sub3A_269, %shift_right_arithmetic3A_268 : vector<16xi32>
        %bitcast3A_271 = vector.bitcast %sub3A_270 : vector<16xi32> to vector<16xf32>
        %mul3A_272 = arith.constant 5.000000e-01 : f32
        %mul3A_273 = vector.broadcast %mul3A_272 : f32 to vector<16xf32>
        %mul3A_274 = arith.mulf %mul3A_273, %max3A_266 : vector<16xf32>
        %mul3A_275 = arith.mulf %mul3A_274, %bitcast3A_271 : vector<16xf32>
        %mul3A_276 = arith.mulf %mul3A_275, %bitcast3A_271 : vector<16xf32>
        %sub3A_277 = arith.constant 1.500000e+00 : f32
        %sub3A_278 = vector.broadcast %sub3A_277 : f32 to vector<16xf32>
        %sub3A_279 = arith.subf %sub3A_278, %mul3A_276 : vector<16xf32>
        %mul3A_280 = arith.mulf %bitcast3A_271, %sub3A_279 : vector<16xf32>
        %mul3A_281 = arith.constant 5.000000e-01 : f32
        %mul3A_282 = vector.broadcast %mul3A_281 : f32 to vector<16xf32>
        %mul3A_283 = arith.mulf %mul3A_282, %max3A_266 : vector<16xf32>
        %mul3A_284 = arith.mulf %mul3A_283, %mul3A_280 : vector<16xf32>
        %mul3A_285 = arith.mulf %mul3A_284, %mul3A_280 : vector<16xf32>
        %sub3A_286 = arith.constant 1.500000e+00 : f32
        %sub3A_287 = vector.broadcast %sub3A_286 : f32 to vector<16xf32>
        %sub3A_288 = arith.subf %sub3A_287, %mul3A_285 : vector<16xf32>
        %mul3A_289 = arith.mulf %mul3A_280, %sub3A_288 : vector<16xf32>
        %mul3A_290 = arith.constant 5.000000e-01 : f32
        %mul3A_291 = vector.broadcast %mul3A_290 : f32 to vector<16xf32>
        %mul3A_292 = arith.mulf %mul3A_291, %max3A_266 : vector<16xf32>
        %mul3A_293 = arith.mulf %mul3A_292, %mul3A_289 : vector<16xf32>
        %mul3A_294 = arith.mulf %mul3A_293, %mul3A_289 : vector<16xf32>
        %sub3A_295 = arith.constant 1.500000e+00 : f32
        %sub3A_296 = vector.broadcast %sub3A_295 : f32 to vector<16xf32>
        %sub3A_297 = arith.subf %sub3A_296, %mul3A_294 : vector<16xf32>
        %mul3A_298 = arith.mulf %mul3A_289, %sub3A_297 : vector<16xf32>
        %mul3A_299 = arith.mulf %max3A_266, %mul3A_298 : vector<16xf32>
        %sub3A_300 = arith.constant 1.000000e+00 : f32
        %sub3A_301 = vector.broadcast %sub3A_300 : f32 to vector<16xf32>
        %sub3A_302 = arith.subf %mul3A_299, %sub3A_301 : vector<16xf32>
        %exp3A = math.exp %sub3A_302 : vector<16xf32>
        %add3A_303 = arith.constant 1.000000e+00 : f32
        %add3A_304 = vector.broadcast %add3A_303 : f32 to vector<16xf32>
        %add3A_305 = arith.addf %add3A_304, %exp3A : vector<16xf32>
        %div3A = arith.constant 1.000000e+00 : f32
        %div3A_306 = vector.broadcast %div3A : f32 to vector<16xf32>
        %div3A_307 = arith.divf %div3A_306, %add3A_305 : vector<16xf32>
        %mul3A_308 = arith.constant 16 : i32
        %mul3A_309 = arith.muli %scan3A_177, %mul3A_308 : i32
        %add3A_310 = arith.addi %mul3A_119, %mul3A_309 : i32
        %swap3A = arith.index_cast %add3A_310 : i32 to index
        %swap3A_311 = tpu.vector_load %arg9[%swap3A] {strides = array<i32>} : memref<10000xf32, #tpu.memory_space<vmem>>, vector<16xf32>,
        tpu.vector_store %arg9[%swap3A], %div3A_307 {strides = array<i32>} : memref<10000xf32, #tpu.memory_space<vmem>>, vector<16xf32>,
      }
      %scan3A_127 = arith.constant 5 : i32
      %add3A_128 = arith.constant 3 : i32
      %add3A_129 = arith.addi %add3A_110, %add3A_128 : i32
      %lt3A_130 = arith.constant 125 : i32
      %lt3A_131 = arith.cmpi slt, %add3A_129, %lt3A_130 : i32
      %convert_element_type3A_132 = arith.extui %lt3A_131 : i1 to i32
      %cond3A_133 = arith.constant 0 : i32
      %cond3A_134 = arith.cmpi ne, %convert_element_type3A_132, %cond3A_133 : i32
      scf.if %cond3A_134 {
        %add3A_177 = arith.constant 3 : i32
        %add3A_178 = arith.addi %add3A_110, %add3A_177 : i32
        %mul3A_179 = arith.constant 80 : i32
        %mul3A_180 = arith.muli %add3A_178, %mul3A_179 : i32
        %multiple_of3A_181 = tpu.assume_multiple %mul3A_180, 16 : i32
        %dma_start3A_182 = tpu.memref_slice %arg7[%multiple_of3A_181] : memref<10000xi32, #tpu.memory_space<vmem>> -> memref<80xi32, #tpu.memory_space<vmem>>
        %dma_start3A_183 = arith.constant 0 : i32
        %dma_start3A_184 = arith.constant 0 : i32
        %dma_start3A_185 = tpu.memref_slice %arg2[%dma_start3A_183, %dma_start3A_184] : memref<10000x128xf32, #tpu.memory_space<hbm>> -> memref<10000x128xf32, #tpu.memory_space<hbm>>
        tpu.enqueue_indirect_dma source(%dma_start3A_185 : memref<10000x128xf32, #tpu.memory_space<hbm>>) target(%arg11 : memref<80x128xf32, #tpu.memory_space<vmem>>) offsets(%dma_start3A_182 : memref<80xi32, #tpu.memory_space<vmem>>) semaphore(%arg16 : memref<!tpu.dma_semaphore, #tpu.memory_space<semaphore_mem>>)
      } else {
      }
      %add3A_135 = arith.constant 2 : i32
      %add3A_136 = arith.addi %add3A_110, %add3A_135 : i32
      %lt3A_137 = arith.constant 125 : i32
      %lt3A_138 = arith.cmpi slt, %add3A_136, %lt3A_137 : i32
      %convert_element_type3A_139 = arith.extui %lt3A_138 : i1 to i32
      %cond3A_140 = arith.constant 0 : i32
      %cond3A_141 = arith.cmpi ne, %convert_element_type3A_139, %cond3A_140 : i32
      scf.if %cond3A_141 {
        %add3A_177 = arith.constant 2 : i32
        %add3A_178 = arith.addi %add3A_110, %add3A_177 : i32
        %mul3A_179 = arith.constant 80 : i32
        %mul3A_180 = arith.muli %add3A_178, %mul3A_179 : i32
        %multiple_of3A_181 = tpu.assume_multiple %mul3A_180, 16 : i32
        %dma_wait3A_182 = tpu.memref_slice %arg7[%multiple_of3A_181] : memref<10000xi32, #tpu.memory_space<vmem>> -> memref<80xi32, #tpu.memory_space<vmem>>
        %dma_wait3A_183 = arith.constant 0 : i32
        %dma_wait3A_184 = arith.constant 0 : i32
        %dma_wait3A_185 = tpu.memref_slice %arg2[%dma_wait3A_183, %dma_wait3A_184] : memref<10000x128xf32, #tpu.memory_space<hbm>> -> memref<10000x128xf32, #tpu.memory_space<hbm>>
        tpu.wait_indirect_dma semaphore(%arg14 : memref<!tpu.dma_semaphore, #tpu.memory_space<semaphore_mem>>) src(%dma_wait3A_185 : memref<10000x128xf32, #tpu.memory_space<hbm>>) dst(%arg10 : memref<80x128xf32, #tpu.memory_space<vmem>>)
        %mul3A_186 = arith.constant 80 : i32
        %mul3A_187 = arith.muli %add3A_178, %mul3A_186 : i32
        %multiple_of3A_188 = tpu.assume_multiple %mul3A_187, 16 : i32
        %dma_start3A_189 = tpu.memref_slice %arg8[%multiple_of3A_188] : memref<10000xi32, #tpu.memory_space<vmem>> -> memref<80xi32, #tpu.memory_space<vmem>>
        %dma_start3A_190 = arith.constant 0 : i32
        %dma_start3A_191 = arith.constant 0 : i32
        %dma_start3A_192 = tpu.memref_slice %arg3[%dma_start3A_190, %dma_start3A_191] : memref<10000x128xf32, #tpu.memory_space<hbm>> -> memref<10000x128xf32, #tpu.memory_space<hbm>>
        tpu.enqueue_indirect_dma source(%dma_start3A_192 : memref<10000x128xf32, #tpu.memory_space<hbm>>) target(%arg10 : memref<80x128xf32, #tpu.memory_space<vmem>>) offsets(%dma_start3A_189 : memref<80xi32, #tpu.memory_space<vmem>>) semaphore(%arg15 : memref<!tpu.dma_semaphore, #tpu.memory_space<semaphore_mem>>) {add = true}
      } else {
      }
      %mul3A_142 = arith.constant 3 : i32
      %mul3A_143 = arith.muli %mul3A_142, %scan3A_74 : i32
      %add3A_144 = arith.constant 2 : i32
      %add3A_145 = arith.addi %mul3A_143, %add3A_144 : i32
      %mul3A_146 = arith.constant 80 : i32
      %mul3A_147 = arith.muli %add3A_145, %mul3A_146 : i32
      %multiple_of3A_148 = tpu.assume_multiple %mul3A_147, 16 : i32
      %dma_wait3A_149 = tpu.memref_slice %arg8[%multiple_of3A_148] : memref<10000xi32, #tpu.memory_space<vmem>> -> memref<80xi32, #tpu.memory_space<vmem>>
      %dma_wait3A_150 = arith.constant 0 : i32
      %dma_wait3A_151 = arith.constant 0 : i32
      %dma_wait3A_152 = tpu.memref_slice %arg3[%dma_wait3A_150, %dma_wait3A_151] : memref<10000x128xf32, #tpu.memory_space<hbm>> -> memref<10000x128xf32, #tpu.memory_space<hbm>>
      tpu.wait_indirect_dma semaphore(%arg19 : memref<!tpu.dma_semaphore, #tpu.memory_space<semaphore_mem>>) src(%dma_wait3A_152 : memref<10000x128xf32, #tpu.memory_space<hbm>>) dst(%arg12 : memref<80x128xf32, #tpu.memory_space<vmem>>)
      %mul3A_153 = arith.constant 80 : i32
      %mul3A_154 = arith.muli %add3A_145, %mul3A_153 : i32
      %parallel_loop3A_155 = arith.constant 0 : i32
      %parallel_loop3A_156 = arith.constant 80 : i32
      %parallel_loop3A_157 = arith.constant 1 : i32
      scf.for %parallel_loop3A_177 = %parallel_loop3A_155 to %parallel_loop3A_156 step %parallel_loop3A_157  : i32 {
        %parallel_loop3A_178 = arith.constant 0.000000e+00 : f32
        %parallel_loop3A_179 = vector.broadcast %parallel_loop3A_178 : f32 to vector<16xf32>
        %parallel_loop3A_180 = arith.constant 0.000000e+00 : f32
        %parallel_loop3A_181 = vector.broadcast %parallel_loop3A_180 : f32 to vector<16xf32>
        %parallel_loop3A_182 = arith.constant 0.000000e+00 : f32
        %parallel_loop3A_183 = vector.broadcast %parallel_loop3A_182 : f32 to vector<16xf32>
        %parallel_loop3A_184 = arith.constant 0.000000e+00 : f32
        %parallel_loop3A_185 = vector.broadcast %parallel_loop3A_184 : f32 to vector<16xf32>
        %parallel_loop3A_186 = arith.index_cast %parallel_loop3A_177 : i32 to index
        %parallel_loop3A_187 = arith.constant 0 : index
        %parallel_loop3A_188 = tpu.vector_load %arg12[%parallel_loop3A_186, %parallel_loop3A_187] {strides = array<i32>} : memref<80x128xf32, #tpu.memory_space<vmem>>, vector<16xf32>,
        %parallel_loop3A_189 = arith.mulf %parallel_loop3A_188, %parallel_loop3A_188 : vector<16xf32>
        %parallel_loop3A_190 = arith.addf %parallel_loop3A_179, %parallel_loop3A_189 : vector<16xf32>
        %parallel_loop3A_191 = arith.index_cast %parallel_loop3A_177 : i32 to index
        %parallel_loop3A_192 = arith.constant 16 : index
        %parallel_loop3A_193 = tpu.vector_load %arg12[%parallel_loop3A_191, %parallel_loop3A_192] {strides = array<i32>} : memref<80x128xf32, #tpu.memory_space<vmem>>, vector<16xf32>,
        %parallel_loop3A_194 = arith.mulf %parallel_loop3A_193, %parallel_loop3A_193 : vector<16xf32>
        %parallel_loop3A_195 = arith.addf %parallel_loop3A_181, %parallel_loop3A_194 : vector<16xf32>
        %parallel_loop3A_196 = arith.index_cast %parallel_loop3A_177 : i32 to index
        %parallel_loop3A_197 = arith.constant 32 : index
        %parallel_loop3A_198 = tpu.vector_load %arg12[%parallel_loop3A_196, %parallel_loop3A_197] {strides = array<i32>} : memref<80x128xf32, #tpu.memory_space<vmem>>, vector<16xf32>,
        %parallel_loop3A_199 = arith.mulf %parallel_loop3A_198, %parallel_loop3A_198 : vector<16xf32>
        %parallel_loop3A_200 = arith.addf %parallel_loop3A_183, %parallel_loop3A_199 : vector<16xf32>
        %parallel_loop3A_201 = arith.index_cast %parallel_loop3A_177 : i32 to index
        %parallel_loop3A_202 = arith.constant 48 : index
        %parallel_loop3A_203 = tpu.vector_load %arg12[%parallel_loop3A_201, %parallel_loop3A_202] {strides = array<i32>} : memref<80x128xf32, #tpu.memory_space<vmem>>, vector<16xf32>,
        %parallel_loop3A_204 = arith.mulf %parallel_loop3A_203, %parallel_loop3A_203 : vector<16xf32>
        %parallel_loop3A_205 = arith.addf %parallel_loop3A_185, %parallel_loop3A_204 : vector<16xf32>
        %parallel_loop3A_206 = arith.index_cast %parallel_loop3A_177 : i32 to index
        %parallel_loop3A_207 = arith.constant 64 : index
        %parallel_loop3A_208 = tpu.vector_load %arg12[%parallel_loop3A_206, %parallel_loop3A_207] {strides = array<i32>} : memref<80x128xf32, #tpu.memory_space<vmem>>, vector<16xf32>,
        %parallel_loop3A_209 = arith.mulf %parallel_loop3A_208, %parallel_loop3A_208 : vector<16xf32>
        %parallel_loop3A_210 = arith.addf %parallel_loop3A_190, %parallel_loop3A_209 : vector<16xf32>
        %parallel_loop3A_211 = arith.index_cast %parallel_loop3A_177 : i32 to index
        %parallel_loop3A_212 = arith.constant 80 : index
        %parallel_loop3A_213 = tpu.vector_load %arg12[%parallel_loop3A_211, %parallel_loop3A_212] {strides = array<i32>} : memref<80x128xf32, #tpu.memory_space<vmem>>, vector<16xf32>,
        %parallel_loop3A_214 = arith.mulf %parallel_loop3A_213, %parallel_loop3A_213 : vector<16xf32>
        %parallel_loop3A_215 = arith.addf %parallel_loop3A_195, %parallel_loop3A_214 : vector<16xf32>
        %parallel_loop3A_216 = arith.index_cast %parallel_loop3A_177 : i32 to index
        %parallel_loop3A_217 = arith.constant 96 : index
        %parallel_loop3A_218 = tpu.vector_load %arg12[%parallel_loop3A_216, %parallel_loop3A_217] {strides = array<i32>} : memref<80x128xf32, #tpu.memory_space<vmem>>, vector<16xf32>,
        %parallel_loop3A_219 = arith.mulf %parallel_loop3A_218, %parallel_loop3A_218 : vector<16xf32>
        %parallel_loop3A_220 = arith.addf %parallel_loop3A_200, %parallel_loop3A_219 : vector<16xf32>
        %parallel_loop3A_221 = arith.index_cast %parallel_loop3A_177 : i32 to index
        %parallel_loop3A_222 = arith.constant 112 : index
        %parallel_loop3A_223 = tpu.vector_load %arg12[%parallel_loop3A_221, %parallel_loop3A_222] {strides = array<i32>} : memref<80x128xf32, #tpu.memory_space<vmem>>, vector<16xf32>,
        %parallel_loop3A_224 = arith.mulf %parallel_loop3A_223, %parallel_loop3A_223 : vector<16xf32>
        %parallel_loop3A_225 = arith.addf %parallel_loop3A_205, %parallel_loop3A_224 : vector<16xf32>
        %parallel_loop3A_226 = arith.addf %parallel_loop3A_210, %parallel_loop3A_215 : vector<16xf32>
        %parallel_loop3A_227 = arith.addf %parallel_loop3A_220, %parallel_loop3A_225 : vector<16xf32>
        %parallel_loop3A_228 = arith.addf %parallel_loop3A_226, %parallel_loop3A_227 : vector<16xf32>
        %parallel_loop3A_229 = arith.constant 16 : i32
        %parallel_loop3A_230 = arith.muli %parallel_loop3A_177, %parallel_loop3A_229 : i32
        %parallel_loop3A_231 = arith.index_cast %parallel_loop3A_230 : i32 to index
        %parallel_loop3A_232 = tpu.vector_load %arg13[%parallel_loop3A_231] {strides = array<i32>} : memref<1280xf32, #tpu.memory_space<vmem>>, vector<16xf32>,
        tpu.vector_store %arg13[%parallel_loop3A_231], %parallel_loop3A_228 {strides = array<i32>} : memref<1280xf32, #tpu.memory_space<vmem>>, vector<16xf32>,
      } {sc.loop_unroll_factor = 8 : i64, sc.parallel_access}
      %scan3A_158 = arith.constant 0 : i32
      %scan3A_159 = arith.constant 5 : i32
      %scan3A_160 = arith.addi %scan3A_158, %scan3A_159 : i32
      %scan3A_161 = arith.constant 1 : i32
      scf.for %scan3A_177 = %scan3A_158 to %scan3A_160 step %scan3A_161  : i32 {
        %broadcast_in_dim3A = arith.constant 0.000000e+00 : f32
        %broadcast_in_dim3A_178 = vector.broadcast %broadcast_in_dim3A : f32 to vector<16xf32>
        %iota3A = tpu.iota {dimensions = array<i32: 0>} : vector<16xi32>
        %mul3A_179 = arith.constant 16 : i32
        %mul3A_180 = vector.broadcast %mul3A_179 : i32 to vector<16xi32>
        %mul3A_181 = arith.muli %iota3A, %mul3A_180 : vector<16xi32>
        %mul3A_182 = arith.constant 256 : i32
        %mul3A_183 = arith.muli %scan3A_177, %mul3A_182 : i32
        %add3A_184 = vector.broadcast %mul3A_183 : i32 to vector<16xi32>
        %add3A_185 = arith.addi %mul3A_181, %add3A_184 : vector<16xi32>
        %add3A_186 = arith.constant 0 : i32
        %add3A_187 = vector.broadcast %add3A_186 : i32 to vector<16xi32>
        %add3A_188 = arith.addi %add3A_185, %add3A_187 : vector<16xi32>
        %gather3A = tpu.vector_load_idx %arg13[%add3A_188] : memref<1280xf32, #tpu.memory_space<vmem>>[vector<16xi32>], vector<16xf32>,
        %add3A_189 = arith.addf %broadcast_in_dim3A_178, %gather3A : vector<16xf32>
        %add3A_190 = arith.constant 1 : i32
        %add3A_191 = vector.broadcast %add3A_190 : i32 to vector<16xi32>
        %add3A_192 = arith.addi %add3A_185, %add3A_191 : vector<16xi32>
        %gather3A_193 = tpu.vector_load_idx %arg13[%add3A_192] : memref<1280xf32, #tpu.memory_space<vmem>>[vector<16xi32>], vector<16xf32>,
        %add3A_194 = arith.addf %add3A_189, %gather3A_193 : vector<16xf32>
        %add3A_195 = arith.constant 2 : i32
        %add3A_196 = vector.broadcast %add3A_195 : i32 to vector<16xi32>
        %add3A_197 = arith.addi %add3A_185, %add3A_196 : vector<16xi32>
        %gather3A_198 = tpu.vector_load_idx %arg13[%add3A_197] : memref<1280xf32, #tpu.memory_space<vmem>>[vector<16xi32>], vector<16xf32>,
        %add3A_199 = arith.addf %add3A_194, %gather3A_198 : vector<16xf32>
        %add3A_200 = arith.constant 3 : i32
        %add3A_201 = vector.broadcast %add3A_200 : i32 to vector<16xi32>
        %add3A_202 = arith.addi %add3A_185, %add3A_201 : vector<16xi32>
        %gather3A_203 = tpu.vector_load_idx %arg13[%add3A_202] : memref<1280xf32, #tpu.memory_space<vmem>>[vector<16xi32>], vector<16xf32>,
        %add3A_204 = arith.addf %add3A_199, %gather3A_203 : vector<16xf32>
        %add3A_205 = arith.constant 4 : i32
        %add3A_206 = vector.broadcast %add3A_205 : i32 to vector<16xi32>
        %add3A_207 = arith.addi %add3A_185, %add3A_206 : vector<16xi32>
        %gather3A_208 = tpu.vector_load_idx %arg13[%add3A_207] : memref<1280xf32, #tpu.memory_space<vmem>>[vector<16xi32>], vector<16xf32>,
        %add3A_209 = arith.addf %add3A_204, %gather3A_208 : vector<16xf32>
        %add3A_210 = arith.constant 5 : i32
        %add3A_211 = vector.broadcast %add3A_210 : i32 to vector<16xi32>
        %add3A_212 = arith.addi %add3A_185, %add3A_211 : vector<16xi32>
        %gather3A_213 = tpu.vector_load_idx %arg13[%add3A_212] : memref<1280xf32, #tpu.memory_space<vmem>>[vector<16xi32>], vector<16xf32>,
        %add3A_214 = arith.addf %add3A_209, %gather3A_213 : vector<16xf32>
        %add3A_215 = arith.constant 6 : i32
        %add3A_216 = vector.broadcast %add3A_215 : i32 to vector<16xi32>
        %add3A_217 = arith.addi %add3A_185, %add3A_216 : vector<16xi32>
        %gather3A_218 = tpu.vector_load_idx %arg13[%add3A_217] : memref<1280xf32, #tpu.memory_space<vmem>>[vector<16xi32>], vector<16xf32>,
        %add3A_219 = arith.addf %add3A_214, %gather3A_218 : vector<16xf32>
        %add3A_220 = arith.constant 7 : i32
        %add3A_221 = vector.broadcast %add3A_220 : i32 to vector<16xi32>
        %add3A_222 = arith.addi %add3A_185, %add3A_221 : vector<16xi32>
        %gather3A_223 = tpu.vector_load_idx %arg13[%add3A_222] : memref<1280xf32, #tpu.memory_space<vmem>>[vector<16xi32>], vector<16xf32>,
        %add3A_224 = arith.addf %add3A_219, %gather3A_223 : vector<16xf32>
        %add3A_225 = arith.constant 8 : i32
        %add3A_226 = vector.broadcast %add3A_225 : i32 to vector<16xi32>
        %add3A_227 = arith.addi %add3A_185, %add3A_226 : vector<16xi32>
        %gather3A_228 = tpu.vector_load_idx %arg13[%add3A_227] : memref<1280xf32, #tpu.memory_space<vmem>>[vector<16xi32>], vector<16xf32>,
        %add3A_229 = arith.addf %add3A_224, %gather3A_228 : vector<16xf32>
        %add3A_230 = arith.constant 9 : i32
        %add3A_231 = vector.broadcast %add3A_230 : i32 to vector<16xi32>
        %add3A_232 = arith.addi %add3A_185, %add3A_231 : vector<16xi32>
        %gather3A_233 = tpu.vector_load_idx %arg13[%add3A_232] : memref<1280xf32, #tpu.memory_space<vmem>>[vector<16xi32>], vector<16xf32>,
        %add3A_234 = arith.addf %add3A_229, %gather3A_233 : vector<16xf32>
        %add3A_235 = arith.constant 10 : i32
        %add3A_236 = vector.broadcast %add3A_235 : i32 to vector<16xi32>
        %add3A_237 = arith.addi %add3A_185, %add3A_236 : vector<16xi32>
        %gather3A_238 = tpu.vector_load_idx %arg13[%add3A_237] : memref<1280xf32, #tpu.memory_space<vmem>>[vector<16xi32>], vector<16xf32>,
        %add3A_239 = arith.addf %add3A_234, %gather3A_238 : vector<16xf32>
        %add3A_240 = arith.constant 11 : i32
        %add3A_241 = vector.broadcast %add3A_240 : i32 to vector<16xi32>
        %add3A_242 = arith.addi %add3A_185, %add3A_241 : vector<16xi32>
        %gather3A_243 = tpu.vector_load_idx %arg13[%add3A_242] : memref<1280xf32, #tpu.memory_space<vmem>>[vector<16xi32>], vector<16xf32>,
        %add3A_244 = arith.addf %add3A_239, %gather3A_243 : vector<16xf32>
        %add3A_245 = arith.constant 12 : i32
        %add3A_246 = vector.broadcast %add3A_245 : i32 to vector<16xi32>
        %add3A_247 = arith.addi %add3A_185, %add3A_246 : vector<16xi32>
        %gather3A_248 = tpu.vector_load_idx %arg13[%add3A_247] : memref<1280xf32, #tpu.memory_space<vmem>>[vector<16xi32>], vector<16xf32>,
        %add3A_249 = arith.addf %add3A_244, %gather3A_248 : vector<16xf32>
        %add3A_250 = arith.constant 13 : i32
        %add3A_251 = vector.broadcast %add3A_250 : i32 to vector<16xi32>
        %add3A_252 = arith.addi %add3A_185, %add3A_251 : vector<16xi32>
        %gather3A_253 = tpu.vector_load_idx %arg13[%add3A_252] : memref<1280xf32, #tpu.memory_space<vmem>>[vector<16xi32>], vector<16xf32>,
        %add3A_254 = arith.addf %add3A_249, %gather3A_253 : vector<16xf32>
        %add3A_255 = arith.constant 14 : i32
        %add3A_256 = vector.broadcast %add3A_255 : i32 to vector<16xi32>
        %add3A_257 = arith.addi %add3A_185, %add3A_256 : vector<16xi32>
        %gather3A_258 = tpu.vector_load_idx %arg13[%add3A_257] : memref<1280xf32, #tpu.memory_space<vmem>>[vector<16xi32>], vector<16xf32>,
        %add3A_259 = arith.addf %add3A_254, %gather3A_258 : vector<16xf32>
        %add3A_260 = arith.constant 15 : i32
        %add3A_261 = vector.broadcast %add3A_260 : i32 to vector<16xi32>
        %add3A_262 = arith.addi %add3A_185, %add3A_261 : vector<16xi32>
        %gather3A_263 = tpu.vector_load_idx %arg13[%add3A_262] : memref<1280xf32, #tpu.memory_space<vmem>>[vector<16xi32>], vector<16xf32>,
        %add3A_264 = arith.addf %add3A_259, %gather3A_263 : vector<16xf32>
        %max3A = arith.constant 1.000000e-30 : f32
        %max3A_265 = vector.broadcast %max3A : f32 to vector<16xf32>
        %max3A_266 = arith.maximumf %add3A_264, %max3A_265 : vector<16xf32>
        %bitcast3A = vector.bitcast %max3A_266 : vector<16xf32> to vector<16xi32>
        %shift_right_arithmetic3A = arith.constant 1 : i32
        %shift_right_arithmetic3A_267 = vector.broadcast %shift_right_arithmetic3A : i32 to vector<16xi32>
        %shift_right_arithmetic3A_268 = arith.shrsi %bitcast3A, %shift_right_arithmetic3A_267 : vector<16xi32>
        %sub3A = arith.constant 1597463007 : i32
        %sub3A_269 = vector.broadcast %sub3A : i32 to vector<16xi32>
        %sub3A_270 = arith.subi %sub3A_269, %shift_right_arithmetic3A_268 : vector<16xi32>
        %bitcast3A_271 = vector.bitcast %sub3A_270 : vector<16xi32> to vector<16xf32>
        %mul3A_272 = arith.constant 5.000000e-01 : f32
        %mul3A_273 = vector.broadcast %mul3A_272 : f32 to vector<16xf32>
        %mul3A_274 = arith.mulf %mul3A_273, %max3A_266 : vector<16xf32>
        %mul3A_275 = arith.mulf %mul3A_274, %bitcast3A_271 : vector<16xf32>
        %mul3A_276 = arith.mulf %mul3A_275, %bitcast3A_271 : vector<16xf32>
        %sub3A_277 = arith.constant 1.500000e+00 : f32
        %sub3A_278 = vector.broadcast %sub3A_277 : f32 to vector<16xf32>
        %sub3A_279 = arith.subf %sub3A_278, %mul3A_276 : vector<16xf32>
        %mul3A_280 = arith.mulf %bitcast3A_271, %sub3A_279 : vector<16xf32>
        %mul3A_281 = arith.constant 5.000000e-01 : f32
        %mul3A_282 = vector.broadcast %mul3A_281 : f32 to vector<16xf32>
        %mul3A_283 = arith.mulf %mul3A_282, %max3A_266 : vector<16xf32>
        %mul3A_284 = arith.mulf %mul3A_283, %mul3A_280 : vector<16xf32>
        %mul3A_285 = arith.mulf %mul3A_284, %mul3A_280 : vector<16xf32>
        %sub3A_286 = arith.constant 1.500000e+00 : f32
        %sub3A_287 = vector.broadcast %sub3A_286 : f32 to vector<16xf32>
        %sub3A_288 = arith.subf %sub3A_287, %mul3A_285 : vector<16xf32>
        %mul3A_289 = arith.mulf %mul3A_280, %sub3A_288 : vector<16xf32>
        %mul3A_290 = arith.constant 5.000000e-01 : f32
        %mul3A_291 = vector.broadcast %mul3A_290 : f32 to vector<16xf32>
        %mul3A_292 = arith.mulf %mul3A_291, %max3A_266 : vector<16xf32>
        %mul3A_293 = arith.mulf %mul3A_292, %mul3A_289 : vector<16xf32>
        %mul3A_294 = arith.mulf %mul3A_293, %mul3A_289 : vector<16xf32>
        %sub3A_295 = arith.constant 1.500000e+00 : f32
        %sub3A_296 = vector.broadcast %sub3A_295 : f32 to vector<16xf32>
        %sub3A_297 = arith.subf %sub3A_296, %mul3A_294 : vector<16xf32>
        %mul3A_298 = arith.mulf %mul3A_289, %sub3A_297 : vector<16xf32>
        %mul3A_299 = arith.mulf %max3A_266, %mul3A_298 : vector<16xf32>
        %sub3A_300 = arith.constant 1.000000e+00 : f32
        %sub3A_301 = vector.broadcast %sub3A_300 : f32 to vector<16xf32>
        %sub3A_302 = arith.subf %mul3A_299, %sub3A_301 : vector<16xf32>
        %exp3A = math.exp %sub3A_302 : vector<16xf32>
        %add3A_303 = arith.constant 1.000000e+00 : f32
        %add3A_304 = vector.broadcast %add3A_303 : f32 to vector<16xf32>
        %add3A_305 = arith.addf %add3A_304, %exp3A : vector<16xf32>
        %div3A = arith.constant 1.000000e+00 : f32
        %div3A_306 = vector.broadcast %div3A : f32 to vector<16xf32>
        %div3A_307 = arith.divf %div3A_306, %add3A_305 : vector<16xf32>
        %mul3A_308 = arith.constant 16 : i32
        %mul3A_309 = arith.muli %scan3A_177, %mul3A_308 : i32
        %add3A_310 = arith.addi %mul3A_154, %mul3A_309 : i32
        %swap3A = arith.index_cast %add3A_310 : i32 to index
        %swap3A_311 = tpu.vector_load %arg9[%swap3A] {strides = array<i32>} : memref<10000xf32, #tpu.memory_space<vmem>>, vector<16xf32>,
        tpu.vector_store %arg9[%swap3A], %div3A_307 {strides = array<i32>} : memref<10000xf32, #tpu.memory_space<vmem>>, vector<16xf32>,
      }
      %scan3A_162 = arith.constant 5 : i32
      %add3A_163 = arith.constant 3 : i32
      %add3A_164 = arith.addi %add3A_145, %add3A_163 : i32
      %lt3A_165 = arith.constant 125 : i32
      %lt3A_166 = arith.cmpi slt, %add3A_164, %lt3A_165 : i32
      %convert_element_type3A_167 = arith.extui %lt3A_166 : i1 to i32
      %cond3A_168 = arith.constant 0 : i32
      %cond3A_169 = arith.cmpi ne, %convert_element_type3A_167, %cond3A_168 : i32
      scf.if %cond3A_169 {
        %add3A_177 = arith.constant 3 : i32
        %add3A_178 = arith.addi %add3A_145, %add3A_177 : i32
        %mul3A_179 = arith.constant 80 : i32
        %mul3A_180 = arith.muli %add3A_178, %mul3A_179 : i32
        %multiple_of3A_181 = tpu.assume_multiple %mul3A_180, 16 : i32
        %dma_start3A_182 = tpu.memref_slice %arg7[%multiple_of3A_181] : memref<10000xi32, #tpu.memory_space<vmem>> -> memref<80xi32, #tpu.memory_space<vmem>>
        %dma_start3A_183 = arith.constant 0 : i32
        %dma_start3A_184 = arith.constant 0 : i32
        %dma_start3A_185 = tpu.memref_slice %arg2[%dma_start3A_183, %dma_start3A_184] : memref<10000x128xf32, #tpu.memory_space<hbm>> -> memref<10000x128xf32, #tpu.memory_space<hbm>>
        tpu.enqueue_indirect_dma source(%dma_start3A_185 : memref<10000x128xf32, #tpu.memory_space<hbm>>) target(%arg12 : memref<80x128xf32, #tpu.memory_space<vmem>>) offsets(%dma_start3A_182 : memref<80xi32, #tpu.memory_space<vmem>>) semaphore(%arg18 : memref<!tpu.dma_semaphore, #tpu.memory_space<semaphore_mem>>)
      } else {
      }
      %add3A_170 = arith.constant 2 : i32
      %add3A_171 = arith.addi %add3A_145, %add3A_170 : i32
      %lt3A_172 = arith.constant 125 : i32
      %lt3A_173 = arith.cmpi slt, %add3A_171, %lt3A_172 : i32
      %convert_element_type3A_174 = arith.extui %lt3A_173 : i1 to i32
      %cond3A_175 = arith.constant 0 : i32
      %cond3A_176 = arith.cmpi ne, %convert_element_type3A_174, %cond3A_175 : i32
      scf.if %cond3A_176 {
        %add3A_177 = arith.constant 2 : i32
        %add3A_178 = arith.addi %add3A_145, %add3A_177 : i32
        %mul3A_179 = arith.constant 80 : i32
        %mul3A_180 = arith.muli %add3A_178, %mul3A_179 : i32
        %multiple_of3A_181 = tpu.assume_multiple %mul3A_180, 16 : i32
        %dma_wait3A_182 = tpu.memref_slice %arg7[%multiple_of3A_181] : memref<10000xi32, #tpu.memory_space<vmem>> -> memref<80xi32, #tpu.memory_space<vmem>>
        %dma_wait3A_183 = arith.constant 0 : i32
        %dma_wait3A_184 = arith.constant 0 : i32
        %dma_wait3A_185 = tpu.memref_slice %arg2[%dma_wait3A_183, %dma_wait3A_184] : memref<10000x128xf32, #tpu.memory_space<hbm>> -> memref<10000x128xf32, #tpu.memory_space<hbm>>
        tpu.wait_indirect_dma semaphore(%arg16 : memref<!tpu.dma_semaphore, #tpu.memory_space<semaphore_mem>>) src(%dma_wait3A_185 : memref<10000x128xf32, #tpu.memory_space<hbm>>) dst(%arg11 : memref<80x128xf32, #tpu.memory_space<vmem>>)
        %mul3A_186 = arith.constant 80 : i32
        %mul3A_187 = arith.muli %add3A_178, %mul3A_186 : i32
        %multiple_of3A_188 = tpu.assume_multiple %mul3A_187, 16 : i32
        %dma_start3A_189 = tpu.memref_slice %arg8[%multiple_of3A_188] : memref<10000xi32, #tpu.memory_space<vmem>> -> memref<80xi32, #tpu.memory_space<vmem>>
        %dma_start3A_190 = arith.constant 0 : i32
        %dma_start3A_191 = arith.constant 0 : i32
        %dma_start3A_192 = tpu.memref_slice %arg3[%dma_start3A_190, %dma_start3A_191] : memref<10000x128xf32, #tpu.memory_space<hbm>> -> memref<10000x128xf32, #tpu.memory_space<hbm>>
        tpu.enqueue_indirect_dma source(%dma_start3A_192 : memref<10000x128xf32, #tpu.memory_space<hbm>>) target(%arg11 : memref<80x128xf32, #tpu.memory_space<vmem>>) offsets(%dma_start3A_189 : memref<80xi32, #tpu.memory_space<vmem>>) semaphore(%arg17 : memref<!tpu.dma_semaphore, #tpu.memory_space<semaphore_mem>>) {add = true}
      } else {
      }
    }
    %scan3A_46 = arith.constant 41 : i32
    %multiple_of3A_47 = arith.constant 9840 : i32
    %multiple_of3A_48 = tpu.assume_multiple %multiple_of3A_47, 16 : i32
    %dma_wait3A_49 = tpu.memref_slice %arg8[%multiple_of3A_48] : memref<10000xi32, #tpu.memory_space<vmem>> -> memref<80xi32, #tpu.memory_space<vmem>>
    %dma_wait3A_50 = arith.constant 0 : i32
    %dma_wait3A_51 = arith.constant 0 : i32
    %dma_wait3A_52 = tpu.memref_slice %arg3[%dma_wait3A_50, %dma_wait3A_51] : memref<10000x128xf32, #tpu.memory_space<hbm>> -> memref<10000x128xf32, #tpu.memory_space<hbm>>
    tpu.wait_indirect_dma semaphore(%arg15 : memref<!tpu.dma_semaphore, #tpu.memory_space<semaphore_mem>>) src(%dma_wait3A_52 : memref<10000x128xf32, #tpu.memory_space<hbm>>) dst(%arg10 : memref<80x128xf32, #tpu.memory_space<vmem>>)
    %parallel_loop3A = arith.constant 0 : i32
    %parallel_loop3A_53 = arith.constant 80 : i32
    %parallel_loop3A_54 = arith.constant 1 : i32
    scf.for %parallel_loop3A_74 = %parallel_loop3A to %parallel_loop3A_53 step %parallel_loop3A_54  : i32 {
      %parallel_loop3A_75 = arith.constant 0.000000e+00 : f32
      %parallel_loop3A_76 = vector.broadcast %parallel_loop3A_75 : f32 to vector<16xf32>
      %parallel_loop3A_77 = arith.constant 0.000000e+00 : f32
      %parallel_loop3A_78 = vector.broadcast %parallel_loop3A_77 : f32 to vector<16xf32>
      %parallel_loop3A_79 = arith.constant 0.000000e+00 : f32
      %parallel_loop3A_80 = vector.broadcast %parallel_loop3A_79 : f32 to vector<16xf32>
      %parallel_loop3A_81 = arith.constant 0.000000e+00 : f32
      %parallel_loop3A_82 = vector.broadcast %parallel_loop3A_81 : f32 to vector<16xf32>
      %parallel_loop3A_83 = arith.index_cast %parallel_loop3A_74 : i32 to index
      %parallel_loop3A_84 = arith.constant 0 : index
      %parallel_loop3A_85 = tpu.vector_load %arg10[%parallel_loop3A_83, %parallel_loop3A_84] {strides = array<i32>} : memref<80x128xf32, #tpu.memory_space<vmem>>, vector<16xf32>,
      %parallel_loop3A_86 = arith.mulf %parallel_loop3A_85, %parallel_loop3A_85 : vector<16xf32>
      %parallel_loop3A_87 = arith.addf %parallel_loop3A_76, %parallel_loop3A_86 : vector<16xf32>
      %parallel_loop3A_88 = arith.index_cast %parallel_loop3A_74 : i32 to index
      %parallel_loop3A_89 = arith.constant 16 : index
      %parallel_loop3A_90 = tpu.vector_load %arg10[%parallel_loop3A_88, %parallel_loop3A_89] {strides = array<i32>} : memref<80x128xf32, #tpu.memory_space<vmem>>, vector<16xf32>,
      %parallel_loop3A_91 = arith.mulf %parallel_loop3A_90, %parallel_loop3A_90 : vector<16xf32>
      %parallel_loop3A_92 = arith.addf %parallel_loop3A_78, %parallel_loop3A_91 : vector<16xf32>
      %parallel_loop3A_93 = arith.index_cast %parallel_loop3A_74 : i32 to index
      %parallel_loop3A_94 = arith.constant 32 : index
      %parallel_loop3A_95 = tpu.vector_load %arg10[%parallel_loop3A_93, %parallel_loop3A_94] {strides = array<i32>} : memref<80x128xf32, #tpu.memory_space<vmem>>, vector<16xf32>,
      %parallel_loop3A_96 = arith.mulf %parallel_loop3A_95, %parallel_loop3A_95 : vector<16xf32>
      %parallel_loop3A_97 = arith.addf %parallel_loop3A_80, %parallel_loop3A_96 : vector<16xf32>
      %parallel_loop3A_98 = arith.index_cast %parallel_loop3A_74 : i32 to index
      %parallel_loop3A_99 = arith.constant 48 : index
      %parallel_loop3A_100 = tpu.vector_load %arg10[%parallel_loop3A_98, %parallel_loop3A_99] {strides = array<i32>} : memref<80x128xf32, #tpu.memory_space<vmem>>, vector<16xf32>,
      %parallel_loop3A_101 = arith.mulf %parallel_loop3A_100, %parallel_loop3A_100 : vector<16xf32>
      %parallel_loop3A_102 = arith.addf %parallel_loop3A_82, %parallel_loop3A_101 : vector<16xf32>
      %parallel_loop3A_103 = arith.index_cast %parallel_loop3A_74 : i32 to index
      %parallel_loop3A_104 = arith.constant 64 : index
      %parallel_loop3A_105 = tpu.vector_load %arg10[%parallel_loop3A_103, %parallel_loop3A_104] {strides = array<i32>} : memref<80x128xf32, #tpu.memory_space<vmem>>, vector<16xf32>,
      %parallel_loop3A_106 = arith.mulf %parallel_loop3A_105, %parallel_loop3A_105 : vector<16xf32>
      %parallel_loop3A_107 = arith.addf %parallel_loop3A_87, %parallel_loop3A_106 : vector<16xf32>
      %parallel_loop3A_108 = arith.index_cast %parallel_loop3A_74 : i32 to index
      %parallel_loop3A_109 = arith.constant 80 : index
      %parallel_loop3A_110 = tpu.vector_load %arg10[%parallel_loop3A_108, %parallel_loop3A_109] {strides = array<i32>} : memref<80x128xf32, #tpu.memory_space<vmem>>, vector<16xf32>,
      %parallel_loop3A_111 = arith.mulf %parallel_loop3A_110, %parallel_loop3A_110 : vector<16xf32>
      %parallel_loop3A_112 = arith.addf %parallel_loop3A_92, %parallel_loop3A_111 : vector<16xf32>
      %parallel_loop3A_113 = arith.index_cast %parallel_loop3A_74 : i32 to index
      %parallel_loop3A_114 = arith.constant 96 : index
      %parallel_loop3A_115 = tpu.vector_load %arg10[%parallel_loop3A_113, %parallel_loop3A_114] {strides = array<i32>} : memref<80x128xf32, #tpu.memory_space<vmem>>, vector<16xf32>,
      %parallel_loop3A_116 = arith.mulf %parallel_loop3A_115, %parallel_loop3A_115 : vector<16xf32>
      %parallel_loop3A_117 = arith.addf %parallel_loop3A_97, %parallel_loop3A_116 : vector<16xf32>
      %parallel_loop3A_118 = arith.index_cast %parallel_loop3A_74 : i32 to index
      %parallel_loop3A_119 = arith.constant 112 : index
      %parallel_loop3A_120 = tpu.vector_load %arg10[%parallel_loop3A_118, %parallel_loop3A_119] {strides = array<i32>} : memref<80x128xf32, #tpu.memory_space<vmem>>, vector<16xf32>,
      %parallel_loop3A_121 = arith.mulf %parallel_loop3A_120, %parallel_loop3A_120 : vector<16xf32>
      %parallel_loop3A_122 = arith.addf %parallel_loop3A_102, %parallel_loop3A_121 : vector<16xf32>
      %parallel_loop3A_123 = arith.addf %parallel_loop3A_107, %parallel_loop3A_112 : vector<16xf32>
      %parallel_loop3A_124 = arith.addf %parallel_loop3A_117, %parallel_loop3A_122 : vector<16xf32>
      %parallel_loop3A_125 = arith.addf %parallel_loop3A_123, %parallel_loop3A_124 : vector<16xf32>
      %parallel_loop3A_126 = arith.constant 16 : i32
      %parallel_loop3A_127 = arith.muli %parallel_loop3A_74, %parallel_loop3A_126 : i32
      %parallel_loop3A_128 = arith.index_cast %parallel_loop3A_127 : i32 to index
      %parallel_loop3A_129 = tpu.vector_load %arg13[%parallel_loop3A_128] {strides = array<i32>} : memref<1280xf32, #tpu.memory_space<vmem>>, vector<16xf32>,
      tpu.vector_store %arg13[%parallel_loop3A_128], %parallel_loop3A_125 {strides = array<i32>} : memref<1280xf32, #tpu.memory_space<vmem>>, vector<16xf32>,
    } {sc.loop_unroll_factor = 8 : i64, sc.parallel_access}
    %scan3A_55 = arith.constant 0 : i32
    %scan3A_56 = arith.constant 5 : i32
    %scan3A_57 = arith.addi %scan3A_55, %scan3A_56 : i32
    %scan3A_58 = arith.constant 1 : i32
    scf.for %scan3A_74 = %scan3A_55 to %scan3A_57 step %scan3A_58  : i32 {
      %broadcast_in_dim3A = arith.constant 0.000000e+00 : f32
      %broadcast_in_dim3A_75 = vector.broadcast %broadcast_in_dim3A : f32 to vector<16xf32>
      %iota3A = tpu.iota {dimensions = array<i32: 0>} : vector<16xi32>
      %mul3A_76 = arith.constant 16 : i32
      %mul3A_77 = vector.broadcast %mul3A_76 : i32 to vector<16xi32>
      %mul3A_78 = arith.muli %iota3A, %mul3A_77 : vector<16xi32>
      %mul3A_79 = arith.constant 256 : i32
      %mul3A_80 = arith.muli %scan3A_74, %mul3A_79 : i32
      %add3A_81 = vector.broadcast %mul3A_80 : i32 to vector<16xi32>
      %add3A_82 = arith.addi %mul3A_78, %add3A_81 : vector<16xi32>
      %add3A_83 = arith.constant 0 : i32
      %add3A_84 = vector.broadcast %add3A_83 : i32 to vector<16xi32>
      %add3A_85 = arith.addi %add3A_82, %add3A_84 : vector<16xi32>
      %gather3A = tpu.vector_load_idx %arg13[%add3A_85] : memref<1280xf32, #tpu.memory_space<vmem>>[vector<16xi32>], vector<16xf32>,
      %add3A_86 = arith.addf %broadcast_in_dim3A_75, %gather3A : vector<16xf32>
      %add3A_87 = arith.constant 1 : i32
      %add3A_88 = vector.broadcast %add3A_87 : i32 to vector<16xi32>
      %add3A_89 = arith.addi %add3A_82, %add3A_88 : vector<16xi32>
      %gather3A_90 = tpu.vector_load_idx %arg13[%add3A_89] : memref<1280xf32, #tpu.memory_space<vmem>>[vector<16xi32>], vector<16xf32>,
      %add3A_91 = arith.addf %add3A_86, %gather3A_90 : vector<16xf32>
      %add3A_92 = arith.constant 2 : i32
      %add3A_93 = vector.broadcast %add3A_92 : i32 to vector<16xi32>
      %add3A_94 = arith.addi %add3A_82, %add3A_93 : vector<16xi32>
      %gather3A_95 = tpu.vector_load_idx %arg13[%add3A_94] : memref<1280xf32, #tpu.memory_space<vmem>>[vector<16xi32>], vector<16xf32>,
      %add3A_96 = arith.addf %add3A_91, %gather3A_95 : vector<16xf32>
      %add3A_97 = arith.constant 3 : i32
      %add3A_98 = vector.broadcast %add3A_97 : i32 to vector<16xi32>
      %add3A_99 = arith.addi %add3A_82, %add3A_98 : vector<16xi32>
      %gather3A_100 = tpu.vector_load_idx %arg13[%add3A_99] : memref<1280xf32, #tpu.memory_space<vmem>>[vector<16xi32>], vector<16xf32>,
      %add3A_101 = arith.addf %add3A_96, %gather3A_100 : vector<16xf32>
      %add3A_102 = arith.constant 4 : i32
      %add3A_103 = vector.broadcast %add3A_102 : i32 to vector<16xi32>
      %add3A_104 = arith.addi %add3A_82, %add3A_103 : vector<16xi32>
      %gather3A_105 = tpu.vector_load_idx %arg13[%add3A_104] : memref<1280xf32, #tpu.memory_space<vmem>>[vector<16xi32>], vector<16xf32>,
      %add3A_106 = arith.addf %add3A_101, %gather3A_105 : vector<16xf32>
      %add3A_107 = arith.constant 5 : i32
      %add3A_108 = vector.broadcast %add3A_107 : i32 to vector<16xi32>
      %add3A_109 = arith.addi %add3A_82, %add3A_108 : vector<16xi32>
      %gather3A_110 = tpu.vector_load_idx %arg13[%add3A_109] : memref<1280xf32, #tpu.memory_space<vmem>>[vector<16xi32>], vector<16xf32>,
      %add3A_111 = arith.addf %add3A_106, %gather3A_110 : vector<16xf32>
      %add3A_112 = arith.constant 6 : i32
      %add3A_113 = vector.broadcast %add3A_112 : i32 to vector<16xi32>
      %add3A_114 = arith.addi %add3A_82, %add3A_113 : vector<16xi32>
      %gather3A_115 = tpu.vector_load_idx %arg13[%add3A_114] : memref<1280xf32, #tpu.memory_space<vmem>>[vector<16xi32>], vector<16xf32>,
      %add3A_116 = arith.addf %add3A_111, %gather3A_115 : vector<16xf32>
      %add3A_117 = arith.constant 7 : i32
      %add3A_118 = vector.broadcast %add3A_117 : i32 to vector<16xi32>
      %add3A_119 = arith.addi %add3A_82, %add3A_118 : vector<16xi32>
      %gather3A_120 = tpu.vector_load_idx %arg13[%add3A_119] : memref<1280xf32, #tpu.memory_space<vmem>>[vector<16xi32>], vector<16xf32>,
      %add3A_121 = arith.addf %add3A_116, %gather3A_120 : vector<16xf32>
      %add3A_122 = arith.constant 8 : i32
      %add3A_123 = vector.broadcast %add3A_122 : i32 to vector<16xi32>
      %add3A_124 = arith.addi %add3A_82, %add3A_123 : vector<16xi32>
      %gather3A_125 = tpu.vector_load_idx %arg13[%add3A_124] : memref<1280xf32, #tpu.memory_space<vmem>>[vector<16xi32>], vector<16xf32>,
      %add3A_126 = arith.addf %add3A_121, %gather3A_125 : vector<16xf32>
      %add3A_127 = arith.constant 9 : i32
      %add3A_128 = vector.broadcast %add3A_127 : i32 to vector<16xi32>
      %add3A_129 = arith.addi %add3A_82, %add3A_128 : vector<16xi32>
      %gather3A_130 = tpu.vector_load_idx %arg13[%add3A_129] : memref<1280xf32, #tpu.memory_space<vmem>>[vector<16xi32>], vector<16xf32>,
      %add3A_131 = arith.addf %add3A_126, %gather3A_130 : vector<16xf32>
      %add3A_132 = arith.constant 10 : i32
      %add3A_133 = vector.broadcast %add3A_132 : i32 to vector<16xi32>
      %add3A_134 = arith.addi %add3A_82, %add3A_133 : vector<16xi32>
      %gather3A_135 = tpu.vector_load_idx %arg13[%add3A_134] : memref<1280xf32, #tpu.memory_space<vmem>>[vector<16xi32>], vector<16xf32>,
      %add3A_136 = arith.addf %add3A_131, %gather3A_135 : vector<16xf32>
      %add3A_137 = arith.constant 11 : i32
      %add3A_138 = vector.broadcast %add3A_137 : i32 to vector<16xi32>
      %add3A_139 = arith.addi %add3A_82, %add3A_138 : vector<16xi32>
      %gather3A_140 = tpu.vector_load_idx %arg13[%add3A_139] : memref<1280xf32, #tpu.memory_space<vmem>>[vector<16xi32>], vector<16xf32>,
      %add3A_141 = arith.addf %add3A_136, %gather3A_140 : vector<16xf32>
      %add3A_142 = arith.constant 12 : i32
      %add3A_143 = vector.broadcast %add3A_142 : i32 to vector<16xi32>
      %add3A_144 = arith.addi %add3A_82, %add3A_143 : vector<16xi32>
      %gather3A_145 = tpu.vector_load_idx %arg13[%add3A_144] : memref<1280xf32, #tpu.memory_space<vmem>>[vector<16xi32>], vector<16xf32>,
      %add3A_146 = arith.addf %add3A_141, %gather3A_145 : vector<16xf32>
      %add3A_147 = arith.constant 13 : i32
      %add3A_148 = vector.broadcast %add3A_147 : i32 to vector<16xi32>
      %add3A_149 = arith.addi %add3A_82, %add3A_148 : vector<16xi32>
      %gather3A_150 = tpu.vector_load_idx %arg13[%add3A_149] : memref<1280xf32, #tpu.memory_space<vmem>>[vector<16xi32>], vector<16xf32>,
      %add3A_151 = arith.addf %add3A_146, %gather3A_150 : vector<16xf32>
      %add3A_152 = arith.constant 14 : i32
      %add3A_153 = vector.broadcast %add3A_152 : i32 to vector<16xi32>
      %add3A_154 = arith.addi %add3A_82, %add3A_153 : vector<16xi32>
      %gather3A_155 = tpu.vector_load_idx %arg13[%add3A_154] : memref<1280xf32, #tpu.memory_space<vmem>>[vector<16xi32>], vector<16xf32>,
      %add3A_156 = arith.addf %add3A_151, %gather3A_155 : vector<16xf32>
      %add3A_157 = arith.constant 15 : i32
      %add3A_158 = vector.broadcast %add3A_157 : i32 to vector<16xi32>
      %add3A_159 = arith.addi %add3A_82, %add3A_158 : vector<16xi32>
      %gather3A_160 = tpu.vector_load_idx %arg13[%add3A_159] : memref<1280xf32, #tpu.memory_space<vmem>>[vector<16xi32>], vector<16xf32>,
      %add3A_161 = arith.addf %add3A_156, %gather3A_160 : vector<16xf32>
      %max3A = arith.constant 1.000000e-30 : f32
      %max3A_162 = vector.broadcast %max3A : f32 to vector<16xf32>
      %max3A_163 = arith.maximumf %add3A_161, %max3A_162 : vector<16xf32>
      %bitcast3A = vector.bitcast %max3A_163 : vector<16xf32> to vector<16xi32>
      %shift_right_arithmetic3A = arith.constant 1 : i32
      %shift_right_arithmetic3A_164 = vector.broadcast %shift_right_arithmetic3A : i32 to vector<16xi32>
      %shift_right_arithmetic3A_165 = arith.shrsi %bitcast3A, %shift_right_arithmetic3A_164 : vector<16xi32>
      %sub3A = arith.constant 1597463007 : i32
      %sub3A_166 = vector.broadcast %sub3A : i32 to vector<16xi32>
      %sub3A_167 = arith.subi %sub3A_166, %shift_right_arithmetic3A_165 : vector<16xi32>
      %bitcast3A_168 = vector.bitcast %sub3A_167 : vector<16xi32> to vector<16xf32>
      %mul3A_169 = arith.constant 5.000000e-01 : f32
      %mul3A_170 = vector.broadcast %mul3A_169 : f32 to vector<16xf32>
      %mul3A_171 = arith.mulf %mul3A_170, %max3A_163 : vector<16xf32>
      %mul3A_172 = arith.mulf %mul3A_171, %bitcast3A_168 : vector<16xf32>
      %mul3A_173 = arith.mulf %mul3A_172, %bitcast3A_168 : vector<16xf32>
      %sub3A_174 = arith.constant 1.500000e+00 : f32
      %sub3A_175 = vector.broadcast %sub3A_174 : f32 to vector<16xf32>
      %sub3A_176 = arith.subf %sub3A_175, %mul3A_173 : vector<16xf32>
      %mul3A_177 = arith.mulf %bitcast3A_168, %sub3A_176 : vector<16xf32>
      %mul3A_178 = arith.constant 5.000000e-01 : f32
      %mul3A_179 = vector.broadcast %mul3A_178 : f32 to vector<16xf32>
      %mul3A_180 = arith.mulf %mul3A_179, %max3A_163 : vector<16xf32>
      %mul3A_181 = arith.mulf %mul3A_180, %mul3A_177 : vector<16xf32>
      %mul3A_182 = arith.mulf %mul3A_181, %mul3A_177 : vector<16xf32>
      %sub3A_183 = arith.constant 1.500000e+00 : f32
      %sub3A_184 = vector.broadcast %sub3A_183 : f32 to vector<16xf32>
      %sub3A_185 = arith.subf %sub3A_184, %mul3A_182 : vector<16xf32>
      %mul3A_186 = arith.mulf %mul3A_177, %sub3A_185 : vector<16xf32>
      %mul3A_187 = arith.constant 5.000000e-01 : f32
      %mul3A_188 = vector.broadcast %mul3A_187 : f32 to vector<16xf32>
      %mul3A_189 = arith.mulf %mul3A_188, %max3A_163 : vector<16xf32>
      %mul3A_190 = arith.mulf %mul3A_189, %mul3A_186 : vector<16xf32>
      %mul3A_191 = arith.mulf %mul3A_190, %mul3A_186 : vector<16xf32>
      %sub3A_192 = arith.constant 1.500000e+00 : f32
      %sub3A_193 = vector.broadcast %sub3A_192 : f32 to vector<16xf32>
      %sub3A_194 = arith.subf %sub3A_193, %mul3A_191 : vector<16xf32>
      %mul3A_195 = arith.mulf %mul3A_186, %sub3A_194 : vector<16xf32>
      %mul3A_196 = arith.mulf %max3A_163, %mul3A_195 : vector<16xf32>
      %sub3A_197 = arith.constant 1.000000e+00 : f32
      %sub3A_198 = vector.broadcast %sub3A_197 : f32 to vector<16xf32>
      %sub3A_199 = arith.subf %mul3A_196, %sub3A_198 : vector<16xf32>
      %exp3A = math.exp %sub3A_199 : vector<16xf32>
      %add3A_200 = arith.constant 1.000000e+00 : f32
      %add3A_201 = vector.broadcast %add3A_200 : f32 to vector<16xf32>
      %add3A_202 = arith.addf %add3A_201, %exp3A : vector<16xf32>
      %div3A = arith.constant 1.000000e+00 : f32
      %div3A_203 = vector.broadcast %div3A : f32 to vector<16xf32>
      %div3A_204 = arith.divf %div3A_203, %add3A_202 : vector<16xf32>
      %mul3A_205 = arith.constant 16 : i32
      %mul3A_206 = arith.muli %scan3A_74, %mul3A_205 : i32
      %add3A_207 = arith.constant 9840 : i32
      %add3A_208 = arith.addi %add3A_207, %mul3A_206 : i32
      %swap3A = arith.index_cast %add3A_208 : i32 to index
      %swap3A_209 = tpu.vector_load %arg9[%swap3A] {strides = array<i32>} : memref<10000xf32, #tpu.memory_space<vmem>>, vector<16xf32>,
      tpu.vector_store %arg9[%swap3A], %div3A_204 {strides = array<i32>} : memref<10000xf32, #tpu.memory_space<vmem>>, vector<16xf32>,
    }
    %scan3A_59 = arith.constant 5 : i32
    %multiple_of3A_60 = arith.constant 9920 : i32
    %multiple_of3A_61 = tpu.assume_multiple %multiple_of3A_60, 16 : i32
    %dma_wait3A_62 = tpu.memref_slice %arg8[%multiple_of3A_61] : memref<10000xi32, #tpu.memory_space<vmem>> -> memref<80xi32, #tpu.memory_space<vmem>>
    %dma_wait3A_63 = arith.constant 0 : i32
    %dma_wait3A_64 = arith.constant 0 : i32
    %dma_wait3A_65 = tpu.memref_slice %arg3[%dma_wait3A_63, %dma_wait3A_64] : memref<10000x128xf32, #tpu.memory_space<hbm>> -> memref<10000x128xf32, #tpu.memory_space<hbm>>
    tpu.wait_indirect_dma semaphore(%arg17 : memref<!tpu.dma_semaphore, #tpu.memory_space<semaphore_mem>>) src(%dma_wait3A_65 : memref<10000x128xf32, #tpu.memory_space<hbm>>) dst(%arg11 : memref<80x128xf32, #tpu.memory_space<vmem>>)
    %parallel_loop3A_66 = arith.constant 0 : i32
    %parallel_loop3A_67 = arith.constant 80 : i32
    %parallel_loop3A_68 = arith.constant 1 : i32
    scf.for %parallel_loop3A_74 = %parallel_loop3A_66 to %parallel_loop3A_67 step %parallel_loop3A_68  : i32 {
      %parallel_loop3A_75 = arith.constant 0.000000e+00 : f32
      %parallel_loop3A_76 = vector.broadcast %parallel_loop3A_75 : f32 to vector<16xf32>
      %parallel_loop3A_77 = arith.constant 0.000000e+00 : f32
      %parallel_loop3A_78 = vector.broadcast %parallel_loop3A_77 : f32 to vector<16xf32>
      %parallel_loop3A_79 = arith.constant 0.000000e+00 : f32
      %parallel_loop3A_80 = vector.broadcast %parallel_loop3A_79 : f32 to vector<16xf32>
      %parallel_loop3A_81 = arith.constant 0.000000e+00 : f32
      %parallel_loop3A_82 = vector.broadcast %parallel_loop3A_81 : f32 to vector<16xf32>
      %parallel_loop3A_83 = arith.index_cast %parallel_loop3A_74 : i32 to index
      %parallel_loop3A_84 = arith.constant 0 : index
      %parallel_loop3A_85 = tpu.vector_load %arg11[%parallel_loop3A_83, %parallel_loop3A_84] {strides = array<i32>} : memref<80x128xf32, #tpu.memory_space<vmem>>, vector<16xf32>,
      %parallel_loop3A_86 = arith.mulf %parallel_loop3A_85, %parallel_loop3A_85 : vector<16xf32>
      %parallel_loop3A_87 = arith.addf %parallel_loop3A_76, %parallel_loop3A_86 : vector<16xf32>
      %parallel_loop3A_88 = arith.index_cast %parallel_loop3A_74 : i32 to index
      %parallel_loop3A_89 = arith.constant 16 : index
      %parallel_loop3A_90 = tpu.vector_load %arg11[%parallel_loop3A_88, %parallel_loop3A_89] {strides = array<i32>} : memref<80x128xf32, #tpu.memory_space<vmem>>, vector<16xf32>,
      %parallel_loop3A_91 = arith.mulf %parallel_loop3A_90, %parallel_loop3A_90 : vector<16xf32>
      %parallel_loop3A_92 = arith.addf %parallel_loop3A_78, %parallel_loop3A_91 : vector<16xf32>
      %parallel_loop3A_93 = arith.index_cast %parallel_loop3A_74 : i32 to index
      %parallel_loop3A_94 = arith.constant 32 : index
      %parallel_loop3A_95 = tpu.vector_load %arg11[%parallel_loop3A_93, %parallel_loop3A_94] {strides = array<i32>} : memref<80x128xf32, #tpu.memory_space<vmem>>, vector<16xf32>,
      %parallel_loop3A_96 = arith.mulf %parallel_loop3A_95, %parallel_loop3A_95 : vector<16xf32>
      %parallel_loop3A_97 = arith.addf %parallel_loop3A_80, %parallel_loop3A_96 : vector<16xf32>
      %parallel_loop3A_98 = arith.index_cast %parallel_loop3A_74 : i32 to index
      %parallel_loop3A_99 = arith.constant 48 : index
      %parallel_loop3A_100 = tpu.vector_load %arg11[%parallel_loop3A_98, %parallel_loop3A_99] {strides = array<i32>} : memref<80x128xf32, #tpu.memory_space<vmem>>, vector<16xf32>,
      %parallel_loop3A_101 = arith.mulf %parallel_loop3A_100, %parallel_loop3A_100 : vector<16xf32>
      %parallel_loop3A_102 = arith.addf %parallel_loop3A_82, %parallel_loop3A_101 : vector<16xf32>
      %parallel_loop3A_103 = arith.index_cast %parallel_loop3A_74 : i32 to index
      %parallel_loop3A_104 = arith.constant 64 : index
      %parallel_loop3A_105 = tpu.vector_load %arg11[%parallel_loop3A_103, %parallel_loop3A_104] {strides = array<i32>} : memref<80x128xf32, #tpu.memory_space<vmem>>, vector<16xf32>,
      %parallel_loop3A_106 = arith.mulf %parallel_loop3A_105, %parallel_loop3A_105 : vector<16xf32>
      %parallel_loop3A_107 = arith.addf %parallel_loop3A_87, %parallel_loop3A_106 : vector<16xf32>
      %parallel_loop3A_108 = arith.index_cast %parallel_loop3A_74 : i32 to index
      %parallel_loop3A_109 = arith.constant 80 : index
      %parallel_loop3A_110 = tpu.vector_load %arg11[%parallel_loop3A_108, %parallel_loop3A_109] {strides = array<i32>} : memref<80x128xf32, #tpu.memory_space<vmem>>, vector<16xf32>,
      %parallel_loop3A_111 = arith.mulf %parallel_loop3A_110, %parallel_loop3A_110 : vector<16xf32>
      %parallel_loop3A_112 = arith.addf %parallel_loop3A_92, %parallel_loop3A_111 : vector<16xf32>
      %parallel_loop3A_113 = arith.index_cast %parallel_loop3A_74 : i32 to index
      %parallel_loop3A_114 = arith.constant 96 : index
      %parallel_loop3A_115 = tpu.vector_load %arg11[%parallel_loop3A_113, %parallel_loop3A_114] {strides = array<i32>} : memref<80x128xf32, #tpu.memory_space<vmem>>, vector<16xf32>,
      %parallel_loop3A_116 = arith.mulf %parallel_loop3A_115, %parallel_loop3A_115 : vector<16xf32>
      %parallel_loop3A_117 = arith.addf %parallel_loop3A_97, %parallel_loop3A_116 : vector<16xf32>
      %parallel_loop3A_118 = arith.index_cast %parallel_loop3A_74 : i32 to index
      %parallel_loop3A_119 = arith.constant 112 : index
      %parallel_loop3A_120 = tpu.vector_load %arg11[%parallel_loop3A_118, %parallel_loop3A_119] {strides = array<i32>} : memref<80x128xf32, #tpu.memory_space<vmem>>, vector<16xf32>,
      %parallel_loop3A_121 = arith.mulf %parallel_loop3A_120, %parallel_loop3A_120 : vector<16xf32>
      %parallel_loop3A_122 = arith.addf %parallel_loop3A_102, %parallel_loop3A_121 : vector<16xf32>
      %parallel_loop3A_123 = arith.addf %parallel_loop3A_107, %parallel_loop3A_112 : vector<16xf32>
      %parallel_loop3A_124 = arith.addf %parallel_loop3A_117, %parallel_loop3A_122 : vector<16xf32>
      %parallel_loop3A_125 = arith.addf %parallel_loop3A_123, %parallel_loop3A_124 : vector<16xf32>
      %parallel_loop3A_126 = arith.constant 16 : i32
      %parallel_loop3A_127 = arith.muli %parallel_loop3A_74, %parallel_loop3A_126 : i32
      %parallel_loop3A_128 = arith.index_cast %parallel_loop3A_127 : i32 to index
      %parallel_loop3A_129 = tpu.vector_load %arg13[%parallel_loop3A_128] {strides = array<i32>} : memref<1280xf32, #tpu.memory_space<vmem>>, vector<16xf32>,
      tpu.vector_store %arg13[%parallel_loop3A_128], %parallel_loop3A_125 {strides = array<i32>} : memref<1280xf32, #tpu.memory_space<vmem>>, vector<16xf32>,
    } {sc.loop_unroll_factor = 8 : i64, sc.parallel_access}
    %scan3A_69 = arith.constant 0 : i32
    %scan3A_70 = arith.constant 5 : i32
    %scan3A_71 = arith.addi %scan3A_69, %scan3A_70 : i32
    %scan3A_72 = arith.constant 1 : i32
    scf.for %scan3A_74 = %scan3A_69 to %scan3A_71 step %scan3A_72  : i32 {
      %broadcast_in_dim3A = arith.constant 0.000000e+00 : f32
      %broadcast_in_dim3A_75 = vector.broadcast %broadcast_in_dim3A : f32 to vector<16xf32>
      %iota3A = tpu.iota {dimensions = array<i32: 0>} : vector<16xi32>
      %mul3A_76 = arith.constant 16 : i32
      %mul3A_77 = vector.broadcast %mul3A_76 : i32 to vector<16xi32>
      %mul3A_78 = arith.muli %iota3A, %mul3A_77 : vector<16xi32>
      %mul3A_79 = arith.constant 256 : i32
      %mul3A_80 = arith.muli %scan3A_74, %mul3A_79 : i32
      %add3A_81 = vector.broadcast %mul3A_80 : i32 to vector<16xi32>
      %add3A_82 = arith.addi %mul3A_78, %add3A_81 : vector<16xi32>
      %add3A_83 = arith.constant 0 : i32
      %add3A_84 = vector.broadcast %add3A_83 : i32 to vector<16xi32>
      %add3A_85 = arith.addi %add3A_82, %add3A_84 : vector<16xi32>
      %gather3A = tpu.vector_load_idx %arg13[%add3A_85] : memref<1280xf32, #tpu.memory_space<vmem>>[vector<16xi32>], vector<16xf32>,
      %add3A_86 = arith.addf %broadcast_in_dim3A_75, %gather3A : vector<16xf32>
      %add3A_87 = arith.constant 1 : i32
      %add3A_88 = vector.broadcast %add3A_87 : i32 to vector<16xi32>
      %add3A_89 = arith.addi %add3A_82, %add3A_88 : vector<16xi32>
      %gather3A_90 = tpu.vector_load_idx %arg13[%add3A_89] : memref<1280xf32, #tpu.memory_space<vmem>>[vector<16xi32>], vector<16xf32>,
      %add3A_91 = arith.addf %add3A_86, %gather3A_90 : vector<16xf32>
      %add3A_92 = arith.constant 2 : i32
      %add3A_93 = vector.broadcast %add3A_92 : i32 to vector<16xi32>
      %add3A_94 = arith.addi %add3A_82, %add3A_93 : vector<16xi32>
      %gather3A_95 = tpu.vector_load_idx %arg13[%add3A_94] : memref<1280xf32, #tpu.memory_space<vmem>>[vector<16xi32>], vector<16xf32>,
      %add3A_96 = arith.addf %add3A_91, %gather3A_95 : vector<16xf32>
      %add3A_97 = arith.constant 3 : i32
      %add3A_98 = vector.broadcast %add3A_97 : i32 to vector<16xi32>
      %add3A_99 = arith.addi %add3A_82, %add3A_98 : vector<16xi32>
      %gather3A_100 = tpu.vector_load_idx %arg13[%add3A_99] : memref<1280xf32, #tpu.memory_space<vmem>>[vector<16xi32>], vector<16xf32>,
      %add3A_101 = arith.addf %add3A_96, %gather3A_100 : vector<16xf32>
      %add3A_102 = arith.constant 4 : i32
      %add3A_103 = vector.broadcast %add3A_102 : i32 to vector<16xi32>
      %add3A_104 = arith.addi %add3A_82, %add3A_103 : vector<16xi32>
      %gather3A_105 = tpu.vector_load_idx %arg13[%add3A_104] : memref<1280xf32, #tpu.memory_space<vmem>>[vector<16xi32>], vector<16xf32>,
      %add3A_106 = arith.addf %add3A_101, %gather3A_105 : vector<16xf32>
      %add3A_107 = arith.constant 5 : i32
      %add3A_108 = vector.broadcast %add3A_107 : i32 to vector<16xi32>
      %add3A_109 = arith.addi %add3A_82, %add3A_108 : vector<16xi32>
      %gather3A_110 = tpu.vector_load_idx %arg13[%add3A_109] : memref<1280xf32, #tpu.memory_space<vmem>>[vector<16xi32>], vector<16xf32>,
      %add3A_111 = arith.addf %add3A_106, %gather3A_110 : vector<16xf32>
      %add3A_112 = arith.constant 6 : i32
      %add3A_113 = vector.broadcast %add3A_112 : i32 to vector<16xi32>
      %add3A_114 = arith.addi %add3A_82, %add3A_113 : vector<16xi32>
      %gather3A_115 = tpu.vector_load_idx %arg13[%add3A_114] : memref<1280xf32, #tpu.memory_space<vmem>>[vector<16xi32>], vector<16xf32>,
      %add3A_116 = arith.addf %add3A_111, %gather3A_115 : vector<16xf32>
      %add3A_117 = arith.constant 7 : i32
      %add3A_118 = vector.broadcast %add3A_117 : i32 to vector<16xi32>
      %add3A_119 = arith.addi %add3A_82, %add3A_118 : vector<16xi32>
      %gather3A_120 = tpu.vector_load_idx %arg13[%add3A_119] : memref<1280xf32, #tpu.memory_space<vmem>>[vector<16xi32>], vector<16xf32>,
      %add3A_121 = arith.addf %add3A_116, %gather3A_120 : vector<16xf32>
      %add3A_122 = arith.constant 8 : i32
      %add3A_123 = vector.broadcast %add3A_122 : i32 to vector<16xi32>
      %add3A_124 = arith.addi %add3A_82, %add3A_123 : vector<16xi32>
      %gather3A_125 = tpu.vector_load_idx %arg13[%add3A_124] : memref<1280xf32, #tpu.memory_space<vmem>>[vector<16xi32>], vector<16xf32>,
      %add3A_126 = arith.addf %add3A_121, %gather3A_125 : vector<16xf32>
      %add3A_127 = arith.constant 9 : i32
      %add3A_128 = vector.broadcast %add3A_127 : i32 to vector<16xi32>
      %add3A_129 = arith.addi %add3A_82, %add3A_128 : vector<16xi32>
      %gather3A_130 = tpu.vector_load_idx %arg13[%add3A_129] : memref<1280xf32, #tpu.memory_space<vmem>>[vector<16xi32>], vector<16xf32>,
      %add3A_131 = arith.addf %add3A_126, %gather3A_130 : vector<16xf32>
      %add3A_132 = arith.constant 10 : i32
      %add3A_133 = vector.broadcast %add3A_132 : i32 to vector<16xi32>
      %add3A_134 = arith.addi %add3A_82, %add3A_133 : vector<16xi32>
      %gather3A_135 = tpu.vector_load_idx %arg13[%add3A_134] : memref<1280xf32, #tpu.memory_space<vmem>>[vector<16xi32>], vector<16xf32>,
      %add3A_136 = arith.addf %add3A_131, %gather3A_135 : vector<16xf32>
      %add3A_137 = arith.constant 11 : i32
      %add3A_138 = vector.broadcast %add3A_137 : i32 to vector<16xi32>
      %add3A_139 = arith.addi %add3A_82, %add3A_138 : vector<16xi32>
      %gather3A_140 = tpu.vector_load_idx %arg13[%add3A_139] : memref<1280xf32, #tpu.memory_space<vmem>>[vector<16xi32>], vector<16xf32>,
      %add3A_141 = arith.addf %add3A_136, %gather3A_140 : vector<16xf32>
      %add3A_142 = arith.constant 12 : i32
      %add3A_143 = vector.broadcast %add3A_142 : i32 to vector<16xi32>
      %add3A_144 = arith.addi %add3A_82, %add3A_143 : vector<16xi32>
      %gather3A_145 = tpu.vector_load_idx %arg13[%add3A_144] : memref<1280xf32, #tpu.memory_space<vmem>>[vector<16xi32>], vector<16xf32>,
      %add3A_146 = arith.addf %add3A_141, %gather3A_145 : vector<16xf32>
      %add3A_147 = arith.constant 13 : i32
      %add3A_148 = vector.broadcast %add3A_147 : i32 to vector<16xi32>
      %add3A_149 = arith.addi %add3A_82, %add3A_148 : vector<16xi32>
      %gather3A_150 = tpu.vector_load_idx %arg13[%add3A_149] : memref<1280xf32, #tpu.memory_space<vmem>>[vector<16xi32>], vector<16xf32>,
      %add3A_151 = arith.addf %add3A_146, %gather3A_150 : vector<16xf32>
      %add3A_152 = arith.constant 14 : i32
      %add3A_153 = vector.broadcast %add3A_152 : i32 to vector<16xi32>
      %add3A_154 = arith.addi %add3A_82, %add3A_153 : vector<16xi32>
      %gather3A_155 = tpu.vector_load_idx %arg13[%add3A_154] : memref<1280xf32, #tpu.memory_space<vmem>>[vector<16xi32>], vector<16xf32>,
      %add3A_156 = arith.addf %add3A_151, %gather3A_155 : vector<16xf32>
      %add3A_157 = arith.constant 15 : i32
      %add3A_158 = vector.broadcast %add3A_157 : i32 to vector<16xi32>
      %add3A_159 = arith.addi %add3A_82, %add3A_158 : vector<16xi32>
      %gather3A_160 = tpu.vector_load_idx %arg13[%add3A_159] : memref<1280xf32, #tpu.memory_space<vmem>>[vector<16xi32>], vector<16xf32>,
      %add3A_161 = arith.addf %add3A_156, %gather3A_160 : vector<16xf32>
      %max3A = arith.constant 1.000000e-30 : f32
      %max3A_162 = vector.broadcast %max3A : f32 to vector<16xf32>
      %max3A_163 = arith.maximumf %add3A_161, %max3A_162 : vector<16xf32>
      %bitcast3A = vector.bitcast %max3A_163 : vector<16xf32> to vector<16xi32>
      %shift_right_arithmetic3A = arith.constant 1 : i32
      %shift_right_arithmetic3A_164 = vector.broadcast %shift_right_arithmetic3A : i32 to vector<16xi32>
      %shift_right_arithmetic3A_165 = arith.shrsi %bitcast3A, %shift_right_arithmetic3A_164 : vector<16xi32>
      %sub3A = arith.constant 1597463007 : i32
      %sub3A_166 = vector.broadcast %sub3A : i32 to vector<16xi32>
      %sub3A_167 = arith.subi %sub3A_166, %shift_right_arithmetic3A_165 : vector<16xi32>
      %bitcast3A_168 = vector.bitcast %sub3A_167 : vector<16xi32> to vector<16xf32>
      %mul3A_169 = arith.constant 5.000000e-01 : f32
      %mul3A_170 = vector.broadcast %mul3A_169 : f32 to vector<16xf32>
      %mul3A_171 = arith.mulf %mul3A_170, %max3A_163 : vector<16xf32>
      %mul3A_172 = arith.mulf %mul3A_171, %bitcast3A_168 : vector<16xf32>
      %mul3A_173 = arith.mulf %mul3A_172, %bitcast3A_168 : vector<16xf32>
      %sub3A_174 = arith.constant 1.500000e+00 : f32
      %sub3A_175 = vector.broadcast %sub3A_174 : f32 to vector<16xf32>
      %sub3A_176 = arith.subf %sub3A_175, %mul3A_173 : vector<16xf32>
      %mul3A_177 = arith.mulf %bitcast3A_168, %sub3A_176 : vector<16xf32>
      %mul3A_178 = arith.constant 5.000000e-01 : f32
      %mul3A_179 = vector.broadcast %mul3A_178 : f32 to vector<16xf32>
      %mul3A_180 = arith.mulf %mul3A_179, %max3A_163 : vector<16xf32>
      %mul3A_181 = arith.mulf %mul3A_180, %mul3A_177 : vector<16xf32>
      %mul3A_182 = arith.mulf %mul3A_181, %mul3A_177 : vector<16xf32>
      %sub3A_183 = arith.constant 1.500000e+00 : f32
      %sub3A_184 = vector.broadcast %sub3A_183 : f32 to vector<16xf32>
      %sub3A_185 = arith.subf %sub3A_184, %mul3A_182 : vector<16xf32>
      %mul3A_186 = arith.mulf %mul3A_177, %sub3A_185 : vector<16xf32>
      %mul3A_187 = arith.constant 5.000000e-01 : f32
      %mul3A_188 = vector.broadcast %mul3A_187 : f32 to vector<16xf32>
      %mul3A_189 = arith.mulf %mul3A_188, %max3A_163 : vector<16xf32>
      %mul3A_190 = arith.mulf %mul3A_189, %mul3A_186 : vector<16xf32>
      %mul3A_191 = arith.mulf %mul3A_190, %mul3A_186 : vector<16xf32>
      %sub3A_192 = arith.constant 1.500000e+00 : f32
      %sub3A_193 = vector.broadcast %sub3A_192 : f32 to vector<16xf32>
      %sub3A_194 = arith.subf %sub3A_193, %mul3A_191 : vector<16xf32>
      %mul3A_195 = arith.mulf %mul3A_186, %sub3A_194 : vector<16xf32>
      %mul3A_196 = arith.mulf %max3A_163, %mul3A_195 : vector<16xf32>
      %sub3A_197 = arith.constant 1.000000e+00 : f32
      %sub3A_198 = vector.broadcast %sub3A_197 : f32 to vector<16xf32>
      %sub3A_199 = arith.subf %mul3A_196, %sub3A_198 : vector<16xf32>
      %exp3A = math.exp %sub3A_199 : vector<16xf32>
      %add3A_200 = arith.constant 1.000000e+00 : f32
      %add3A_201 = vector.broadcast %add3A_200 : f32 to vector<16xf32>
      %add3A_202 = arith.addf %add3A_201, %exp3A : vector<16xf32>
      %div3A = arith.constant 1.000000e+00 : f32
      %div3A_203 = vector.broadcast %div3A : f32 to vector<16xf32>
      %div3A_204 = arith.divf %div3A_203, %add3A_202 : vector<16xf32>
      %mul3A_205 = arith.constant 16 : i32
      %mul3A_206 = arith.muli %scan3A_74, %mul3A_205 : i32
      %add3A_207 = arith.constant 9920 : i32
      %add3A_208 = arith.addi %add3A_207, %mul3A_206 : i32
      %swap3A = arith.index_cast %add3A_208 : i32 to index
      %swap3A_209 = tpu.vector_load %arg9[%swap3A] {strides = array<i32>} : memref<10000xf32, #tpu.memory_space<vmem>>, vector<16xf32>,
      tpu.vector_store %arg9[%swap3A], %div3A_204 {strides = array<i32>} : memref<10000xf32, #tpu.memory_space<vmem>>, vector<16xf32>,
    }
    %scan3A_73 = arith.constant 5 : i32
    "tpu.region"() ({
      %run_scoped3A = tpu.sem_alloc : memref<!tpu.dma_semaphore, #tpu.memory_space<semaphore_mem>>
      %dma_start3A_74 = tpu.memref_slice %arg6[%multiple_of3A] : memref<320000xf32, #tpu.memory_space<hbm>> -> memref<10000xf32, #tpu.memory_space<hbm>>
      %dma_start3A_75 = tpu.memref_slice %arg6[%multiple_of3A] : memref<320000xf32, #tpu.memory_space<hbm>> -> memref<10000xf32, #tpu.memory_space<hbm>>
      tpu.enqueue_dma source(%arg9 : memref<10000xf32, #tpu.memory_space<vmem>>) target(%dma_start3A_75 : memref<10000xf32, #tpu.memory_space<hbm>>) target_semaphore(%run_scoped3A : memref<!tpu.dma_semaphore, #tpu.memory_space<semaphore_mem>>)
      %dma_wait3A_76 = tpu.memref_slice %arg6[%multiple_of3A] : memref<320000xf32, #tpu.memory_space<hbm>> -> memref<10000xf32, #tpu.memory_space<hbm>>
      %dma_wait3A_77 = tpu.memref_slice %arg6[%multiple_of3A] : memref<320000xf32, #tpu.memory_space<hbm>> -> memref<10000xf32, #tpu.memory_space<hbm>>
      tpu.wait_dma2 semaphore(%run_scoped3A : memref<!tpu.dma_semaphore, #tpu.memory_space<semaphore_mem>>) src(%arg9 : memref<10000xf32, #tpu.memory_space<vmem>>) dst(%dma_wait3A_77 : memref<10000xf32, #tpu.memory_space<hbm>>)
      tpu.yield
    }) : () -> ()
    return
  }
}

module attributes {stable_mosaic.version = 14 : i64} {
  func.func @body(%arg0: i32, %arg1: memref<1000x128xf32, #tpu.memory_space<vmem>>, %arg2: memref<1000x128xf32, #tpu.memory_space<vmem>>, %arg3: memref<1000x128xf32, #tpu.memory_space<vmem>>) attributes {dimension_semantics = [#tpu.dimension_semantics<arbitrary>], iteration_bounds = array<i64: 10>, scalar_prefetch = 0 : i64, scratch_operands = 0 : i64, tpu.core_type = #tpu.core_type<tc>, window_params = [{transform_indices = @transform_0, window_bounds = array<i64: 1000, 128>}, {transform_indices = @transform_1, window_bounds = array<i64: 1000, 128>}, {transform_indices = @transform_2, window_bounds = array<i64: 1000, 128>}]} {
    %get3A = arith.constant 0 : index
    %get3A_0 = arith.constant 0 : index
    %get3A_1 = vector.load %arg1[%get3A, %get3A_0] : memref<1000x128xf32, #tpu.memory_space<vmem>>, vector<1000x128xf32>
    %mul3A = arith.mulf %get3A_1, %get3A_1 : vector<1000x128xf32>
    %reduce_sum3A = arith.constant dense<0.000000e+00> : vector<1000xf32>
    %reduce_sum3A_2 = vector.multi_reduction <add>, %mul3A, %reduce_sum3A [1] : vector<1000x128xf32> to vector<1000xf32>
    %broadcast_in_dim3A = vector.shape_cast %reduce_sum3A_2 : vector<1000xf32> to vector<1000x1xf32>
    %rsqrt3A = math.rsqrt %broadcast_in_dim3A : vector<1000x1xf32>
    %mul3A_3 = vector.broadcast %rsqrt3A : vector<1000x1xf32> to vector<1000x128xf32>
    %mul3A_4 = arith.mulf %get3A_1, %mul3A_3 : vector<1000x128xf32>
    %swap3A = arith.constant 0 : index
    %swap3A_5 = arith.constant 0 : index
    %swap3A_6 = vector.load %arg2[%swap3A, %swap3A_5] : memref<1000x128xf32, #tpu.memory_space<vmem>>, vector<1000x128xf32>
    tpu.vector_store %arg2[%swap3A, %swap3A_5], %mul3A_4 {strides = array<i32>} : memref<1000x128xf32, #tpu.memory_space<vmem>>, vector<1000x128xf32>,
    %neg3A = arith.constant 0.000000e+00 : f32
    %neg3A_7 = vector.broadcast %neg3A : f32 to vector<1000x128xf32>
    %neg3A_8 = arith.subf %neg3A_7, %mul3A_4 : vector<1000x128xf32>
    %swap3A_9 = arith.constant 0 : index
    %swap3A_10 = arith.constant 0 : index
    %swap3A_11 = vector.load %arg3[%swap3A_9, %swap3A_10] : memref<1000x128xf32, #tpu.memory_space<vmem>>, vector<1000x128xf32>
    tpu.vector_store %arg3[%swap3A_9, %swap3A_10], %neg3A_8 {strides = array<i32>} : memref<1000x128xf32, #tpu.memory_space<vmem>>, vector<1000x128xf32>,
    return
  }
  func.func @transform_0(%arg0: i32) -> (i32, i32) {
    %c0_i32 = arith.constant 0 : i32
    %c0_i32_0 = arith.constant 0 : i32
    return %arg0, %c0_i32 : i32, i32
  }
  func.func @transform_1(%arg0: i32) -> (i32, i32) {
    %c0_i32 = arith.constant 0 : i32
    %c0_i32_0 = arith.constant 0 : i32
    return %arg0, %c0_i32 : i32, i32
  }
  func.func @transform_2(%arg0: i32) -> (i32, i32) {
    %c0_i32 = arith.constant 0 : i32
    %c0_i32_0 = arith.constant 0 : i32
    return %arg0, %c0_i32 : i32, i32
  }
}

</mosaic_0001>

<sc_bundles>
// kernel: kernel.4.cloned.1.call-start
scs
__scs_entry_jumppad:
0x0: {  	(pc) =	sbr.rel $0x88, $3  }
0x1: {  	(tag) =	ssettag $0x0;
	lr =	simm.s32 $0x1  }
0x2: {  	[smem:$0x3F9F] =	sst lr;
	_ =	strace $0xD0000000  }
0x3: {  	_ = 	snop  }
0x4: {  	_ = 	snop  }
0x5: {  	_ = 	snop  }
0x6: {  	_ = 	snop  }
0x7: {  	_ = 	snop  }
__scs_overlays_trampoline_lowered:
0x8: {  	[smem:$0x3FAE] =	sst s0  }
0x9: {  	[smem:$0x3FAF] =	sst s1  }
0xa: {  	[smem:$0x3FB0] =	sst s2  }
0xb: {  	[smem:$0x3FB1] =	sst s3  }
0xc: {  	[smem:$0x3FB2] =	sst s4  }
0xd: {  	[smem:$0x3FB3] =	sst s5  }
0xe: {  	[smem:$0x3FB4] =	sst s6  }
0xf: {  	[smem:$0x3FB5] =	sst s7  }
0x10: {  	[smem:$0x3FB6] =	sst s8  }
0x11: {  	[smem:$0x3FB7] =	sst s9;
	s0 =	simm.s32 @!p0 $0x0  }
0x12: {  	s1 =	sld [smem:$0x3F9D];
	s0 =	simm.s32 @p0 $0x1  }
0x13: {  	[smem:$0x3FB8] =	sst s0;
	s0 =	simm.s32 @!p1 $0x0  }
0x14: {  	s2 =	sld [smem:$0x3F9C];
	s0 =	simm.s32 @p1 $0x1  }
0x15: {  	[smem:$0x3FB9] =	sst s0;
	s0 =	simm.s32 @!p2 $0x0  }
0x16: {  	s3 =	sld [smem:$0x3FDB];
	s0 =	simm.s32 @p2 $0x1  }
0x17: {  	s4 =	simm.s32 $0x1BF5;
	[smem:$0x3FBB] =	sst s0  }
0x18: {  	s0 =	sld [smem:$0x3F9E];
	_ =	swait.ge [sflag:s4], $0x0  }
0x19: {  	s7 =	sld [smem:$0x3F9F]  }
0x1a: {  	s8 =	sadd.s32 $0xFFFFE003, lr  }
0x1b: {  	s9 =	sadd.s32 $0xFFFFFEF7, lr;
	s5 =	simm.s32 $0xFFFFFFFF;
	p2 =	slt.u32 s8, $0xFFFFF086  }
0x1c: {  	p1 =	slt.u32 s9, $0xF7A;
	s5 =	simm.s32 @!p2 $0x0  }
0x1d: {  	s5 =	simm.s32 @p1 $0x1;
	p0 =	seq.s32 s7, s2  }
0x1e: {  	s7 =	smul.u32 @!p0 $0xF7A, s2;
	p2 =	seq.s32 @!p0 s5, $0x0  }
0x1f: {  	s9 =	smul.u32 $0xF7A, s1;
	s8 =	simm.s32 @!p0 $0x1BF5;
	p2 =	por !p2, p0  }
0x20: {  	[sflag:s8] =	ssyncset.s32 @!p0 $0xFFFFF086;
	s6 =	sadd.s32 @!p0 s3, s7;
	s7 =	simm.s32 @!p0 $0x108  }
0x21: {  	s3 =	sadd.s32 s3, s9;
	s6 =	sadd.s32 @!p0 $0x88, s6;
	s7 =	simm.s32 @p2 $0x1082  }
0x22: {  	[simem:s7], [sflag:s8] =	dma.local @!p0 [hbm:s6], $0xF7A  }
0x23: {  	s9 =	sor.u32 $0xD0000000, s2;
	s6 =	simm.s32 $0x108;
	_ =	swait.ge @!p0 [sflag:s8], $0x0  }
0x24: {  	s3 =	sadd.s32 $0x88, s3;
	s6 =	simm.s32 @!p1 $0x1082;
	[sflag:s4] =	ssyncset.s32 $0xFFFFF086  }
0x25: {  	[simem:s6], [sflag:s4] =	dma.local [hbm:s3], $0xF7A  }
0x26: {  	[smem:$0x3F9F] =	sst s1;
	(tag) =	ssettag s2;
	_ =	strace s9  }
0x27: {  	s1 =	sld [smem:$0x3FAF]  }
0x28: {  	s2 =	sld [smem:$0x3FB0]  }
0x29: {  	s4 =	sld [smem:$0x3FB2]  }
0x2a: {  	p0 =	seq.s32 s5, $0x0;
	s5 =	sld [smem:$0x3FB3]  }
0x2b: {  	s6 =	sld [smem:$0x3FB4]  }
0x2c: {  	s7 =	sld [smem:$0x3FB5]  }
0x2d: {  	s3 =	simm.s32 $0x108;
	s8 =	sld [smem:$0x3FB6]  }
0x2e: {  	s3 =	simm.s32 @!p0 $0x1082;
	s9 =	sld [smem:$0x3FB7]  }
0x2f: {  	lr =	sadd.s32 s0, s3;
	s0 =	sld [smem:$0x3FAE]  }
0x30: {  	s3 =	sld [smem:$0x3FB1]  }
0x31: {  	[smem:$0x3FBA] =	sst s10  }
0x32: {  	s10 =	sld [smem:$0x3FB8];
	_ =	sdelay $0x3  }
0x33: {  	p0 =	seq.s32 s10, $0x1;
	s10 =	sld [smem:$0x3FBA];
	_ =	sdelay $0x3  }
0x34: {  	[smem:$0x3FBA] =	sst s10  }
0x35: {  	s10 =	sld [smem:$0x3FB9];
	_ =	sdelay $0x3  }
0x36: {  	p1 =	seq.s32 s10, $0x1;
	s10 =	sld [smem:$0x3FBA];
	_ =	sdelay $0x3  }
0x37: {  	[smem:$0x3FBA] =	sst s10  }
0x38: {  	s10 =	sld [smem:$0x3FBB]  }
0x39: {  	_ = 	snop;
	(pc) =	sbr.ind lr, $3  }
0x3a: {  	_ = 	snop  }
0x3b: {  	_ = 	snop  }
0x3c: {  	p2 =	seq.s32 s10, $0x1;
	s10 =	sld [smem:$0x3FBA]  }
0x3d: {  	_ =	shalt  }
0x3e: {  	_ =	shalt  }
0x3f: {  	_ =	shalt  }
0x40: {  	_ =	shalt  }
0x41: {  	_ =	shalt  }
0x42: {  	_ =	shalt  }
0x43: {  	_ =	shalt  }
0x44: {  	_ =	shalt  }
0x45: {  	_ =	shalt  }
0x46: {  	_ =	shalt  }
0x47: {  	_ =	shalt  }
0x48: {  	_ =	shalt  }
0x49: {  	_ =	shalt  }
0x4a: {  	_ =	shalt  }
0x4b: {  	_ =	shalt  }
0x4c: {  	_ =	shalt  }
0x4d: {  	_ =	shalt  }
0x4e: {  	_ =	shalt  }
0x4f: {  	_ =	shalt  }
0x50: {  	_ =	shalt  }
0x51: {  	_ =	shalt  }
0x52: {  	_ =	shalt  }
0x53: {  	_ =	shalt  }
0x54: {  	_ =	shalt  }
0x55: {  	_ =	shalt  }
0x56: {  	_ =	shalt  }
0x57: {  	_ =	shalt  }
0x58: {  	_ =	shalt  }
0x59: {  	_ =	shalt  }
0x5a: {  	_ =	shalt  }
0x5b: {  	_ =	shalt  }
0x5c: {  	_ =	shalt  }
0x5d: {  	_ =	shalt  }
0x5e: {  	_ =	shalt  }
0x5f: {  	_ =	shalt  }
0x60: {  	_ =	shalt  }
0x61: {  	_ =	shalt  }
0x62: {  	_ =	shalt  }
0x63: {  	_ =	shalt  }
0x64: {  	_ =	shalt  }
0x65: {  	_ =	shalt  }
0x66: {  	_ =	shalt  }
0x67: {  	_ =	shalt  }
0x68: {  	_ =	shalt  }
0x69: {  	_ =	shalt  }
0x6a: {  	_ =	shalt  }
0x6b: {  	_ =	shalt  }
0x6c: {  	_ =	shalt  }
0x6d: {  	_ =	shalt  }
0x6e: {  	_ =	shalt  }
0x6f: {  	_ =	shalt  }
0x70: {  	_ =	shalt  }
0x71: {  	_ =	shalt  }
0x72: {  	_ =	shalt  }
0x73: {  	_ =	shalt  }
0x74: {  	_ =	shalt  }
0x75: {  	_ =	shalt  }
0x76: {  	_ =	shalt  }
0x77: {  	_ =	shalt  }
0x78: {  	_ =	shalt  }
0x79: {  	_ =	shalt  }
0x7a: {  	_ =	shalt  }
0x7b: {  	_ =	shalt  }
0x7c: {  	_ =	shalt  }
0x7d: {  	_ =	shalt  }
0x7e: {  	_ =	shalt  }
0x7f: {  	_ =	shalt  }
0x80: {  	_ =	shalt  }
0x81: {  	_ =	shalt  }
0x82: {  	_ =	shalt  }
0x83: {  	_ =	shalt  }
0x84: {  	_ =	shalt  }
0x85: {  	_ =	shalt  }
0x86: {  	_ =	shalt  }
0x87: {  	_ =	shalt  }
.Lfunc_end0:
.L_simem_size_0:
called_computation_lowered:
.L_overlay_start_0:
0x88: {  	s2 =	sld [smem:$0x3FD9]  }
0x89: {  	s3 =	sld [smem:$0x3FFE];
	_ =	sdelay $0x1  }
0x8a: {  	s1 =	srdreg.scid  }
0x8b: {  	s0 =	sand.u32 $0x1, s1  }
0x8c: {  	s17 =	sshll.u32 s0, $0xA;
	s2 =	sadd.s32 s3, s2  }
0x8d: {  	s2 =	sadd.s32 s2, s17  }
0x8e: {  	[smem:$0x3FC6] =	sst s2  }
0x8f: {  	_ = 	snop  }
0x90: {  	s2 =	sld [smem:$0x3FD0];
	(tm) =	ssettm $0x1  }
0x91: {  	s18 =	sld [smem:$0x3FFB];
	_ =	sdelay $0x3  }
0x92: {  	_ =	strace s18  }
0x93: {  	s3 =	sld [smem:$0x3FFC];
	_ =	sdelay $0x3  }
0x94: {  	_ =	strace s3  }
0x95: {  	s3 =	sld [smem:$0x3FFD];
	_ =	sdelay $0x3  }
0x96: {  	_ =	strace s3  }
0x97: {  	_ =	strace $0x8FFFFFFF  }
0x98: {  	s19 =	sld [smem:$0x3FDB];
	_ =	sdelay $0x1  }
0x99: {  	s4 =	simm.s32 $_scs_section_size  }
0x9a: {  	s5 =	simm.s32 $_size__tile_overlayer_lowered;
	s6 =	simm.s32 $_tile_overlayer_lowered  }
0x9b: {  	s22 =	simm.s32 $0x1BFF;
	s21 =	sshll.u32 s6, $0x1;
	s3 =	sadd.s32 s4, s19  }
0x9c: {  	s7 =	simm.s32 $0x0;
	s20 =	sshll.u32 s5, $0x1;
	s5 =	sadd.s32 s21, s3  }
0x9d: {  	[timem:s7], [sflag:s22] =	dma.local [hbm:s5], s20  }
0x9e: {  	_ =	swait.ge [sflag:s22], s20  }
0x9f: {  	s4 =	ssub.s32 $0x0, s20;
	[sflag:s22] =	ssyncset.done $0x0  }
0xa0: {  	[sflag:s22] =	ssyncadd.s32 s4;
	_ =	sdelay $0x1  }
0xa1: {  	s23 =	simm.s32 $0x1B8B  }
0xa2: {  	_ =	swait.ge [sflag:s23], $0x1  }
0xa3: {  	[sflag:s23] =	ssyncset.done $0x0  }
0xa4: {  	s25 =	simm.s32 $0x1B8E;
	s24 =	sld [smem:$0x3FFE];
	[sflag:s23] =	ssyncadd.s32 $0xFFFFFFFF  }
0xa5: {  	s26 =	simm.s32 $execute0_lowered;
	[smem:$0x3FD2] =	sst s25  }
0xa6: {  	s5 =	sshll.u32 s26, $0x1;
	_ =	strace $0x80000046;
	[dreg:$0x1] =	wrdreg $0xFFFFFFFF  }
0xa7: {  	s28 =	simm.s32 $_size_execute0_lowered;
	s3 =	sadd.s32 s3, s5;
	[dreg:$0x0] =	wrdreg $0x0  }
0xa8: {  	s5 =	sshll.u32 s28, $0x1;
	[dreg:$0x2] =	wrdreg s3  }
0xa9: {  	[dreg:$0x3] =	wrdreg s5  }
0xaa: {  	[dreg:$0x4] =	wrdreg $0xC0  }
0xab: {  	_ =	task [dreg:s7], $0x5FFFF  }
0xac: {  	[dreg:$0x1] =	wrdreg $0xFFFFFFFF  }
0xad: {  	[dreg:$0x0] =	wrdreg $0x60  }
0xae: {  	[dreg:$0x2] =	wrdreg s24  }
0xaf: {  	[dreg:$0x3] =	wrdreg s2  }
0xb0: {  	[dreg:$0x4] =	wrdreg $0x9  }
0xb1: {  	_ =	task.clear_ibuf [dreg:s7], $0x5FFFF;
	_ =	strace $0x90000046  }
0xb2: {  	s29 =	simm.s32 $0x9;
	_ =	strace $0x80000048  }
0xb3: {  	_ =	swait.ge [sflag:s29], $0x1  }
0xb4: {  	[sflag:s29] =	ssyncadd.s32 $0xFFFFFFFF  }
0xb5: {  	_ =	strace $0x90000048  }
0xb6: {  	_ =	sfence  }
0xb7: {  	s30 =	sld [smem:$0x0];
	_ =	sdelay $0x2  }
0xb8: {  	s31 =	sshll.u32 s1, $0xD;
	s1 =	sshrl.u32 s1, $0x2  }
0xb9: {  	s3 =	sand.u32 $0x4000, s31;
	s1 =	sadd.s32 s1, s30  }
0xba: {  	s0 =	sor.u32 s3, s0;
	s1 =	sshll.u32 s1, $0x11  }
0xbb: {  	s0 =	sor.u32 s1, s0  }
0xbc: {  	s0 =	sadd.s32 $0x8F2B, s0  }
0xbd: {  	[sflag:s0] =	ssyncadd.remote.s32 $0x1  }
0xbe: {  	_ =	sfence.sel $0xFFFF  }
0xbf: {  	[dreg:$0x0] =	wrdreg $0xFFFFFFFF;
	(pc) =	sbr.abs _section_cstart, $3  }
0xc0: {  	[dreg:$0x1] =	wrdreg $0xFFFFFFFF  }
0xc1: {  	_ =	task.clear_ibuf [dreg:s7], $0x2FFFF;
	_ =	strace $0x9FFFFFFF  }
0xc2: {  	(tm) =	ssettm $0x7FFFFFFF  }
0xc3: {  	_ =	shalt  }
tec
execute0_lowered:
.L_overlay_start_1:
0x0: {  	(tag) =	ssettag $0x1  }
0x1: {  	s0 =	rddreg [dreg:$0x0];
	s1 =	srdreg.scid  }
0x2: {  	s2 =	stileid.u32;
	s7 =	rddreg [dreg:$0x1];
	s9 =	simm.s32 $0x7  }
0x3: {  	s10 =	simm.s32 $0x2780;
	s11 =	simm.s32 $0x50;
	s12 =	simm.s32 $0x7680  }
0x4: {  	s13 =	simm.s32 $0x9E80;
	s15 =	simm.s32 $0xC680;
	s16 =	simm.s32 $0x1  }
0x5: {  	s17 =	simm.s32 $0x3;
	s19 =	simm.s32 $0x2;
	s20 =	simm.s32 $0xEE80  }
0x6: {  	s21 =	simm.s32 $0x5;
	s22 =	simm.s32 $0x4;
	s23 =	simm.s32 $0x6  }
0x7: {  	s25 =	simm.s32 $0x0;
	s1 =	sand.u32 $0x1, s1;
	s3 =	sshll.u32 s2, $0x1  }
0x8: {  	s2 =	simm.s32 $0x0;
	s4 =	sadd.s32 $0x3B200, s0;
	s3 =	sor.u32 s1, s3  }
0x9: {  	[smem:$0x7FF] =	sst s2;
	s1 =	ssub.s32 $0x2, s1;
	s8 =	smul.u32 $0x4E2, s3  }
0xa: {  	_ =	strace $0x80000047;
	s3 =	sadd.s32 $0x14000, s0;
	s5 =	sshrl.u32 s1, $0x1  }
0xb: {  	s1 =	ssub.s32 s1, s5;
	s0 =	sadd.s32 s8, s0;
	s7 =	sadd.s32 s7, s8  }
0xc: {  	v0 =	vlaneseq.u32;
	s8 =	smax.u32 s1, $0x1;
	s5 =	sadd.s32 $0xA200, s0;
	s6 =	sadd.s32 $0x400, s0  }
.LBB2_1:
0xd: {  	[tilespmem:s2], [sflag:$0x7] =	stream.linear.gather [hbm4b:s5+s2], $0x2710, $0x38;
	[tilespmem:$0xF380] =	vst v63  }
0xe: {  	_ =	swait.ge [sflag:s9], $0x2710  }
0xf: {  	[sflag:s9] =	ssyncset.done $0x0  }
0x10: {  	[sflag:s9] =	ssyncadd.s32 $0xFFFFD8F0  }
0x11: {  	[tilespmem:s10], [sflag:$0x7] =	stream.linear.gather [hbm4b:s6+s2], $0x2710, $0x38;
	[tilespmem:$0xF380] =	vst v63  }
0x12: {  	_ =	swait.ge [sflag:s9], $0x2710  }
0x13: {  	[sflag:s9] =	ssyncset.done $0x0  }
0x14: {  	[sflag:s9] =	ssyncadd.s32 $0xFFFFD8F0  }
0x15: {  	[tilespmem:s12], [sflag:$0x1] =	stream.indirect.gather [hbm4b:s3+s11], $0x80, s2, s11, $0xb8;
	[tilespmem:$0xF380] =	vst v63  }
0x16: {  	_ = 	snop  }
0x17: {  	[tilespmem:s13], [sflag:$0x3] =	stream.indirect.gather [hbm4b:s3+s11], $0x80, s11, s11, $0xb8;
	[tilespmem:$0xF380] =	vst v63  }
0x18: {  	s0 =	simm.s32 $0xA0  }
0x19: {  	[tilespmem:s15], [sflag:$0x5] =	stream.indirect.gather [hbm4b:s3+s11], $0x80, s0, s11, $0xb8;
	[tilespmem:$0xF380] =	vst v63  }
0x1a: {  	_ =	swait.ge [sflag:s16], $0x2800  }
0x1b: {  	[sflag:s16] =	ssyncset.done $0x0  }
0x1c: {  	[sflag:s16] =	ssyncadd.s32 $0xFFFFD800  }
0x1d: {  	[tilespmem:s12], [sflag:$0x2] =	stream.indirect.gather.add.f32 [hbm:s4], $0x80, s10, s11, $0xb8;
	[tilespmem:$0xF380] =	vst v63  }
0x1e: {  	s31 =	simm.s32 $0x27D0;
	_ =	swait.ge [sflag:s17], $0x2800  }
0x1f: {  	s26 =	simm.s32 $0x4F50;
	s28 =	simm.s32 $0x4FA0;
	[sflag:s17] =	ssyncset.done $0x0  }
0x20: {  	s29 =	simm.s32 $0x4F00;
	s30 =	simm.s32 $0x0;
	[sflag:s17] =	ssyncadd.s32 $0xFFFFD800  }
0x21: {  	[tilespmem:s13], [sflag:$0x4] =	stream.indirect.gather.add.f32 [hbm:s4], $0x80, s31, s11, $0xb8;
	[tilespmem:$0xF380] =	vst v63  }
.LBB2_2:
0x22: {  	_ =	swait.ge [sflag:s19], $0x2800  }
0x23: {  	[sflag:s19] =	ssyncset.done $0x0  }
0x24: {  	s14 =	simm.s32 $0x7880;
	[sflag:s19] =	ssyncadd.s32 $0xFFFFD800  }
0x25: {  	v1 =	vld [tilespmem:s14+$0x180]  }
0x26: {  	v2 =	vld [tilespmem:s14+$0x190]  }
0x27: {  	v4 =	vld [tilespmem:s14+$0x1A0]  }
0x28: {  	v5 =	vld [tilespmem:s14+$0x1B0]  }
0x29: {  	v6 =	vld [tilespmem:s14+$0x1C0]  }
0x2a: {  	v7 =	vld [tilespmem:s14+$0x1D0]  }
0x2b: {  	v8 =	vld [tilespmem:s14+$0x1E0]  }
0x2c: {  	v9 =	vld [tilespmem:s14+$0x1F0]  }
0x2d: {  	v10 =	vld [tilespmem:s14+$0xFFFFFE10]  }
0x2e: {  	v11 =	vld [tilespmem:s14+$0xFFFFFE20]  }
0x2f: {  	v12 =	vld [tilespmem:s14+$0xFFFFFE30]  }
0x30: {  	v3 =	vld [tilespmem:s14+$0xFFFFFE40]  }
0x31: {  	v13 =	vld [tilespmem:s14+$0xFFFFFE50]  }
0x32: {  	v14 =	vld [tilespmem:s14+$0xFFFFFE60]  }
0x33: {  	v15 =	vld [tilespmem:s14+$0xFFFFFE70]  }
0x34: {  	v16 =	vld [tilespmem:s14+$0xFFFFFE80]  }
0x35: {  	v17 =	vld [tilespmem:s14+$0xFFFFFE90]  }
0x36: {  	v18 =	vld [tilespmem:s14+$0xFFFFFEA0]  }
0x37: {  	v19 =	vld [tilespmem:s14+$0xFFFFFEB0]  }
0x38: {  	v20 =	vld [tilespmem:s14+$0xFFFFFEC0]  }
0x39: {  	v21 =	vld [tilespmem:s14+$0xFFFFFED0]  }
0x3a: {  	v22 =	vld [tilespmem:s14+$0xFFFFFEE0]  }
0x3b: {  	v23 =	vld [tilespmem:s14+$0xFFFFFEF0]  }
0x3c: {  	v24 =	vld [tilespmem:s14+$0xFFFFFF00]  }
0x3d: {  	v25 =	vld [tilespmem:s14+$0xFFFFFF10];
	v1 =	vmul.f32 v1, v1  }
0x3e: {  	v26 =	vld [tilespmem:s14+$0xFFFFFF20];
	v2 =	vmul.f32 v2, v2;
	v4 =	vmul.f32 v4, v4  }
0x3f: {  	v27 =	vld [tilespmem:s14+$0xFFFFFF30];
	v5 =	vmul.f32 v5, v5;
	v6 =	vmul.f32 v6, v6  }
0x40: {  	v28 =	vld [tilespmem:s14+$0xFFFFFF40];
	v7 =	vmul.f32 v7, v7;
	v8 =	vmul.f32 v8, v8  }
0x41: {  	v35 =	vld [tilespmem:s14+$0xFFFFFFB0];
	v9 =	vmul.f32 v9, v9;
	v13 =	vmul.f32 v13, v13  }
0x42: {  	v38 =	vld [tilespmem:s14+$0xFFFFFFC0];
	v36 =	vmul.f32 v18, v18;
	v37 =	vmul.f32 v19, v19  }
0x43: {  	v39 =	vld [tilespmem:s14+$0xFFFFFFD0];
	v40 =	vmul.f32 v23, v23;
	v1 =	vadd.f32 v6, v1;
	v2 =	vadd.f32 v7, v2  }
0x44: {  	v42 =	vmul.f32 v25, v25;
	v6 =	vld [tilespmem:s14+$0xFFFFFF50];
	v4 =	vadd.f32 v8, v4;
	v5 =	vadd.f32 v9, v5  }
0x45: {  	v44 =	vmul.f32 v27, v27;
	v46 =	vmul.f32 v28, v28;
	v7 =	vld [tilespmem:s14+$0xFFFFFF60]  }
0x46: {  	v41 =	vld [tilespmem:s14+$0xFFFFFFE0];
	v8 =	vmul.f32 v10, v10;
	v1 =	vadd.f32 v2, v1;
	v2 =	vadd.f32 v5, v4  }
0x47: {  	v9 =	vld [tilespmem:s14+$0xFFFFFF70];
	v10 =	vmul.f32 v11, v11;
	v11 =	vmul.f32 v14, v14  }
0x48: {  	v43 =	vld [tilespmem:s14+$0xFFFFFFF0];
	v5 =	vmul.f32 v12, v12;
	v14 =	vadd.f32 v2, v1;
	v1 =	vmul.f32 v15, v15  }
0x49: {  	v45 =	vld [tilespmem:s14+$0x0];
	v2 =	vadd.f32 v11, v10;
	v10 =	vmul.f32 v16, v16;
	v11 =	vmul.f32 v17, v17  }
0x4a: {  	v47 =	vld [tilespmem:s14+$0x10];
	v18 =	vadd.f32 v40, v37;
	v6 =	vmul.f32 v6, v6;
	v7 =	vmul.f32 v7, v7  }
0x4b: {  	v48 =	vld [tilespmem:s14+$0x20];
	v5 =	vadd.f32 v1, v5;
	v1 =	vadd.f32 v13, v8;
	v8 =	vmul.f32 v20, v20  }
0x4c: {  	v49 =	vld [tilespmem:s14+$0x30];
	v9 =	vmul.f32 v9, v9;
	v13 =	vmul.f32 v21, v21;
	v6 =	vadd.f32 v6, v42  }
0x4d: {  	v50 =	vld [tilespmem:s14+$0x80];
	v2 =	vadd.f32 v5, v2;
	v5 =	vmul.f32 v22, v22;
	v8 =	vadd.f32 v8, v10  }
0x4e: {  	v4 =	vld [tilespmem:s14+$0xFFFFFF80];
	v10 =	vmul.f32 v24, v24;
	v11 =	vadd.f32 v13, v11;
	v13 =	vmul.f32 v26, v26  }
0x4f: {  	v12 =	vld [tilespmem:s14+$0xFFFFFF90];
	v9 =	vadd.f32 v9, v44;
	v5 =	vadd.f32 v5, v36  }
0x50: {  	v15 =	vld [tilespmem:s14+$0xFFFFFFA0];
	v10 =	vadd.f32 v46, v10;
	v7 =	vadd.f32 v7, v13  }
0x51: {  	v51 =	vld [tilespmem:s14+$0x90];
	v8 =	vadd.f32 v11, v8;
	v5 =	vadd.f32 v18, v5  }
0x52: {  	v53 =	vmul.f32 v47, v47;
	v13 =	vld [tilespmem:s14+$0x40];
	v6 =	vadd.f32 v6, v10;
	v7 =	vadd.f32 v9, v7  }
0x53: {  	v4 =	vmul.f32 v4, v4;
	v11 =	vld [tilespmem:s14+$0x50];
	v5 =	vadd.f32 v5, v8;
	v8 =	vmul.f32 v38, v38  }
0x54: {  	v12 =	vmul.f32 v12, v12;
	v9 =	vld [tilespmem:s14+$0x60];
	v6 =	vadd.f32 v7, v6;
	v7 =	vmul.f32 v39, v39  }
0x55: {  	v16 =	vmul.f32 v35, v35;
	v15 =	vmul.f32 v15, v15;
	v10 =	vld [tilespmem:s14+$0x70];
	v4 =	vadd.f32 v8, v4  }
0x56: {  	v52 =	vld [tilespmem:s14+$0xA0];
	v8 =	vmul.f32 v41, v41;
	v7 =	vadd.f32 v7, v12;
	v12 =	vmul.f32 v43, v43  }
0x57: {  	v54 =	vld [tilespmem:s14+$0xB0];
	v55 =	vmul.f32 v48, v48;
	v17 =	vmul.f32 v49, v49  }
0x58: {  	v56 =	vld [tilespmem:s14+$0xC0];
	v11 =	vmul.f32 v11, v11;
	v8 =	vadd.f32 v8, v15;
	v12 =	vadd.f32 v12, v16  }
0x59: {  	v15 =	vmul.f32 v45, v45;
	v4 =	vadd.f32 v7, v4;
	v7 =	vmul.f32 v13, v13;
	v13 =	vld [tilespmem:s14+$0xD0]  }
0x5a: {  	v9 =	vmul.f32 v9, v9;
	v10 =	vmul.f32 v10, v10;
	v8 =	vadd.f32 v12, v8;
	v12 =	vld [tilespmem:s14+$0xE0]  }
0x5b: {  	v11 =	vadd.f32 v11, v53;
	v7 =	vadd.f32 v7, v15;
	v15 =	vld [tilespmem:s14+$0xF0]  }
0x5c: {  	v57 =	vld [tilespmem:s14+$0x100];
	v58 =	vmul.f32 v50, v50;
	v9 =	vadd.f32 v9, v55;
	v10 =	vadd.f32 v10, v17  }
0x5d: {  	v59 =	vld [tilespmem:s14+$0x110];
	v60 =	vmul.f32 v52, v52;
	v21 =	vmul.f32 v56, v56  }
0x5e: {  	s0 =	simm.s32 $0xEEC0;
	v61 =	vld [tilespmem:s14+$0x120];
	v9 =	vadd.f32 v10, v9;
	v10 =	vmul.f32 v54, v54;
	v7 =	vadd.f32 v11, v7  }
0x5f: {  	v62 =	vld [tilespmem:s14+$0x130];
	[tilespmem:s0+$0x30] =	vst v14;
	v11 =	vmul.f32 v51, v51;
	v8 =	vadd.f32 v8, v4;
	v13 =	vmul.f32 v13, v13  }
0x60: {  	[tilespmem:s0+$0xFFFFFFD0] =	vst v5;
	v4 =	vld [tilespmem:s14+$0x140];
	v9 =	vadd.f32 v9, v7;
	v7 =	vmul.f32 v12, v12;
	v12 =	vmul.f32 v15, v15  }
0x61: {  	v3 =	vmul.f32 v3, v3;
	v14 =	vadd.f32 v21, v58;
	v5 =	vld [tilespmem:s14+$0x150];
	[tilespmem:s0+$0xFFFFFFE0] =	vst v6;
	v11 =	vadd.f32 v13, v11  }
0x62: {  	v6 =	vmul.f32 v57, v57;
	[tilespmem:s0+$0xFFFFFFF0] =	vst v8;
	v15 =	vadd.f32 v7, v60;
	v63 =	vadd.f32 v12, v10;
	v10 =	vld [tilespmem:s14+$0x160]  }
0x63: {  	v8 =	vmul.f32 v59, v59;
	[tilespmem:s0+$0x0] =	vst v9;
	v9 =	vmul.f32 v61, v61;
	v12 =	vld [tilespmem:s14+$0x170]  }
0x64: {  	s1 =	simm.s32 $0x0;
	v13 =	vld [tilespmem:s14+$0xFFFFFE00];
	v7 =	vadd.f32 v11, v14;
	v11 =	vmul.f32 v62, v62;
	s14 =	simm.s32 $0x7C80;
	v14 =	vadd.f32 v63, v15  }
.LBB2_3:
0x65: {  	v15 =	vld [tilespmem:s14+$0x180];
	v4 =	vmul.f32 v4, v4  }
0x66: {  	v16 =	vld [tilespmem:s14+$0x190];
	v7 =	vadd.f32 v14, v7;
	v5 =	vmul.f32 v5, v5  }
0x67: {  	v14 =	vld [tilespmem:s14+$0x1A0];
	v4 =	vadd.f32 v4, v6;
	v6 =	vmul.f32 v10, v10  }
0x68: {  	v10 =	vld [tilespmem:s14+$0x1B0];
	[tilespmem:s0+$0x10] =	vst v7;
	v5 =	vadd.f32 v5, v8;
	v7 =	vmul.f32 v12, v12  }
0x69: {  	v8 =	vld [tilespmem:s14+$0x1C0];
	v12 =	vmul.f32 v13, v13;
	v6 =	vadd.f32 v6, v9  }
0x6a: {  	v9 =	vld [tilespmem:s14+$0x1D0];
	v7 =	vadd.f32 v7, v11;
	v4 =	vadd.f32 v5, v4  }
0x6b: {  	v5 =	vld [tilespmem:s14+$0x1E0];
	v3 =	vadd.f32 v3, v12  }
0x6c: {  	s1 =	sadd.s32 $0x8, s1;
	v11 =	vld [tilespmem:s14+$0x1F0];
	v6 =	vadd.f32 v7, v6  }
0x6d: {  	p0 =	slt.u32 s1, $0x48;
	v7 =	vld [tilespmem:s14+$0xFFFFFE10];
	v1 =	vadd.f32 v1, v3  }
0x6e: {  	v12 =	vmul.f32 v15, v15;
	v13 =	vmul.f32 v16, v16;
	v3 =	vld [tilespmem:s14+$0xFFFFFE20];
	v4 =	vadd.f32 v6, v4  }
0x6f: {  	v14 =	vmul.f32 v14, v14;
	v10 =	vmul.f32 v10, v10;
	v6 =	vld [tilespmem:s14+$0xFFFFFE30];
	v1 =	vadd.f32 v2, v1  }
0x70: {  	v8 =	vmul.f32 v8, v8;
	v9 =	vmul.f32 v9, v9;
	v2 =	vld [tilespmem:s14+$0xFFFFFE40];
	[tilespmem:s0+$0x20] =	vst v4  }
0x71: {  	v5 =	vmul.f32 v5, v5;
	v4 =	vld [tilespmem:s14+$0xFFFFFE50];
	v11 =	vmul.f32 v11, v11;
	[tilespmem:s0+$0xFFFFFFC0] =	vst v1  }
0x72: {  	v8 =	vadd.f32 v8, v12;
	v9 =	vadd.f32 v9, v13;
	v1 =	vmul.f32 v7, v7;
	v7 =	vld [tilespmem:s14+$0xFFFFFE60]  }
0x73: {  	v5 =	vadd.f32 v5, v14;
	v12 =	vmul.f32 v3, v3;
	v13 =	vld [tilespmem:s14+$0xFFFFFE70];
	v10 =	vadd.f32 v11, v10  }
0x74: {  	v6 =	vmul.f32 v6, v6;
	v11 =	vld [tilespmem:s14+$0xFFFFFE80]  }
0x75: {  	v8 =	vadd.f32 v9, v8;
	v3 =	vmul.f32 v2, v2;
	v2 =	vld [tilespmem:s14+$0xFFFFFE90];
	v5 =	vadd.f32 v10, v5  }
0x76: {  	v4 =	vmul.f32 v4, v4;
	v9 =	vld [tilespmem:s14+$0xFFFFFEA0]  }
0x77: {  	v7 =	vmul.f32 v7, v7;
	v10 =	vld [tilespmem:s14+$0xFFFFFEB0];
	v5 =	vadd.f32 v5, v8  }
0x78: {  	s0 =	sadd.s32 $0x80, s0;
	v1 =	vadd.f32 v4, v1;
	v4 =	vmul.f32 v13, v13;
	v8 =	vld [tilespmem:s14+$0xFFFFFEC0]  }
0x79: {  	v7 =	vadd.f32 v7, v12;
	v11 =	vmul.f32 v11, v11;
	v12 =	vld [tilespmem:s14+$0xFFFFFED0];
	[tilespmem:s0+$0x30] =	vst v5  }
0x7a: {  	v4 =	vadd.f32 v4, v6;
	v5 =	vmul.f32 v2, v2;
	v6 =	vld [tilespmem:s14+$0xFFFFFEE0]  }
0x7b: {  	v9 =	vmul.f32 v9, v9;
	v13 =	vld [tilespmem:s14+$0xFFFFFEF0]  }
0x7c: {  	v2 =	vadd.f32 v4, v7;
	v4 =	vmul.f32 v10, v10;
	v7 =	vld [tilespmem:s14+$0xFFFFFF00]  }
0x7d: {  	v8 =	vmul.f32 v8, v8;
	v10 =	vld [tilespmem:s14+$0xFFFFFF10]  }
0x7e: {  	v12 =	vmul.f32 v12, v12;
	v14 =	vld [tilespmem:s14+$0xFFFFFF20]  }
0x7f: {  	v8 =	vadd.f32 v8, v11;
	v6 =	vmul.f32 v6, v6;
	v11 =	vld [tilespmem:s14+$0xFFFFFF30]  }
0x80: {  	v5 =	vadd.f32 v12, v5;
	v12 =	vmul.f32 v13, v13;
	v13 =	vld [tilespmem:s14+$0xFFFFFF40]  }
0x81: {  	v6 =	vadd.f32 v6, v9;
	v7 =	vmul.f32 v7, v7;
	v9 =	vld [tilespmem:s14+$0xFFFFFF50]  }
0x82: {  	v4 =	vadd.f32 v12, v4;
	v5 =	vadd.f32 v5, v8;
	v8 =	vmul.f32 v10, v10;
	v10 =	vld [tilespmem:s14+$0xFFFFFF60]  }
0x83: {  	v12 =	vmul.f32 v14, v14;
	v14 =	vld [tilespmem:s14+$0xFFFFFF70]  }
0x84: {  	v4 =	vadd.f32 v4, v6;
	v6 =	vmul.f32 v11, v11;
	v11 =	vld [tilespmem:s14+$0xFFFFFF80]  }
0x85: {  	v13 =	vmul.f32 v13, v13;
	v15 =	vld [tilespmem:s14+$0xFFFFFF90]  }
0x86: {  	v4 =	vadd.f32 v4, v5;
	v5 =	vmul.f32 v9, v9;
	v9 =	vld [tilespmem:s14+$0xFFFFFFA0]  }
0x87: {  	v7 =	vadd.f32 v13, v7;
	v10 =	vmul.f32 v10, v10;
	v13 =	vld [tilespmem:s14+$0xFFFFFFB0]  }
0x88: {  	[tilespmem:s0+$0xFFFFFFD0] =	vst v4;
	v4 =	vadd.f32 v5, v8;
	v5 =	vmul.f32 v14, v14;
	v8 =	vld [tilespmem:s14+$0xFFFFFFC0]  }
0x89: {  	v10 =	vadd.f32 v10, v12;
	v11 =	vmul.f32 v11, v11;
	v12 =	vld [tilespmem:s14+$0xFFFFFFD0]  }
0x8a: {  	v5 =	vadd.f32 v5, v6;
	v4 =	vadd.f32 v4, v7;
	v6 =	vmul.f32 v15, v15;
	v7 =	vld [tilespmem:s14+$0xFFFFFFE0]  }
0x8b: {  	v9 =	vmul.f32 v9, v9;
	v14 =	vld [tilespmem:s14+$0xFFFFFFF0]  }
0x8c: {  	v5 =	vadd.f32 v5, v10;
	v10 =	vmul.f32 v13, v13;
	v13 =	vld [tilespmem:s14+$0x0]  }
0x8d: {  	v8 =	vmul.f32 v8, v8;
	v15 =	vld [tilespmem:s14+$0x10]  }
0x8e: {  	v4 =	vadd.f32 v5, v4;
	v5 =	vmul.f32 v12, v12;
	v12 =	vld [tilespmem:s14+$0x20]  }
0x8f: {  	v8 =	vadd.f32 v8, v11;
	v7 =	vmul.f32 v7, v7;
	v11 =	vld [tilespmem:s14+$0x30]  }
0x90: {  	[tilespmem:s0+$0xFFFFFFE0] =	vst v4;
	v4 =	vadd.f32 v5, v6;
	v5 =	vmul.f32 v14, v14;
	v6 =	vld [tilespmem:s14+$0x40]  }
0x91: {  	v7 =	vadd.f32 v7, v9;
	v9 =	vmul.f32 v13, v13;
	v13 =	vld [tilespmem:s14+$0x50]  }
0x92: {  	v5 =	vadd.f32 v5, v10;
	v4 =	vadd.f32 v4, v8;
	v8 =	vmul.f32 v15, v15;
	v10 =	vld [tilespmem:s14+$0x60]  }
0x93: {  	v12 =	vmul.f32 v12, v12;
	v14 =	vld [tilespmem:s14+$0x70]  }
0x94: {  	v5 =	vadd.f32 v5, v7;
	v7 =	vmul.f32 v11, v11;
	v11 =	vld [tilespmem:s14+$0x80]  }
0x95: {  	v6 =	vmul.f32 v6, v6;
	v15 =	vld [tilespmem:s14+$0x90]  }
0x96: {  	v4 =	vadd.f32 v5, v4;
	v5 =	vmul.f32 v13, v13;
	v13 =	vld [tilespmem:s14+$0xA0]  }
0x97: {  	v6 =	vadd.f32 v6, v9;
	v9 =	vmul.f32 v10, v10;
	v10 =	vld [tilespmem:s14+$0xB0]  }
0x98: {  	[tilespmem:s0+$0xFFFFFFF0] =	vst v4;
	v4 =	vadd.f32 v5, v8;
	v5 =	vmul.f32 v14, v14;
	v8 =	vld [tilespmem:s14+$0xC0]  }
0x99: {  	v9 =	vadd.f32 v9, v12;
	v11 =	vmul.f32 v11, v11;
	v12 =	vld [tilespmem:s14+$0xD0]  }
0x9a: {  	v5 =	vadd.f32 v5, v7;
	v4 =	vadd.f32 v4, v6;
	v6 =	vmul.f32 v15, v15;
	v7 =	vld [tilespmem:s14+$0xE0]  }
0x9b: {  	v13 =	vmul.f32 v13, v13;
	v14 =	vld [tilespmem:s14+$0xF0]  }
0x9c: {  	v5 =	vadd.f32 v5, v9;
	v9 =	vmul.f32 v10, v10;
	v10 =	vld [tilespmem:s14+$0x100]  }
0x9d: {  	v8 =	vmul.f32 v8, v8;
	v15 =	vld [tilespmem:s14+$0x110]  }
0x9e: {  	v4 =	vadd.f32 v5, v4;
	v5 =	vmul.f32 v12, v12;
	v12 =	vld [tilespmem:s14+$0x120]  }
0x9f: {  	v8 =	vadd.f32 v8, v11;
	v7 =	vmul.f32 v7, v7;
	v11 =	vld [tilespmem:s14+$0x130]  }
.Ltmp0:
0xa0: {  	[tilespmem:s0+$0x0] =	vst v4;
	v16 =	vadd.f32 v5, v6;
	v14 =	vmul.f32 v14, v14;
	v4 =	vld [tilespmem:s14+$0x140];
	(pc) =	sbr.rel @p0 .LBB2_3-.Ltmp0, $4  }
0xa1: {  	v17 =	vadd.f32 v7, v13;
	v6 =	vmul.f32 v10, v10;
	v5 =	vld [tilespmem:s14+$0x150]  }
0xa2: {  	v14 =	vadd.f32 v14, v9;
	v7 =	vadd.f32 v16, v8;
	v8 =	vmul.f32 v15, v15;
	v10 =	vld [tilespmem:s14+$0x160]  }
0xa3: {  	v9 =	vmul.f32 v12, v12;
	v12 =	vld [tilespmem:s14+$0x170]  }
0xa4: {  	v13 =	vld [tilespmem:s14+$0xFFFFFE00];
	v14 =	vadd.f32 v14, v17;
	v11 =	vmul.f32 v11, v11;
	s14 =	sadd.s32 $0x400, s14  }
0xa5: {  	_ =	sdelay $0x1  }
0xa6: {  	v4 =	vmul.f32 v4, v4;
	_ =	sdelay $0x1  }
0xa7: {  	v4 =	vadd.f32 v4, v6;
	v6 =	vmul.f32 v13, v13  }
0xa8: {  	v5 =	vmul.f32 v5, v5;
	v10 =	vmul.f32 v10, v10  }
0xa9: {  	v12 =	vmul.f32 v12, v12;
	v3 =	vadd.f32 v3, v6  }
0xaa: {  	v5 =	vadd.f32 v5, v8;
	v8 =	vadd.f32 v10, v9  }
0xab: {  	v9 =	vadd.f32 v12, v11;
	v1 =	vadd.f32 v1, v3  }
0xac: {  	v4 =	vadd.f32 v5, v4  }
0xad: {  	v5 =	vadd.f32 v9, v8;
	v1 =	vadd.f32 v2, v1  }
0xae: {  	v18 =	vand.u32 $0x7, v0  }
0xaf: {  	v3 =	vadd.f32 v5, v4;
	v2 =	vmul.u32 $0x10, v18;
	[tilespmem:s0+$0xFFFFFFC0] =	vst v1;
	v1 =	vmul.u32 $0x10, v0  }
0xb0: {  	s18 =	simm.s32 $0x0  }
0xb1: {  	[tilespmem:s0+$0x20] =	vst v3;
	v2 =	vor.u32 $0xFFFFFF80, v2;
	v3 =	vor.u32 s18, v1  }
0xb2: {  	v6 =	vadd.f32 v14, v7;
	v4 =	vand.u32 v2, v3  }
0xb3: {  	v5 =	vor.u32 $0x1, v1  }
0xb4: {  	[tilespmem:s0+$0x10] =	vst v6;
	v6 =	vor.u32 s18, v5  }
0xb5: {  	v3 =	vor.u32 $0x2, v1  }
0xb6: {  	v7 =	vor.u32 s18, v3  }
0xb7: {  	v8 =	vld.idx.msk [tilespmem:v4+s20+$0x0], $0xffff;
	v4 =	vor.u32 $0x3, v1  }
0xb8: {  	v9 =	vor.u32 s18, v4  }
0xb9: {  	v10 =	vld.idx.msk [tilespmem:v6+s20+$0x0], $0xffff;
	v6 =	vor.u32 $0x4, v1  }
0xba: {  	v11 =	vor.u32 s18, v6  }
0xbb: {  	v12 =	vld.idx.msk [tilespmem:v7+s20+$0x0], $0xffff;
	v7 =	vor.u32 $0x5, v1  }
0xbc: {  	v13 =	vor.u32 s18, v7;
	v14 =	vadd.f32 $0.0e+00, v8  }
0xbd: {  	v8 =	vor.u32 $0x6, v1;
	v15 =	vld.idx.msk [tilespmem:v9+s20+$0x0], $0xffff  }
0xbe: {  	v16 =	vor.u32 s18, v8;
	v10 =	vadd.f32 v10, v14  }
0xbf: {  	v9 =	vor.u32 $0x7, v1;
	v14 =	vld.idx.msk [tilespmem:v11+s20+$0x0], $0xffff  }
0xc0: {  	v17 =	vor.u32 s18, v9;
	v11 =	vadd.f32 v12, v10  }
0xc1: {  	v13 =	vld.idx.msk [tilespmem:v13+s20+$0x0], $0xffff;
	v10 =	vor.u32 $0x8, v1  }
0xc2: {  	v19 =	vor.u32 s18, v10;
	v12 =	vadd.f32 v15, v11  }
0xc3: {  	v15 =	vld.idx.msk [tilespmem:v16+s20+$0x0], $0xffff;
	v11 =	vor.u32 $0x9, v1  }
0xc4: {  	v16 =	vor.u32 s18, v11;
	v14 =	vadd.f32 v14, v12  }
0xc5: {  	v17 =	vld.idx.msk [tilespmem:v17+s20+$0x0], $0xffff;
	v12 =	vor.u32 $0xA, v1  }
0xc6: {  	v20 =	vor.u32 s18, v12;
	v14 =	vadd.f32 v13, v14  }
0xc7: {  	v19 =	vld.idx.msk [tilespmem:v19+s20+$0x0], $0xffff;
	v13 =	vor.u32 $0xB, v1  }
0xc8: {  	v21 =	vor.u32 s18, v13;
	v15 =	vadd.f32 v15, v14  }
0xc9: {  	v22 =	vld.idx.msk [tilespmem:v16+s20+$0x0], $0xffff;
	v14 =	vor.u32 $0xC, v1  }
0xca: {  	v23 =	vor.u32 s18, v14;
	v16 =	vadd.f32 v17, v15  }
0xcb: {  	v20 =	vld.idx.msk [tilespmem:v20+s20+$0x0], $0xffff;
	v15 =	vor.u32 $0xD, v1  }
0xcc: {  	v24 =	vor.u32 s18, v15;
	v17 =	vadd.f32 v19, v16  }
0xcd: {  	v19 =	vld.idx.msk [tilespmem:v21+s20+$0x0], $0xffff;
	v16 =	vor.u32 $0xE, v1  }
0xce: {  	v34 =	vor.u32 s18, v16;
	v22 =	vadd.f32 v22, v17  }
0xcf: {  	v23 =	vld.idx.msk [tilespmem:v23+s20+$0x0], $0xffff;
	v17 =	vor.u32 $0xF, v1  }
0xd0: {  	v25 =	vor.u32 s18, v17;
	v20 =	vadd.f32 v20, v22  }
0xd1: {  	v35 =	vld.idx.msk [tilespmem:v24+s20+$0x0], $0xffff  }
0xd2: {  	v19 =	vadd.f32 v19, v20  }
0xd3: {  	v20 =	vld.idx.msk [tilespmem:v34+s20+$0x0], $0xffff  }
0xd4: {  	v19 =	vadd.f32 v23, v19  }
0xd5: {  	v36 =	vld.idx.msk [tilespmem:v25+s20+$0x0], $0xffff  }
0xd6: {  	v19 =	vadd.f32 v35, v19;
	_ =	sdelay $0x1  }
0xd7: {  	v19 =	vadd.f32 v20, v19;
	_ =	sdelay $0x1  }
0xd8: {  	v19 =	vadd.f32 v36, v19;
	_ =	sdelay $0x1  }
0xd9: {  	v19 =	vmax.f32 v19, $1.000000000e-30  }
0xda: {  	v20 =	vshra.s32 v19, $0x1;
	v37 =	vmul.f32 $5.000000000e-01, v19  }
0xdb: {  	v20 =	vsub.s32 $0x5F3759DF, v20  }
0xdc: {  	v38 =	vmul.f32 v20, v37;
	_ =	sdelay $0x1  }
0xdd: {  	v22 =	vmul.f32 v20, v38;
	_ =	sdelay $0x1  }
0xde: {  	v22 =	vsub.f32 $1.500000000e+00, v22;
	_ =	sdelay $0x1  }
0xdf: {  	v20 =	vmul.f32 v20, v22;
	_ =	sdelay $0x1  }
0xe0: {  	v22 =	vmul.f32 v20, v37;
	_ =	sdelay $0x1  }
0xe1: {  	v22 =	vmul.f32 v22, v20;
	_ =	sdelay $0x1  }
0xe2: {  	v22 =	vsub.f32 $1.500000000e+00, v22;
	_ =	sdelay $0x1  }
0xe3: {  	v20 =	vmul.f32 v22, v20;
	_ =	sdelay $0x1  }
0xe4: {  	v21 =	vmul.f32 v20, v37;
	_ =	sdelay $0x1  }
0xe5: {  	v21 =	vmul.f32 v21, v20;
	_ =	sdelay $0x1  }
0xe6: {  	v21 =	vsub.f32 $1.500000000e+00, v21;
	_ =	sdelay $0x1  }
0xe7: {  	v20 =	vmul.f32 v21, v20;
	_ =	sdelay $0x1  }
0xe8: {  	v19 =	vmul.f32 v20, v19;
	_ =	sdelay $0x1  }
0xe9: {  	v19 =	vadd.f32 $-1.000000000e+00, v19;
	_ =	sdelay $0x1  }
0xea: {  	v19 =	vmul.f32 $1.442695020e+00, v19;
	_ =	sdelay $0x1  }
0xeb: {  	(erf) = vpow2.f32 v19;
	_ =	sdelay $0x8  }
0xec: {  	v19 =	vpop (erf)  }
0xed: {  	v19 =	vadd.f32 $1.000000000e+00, v19;
	_ =	sdelay $0x1  }
0xee: {  	(erf) = vrcp.f32 v19;
	_ =	sdelay $0x3  }
0xef: {  	s24 =	simm.s32 $0x100  }
0xf0: {  	v19 =	vor.u32 s24, v1  }
0xf1: {  	v19 =	vand.u32 v2, v19;
	_ =	sdelay $0x1  }
0xf2: {  	v20 =	vor.u32 s24, v5  }
0xf3: {  	v39 =	vpop (erf)  }
0xf4: {  	v40 =	vor.u32 s24, v3;
	[tilespmem:s29+$0x0] =	vst v39  }
0xf5: {  	v19 =	vld.idx.msk [tilespmem:v19+s20+$0x0], $0xffff  }
0xf6: {  	v41 =	vor.u32 s24, v4  }
0xf7: {  	v20 =	vld.idx.msk [tilespmem:v20+s20+$0x0], $0xffff  }
0xf8: {  	v42 =	vor.u32 s24, v6  }
0xf9: {  	v22 =	vld.idx.msk [tilespmem:v40+s20+$0x0], $0xffff  }
0xfa: {  	v43 =	vor.u32 s24, v7;
	v19 =	vadd.f32 $0.0e+00, v19  }
0xfb: {  	v21 =	vld.idx.msk [tilespmem:v41+s20+$0x0], $0xffff  }
0xfc: {  	v44 =	vor.u32 s24, v8;
	v19 =	vadd.f32 v20, v19  }
0xfd: {  	v20 =	vld.idx.msk [tilespmem:v42+s20+$0x0], $0xffff  }
0xfe: {  	v45 =	vor.u32 s24, v9;
	v19 =	vadd.f32 v22, v19  }
0xff: {  	v46 =	vld.idx.msk [tilespmem:v43+s20+$0x0], $0xffff  }
0x100: {  	v47 =	vor.u32 s24, v10;
	v19 =	vadd.f32 v21, v19  }
0x101: {  	v48 =	vld.idx.msk [tilespmem:v44+s20+$0x0], $0xffff  }
0x102: {  	v49 =	vor.u32 s24, v11;
	v19 =	vadd.f32 v20, v19  }
0x103: {  	v20 =	vld.idx.msk [tilespmem:v45+s20+$0x0], $0xffff  }
0x104: {  	v50 =	vor.u32 s24, v12;
	v19 =	vadd.f32 v46, v19  }
0x105: {  	v51 =	vld.idx.msk [tilespmem:v47+s20+$0x0], $0xffff  }
0x106: {  	v52 =	vor.u32 s24, v13;
	v19 =	vadd.f32 v48, v19  }
0x107: {  	v53 =	vld.idx.msk [tilespmem:v49+s20+$0x0], $0xffff  }
0x108: {  	v54 =	vor.u32 s24, v14;
	v19 =	vadd.f32 v20, v19  }
0x109: {  	v20 =	vld.idx.msk [tilespmem:v50+s20+$0x0], $0xffff  }
0x10a: {  	v55 =	vor.u32 s24, v15;
	v19 =	vadd.f32 v51, v19  }
0x10b: {  	v56 =	vld.idx.msk [tilespmem:v52+s20+$0x0], $0xffff  }
0x10c: {  	v57 =	vor.u32 s24, v16;
	v19 =	vadd.f32 v53, v19  }
0x10d: {  	v58 =	vld.idx.msk [tilespmem:v54+s20+$0x0], $0xffff  }
0x10e: {  	v59 =	vor.u32 s24, v17;
	v19 =	vadd.f32 v20, v19  }
0x10f: {  	v20 =	vld.idx.msk [tilespmem:v55+s20+$0x0], $0xffff  }
0x110: {  	v19 =	vadd.f32 v56, v19  }
0x111: {  	v60 =	vld.idx.msk [tilespmem:v57+s20+$0x0], $0xffff  }
0x112: {  	v19 =	vadd.f32 v58, v19  }
0x113: {  	v61 =	vld.idx.msk [tilespmem:v59+s20+$0x0], $0xffff  }
0x114: {  	v19 =	vadd.f32 v20, v19;
	_ =	sdelay $0x1  }
0x115: {  	v19 =	vadd.f32 v60, v19;
	_ =	sdelay $0x1  }
0x116: {  	v19 =	vadd.f32 v61, v19;
	_ =	sdelay $0x1  }
0x117: {  	v19 =	vmax.f32 v19, $1.000000000e-30  }
0x118: {  	v20 =	vshra.s32 v19, $0x1;
	v62 =	vmul.f32 $5.000000000e-01, v19  }
0x119: {  	v20 =	vsub.s32 $0x5F3759DF, v20  }
0x11a: {  	v63 =	vmul.f32 v20, v62;
	_ =	sdelay $0x1  }
0x11b: {  	v22 =	vmul.f32 v20, v63;
	_ =	sdelay $0x1  }
0x11c: {  	v22 =	vsub.f32 $1.500000000e+00, v22;
	_ =	sdelay $0x1  }
0x11d: {  	v20 =	vmul.f32 v20, v22;
	_ =	sdelay $0x1  }
0x11e: {  	v22 =	vmul.f32 v20, v62;
	_ =	sdelay $0x1  }
0x11f: {  	v22 =	vmul.f32 v22, v20;
	_ =	sdelay $0x1  }
0x120: {  	v22 =	vsub.f32 $1.500000000e+00, v22;
	_ =	sdelay $0x1  }
0x121: {  	v20 =	vmul.f32 v22, v20;
	_ =	sdelay $0x1  }
0x122: {  	v21 =	vmul.f32 v20, v62;
	_ =	sdelay $0x1  }
0x123: {  	v21 =	vmul.f32 v21, v20;
	_ =	sdelay $0x1  }
0x124: {  	v21 =	vsub.f32 $1.500000000e+00, v21;
	_ =	sdelay $0x1  }
0x125: {  	v20 =	vmul.f32 v21, v20;
	_ =	sdelay $0x1  }
0x126: {  	v19 =	vmul.f32 v20, v19;
	_ =	sdelay $0x1  }
0x127: {  	v19 =	vadd.f32 $-1.000000000e+00, v19;
	_ =	sdelay $0x1  }
0x128: {  	v19 =	vmul.f32 $1.442695020e+00, v19;
	_ =	sdelay $0x1  }
0x129: {  	(erf) = vpow2.f32 v19;
	_ =	sdelay $0x8  }
0x12a: {  	v19 =	vpop (erf)  }
0x12b: {  	v19 =	vadd.f32 $1.000000000e+00, v19;
	_ =	sdelay $0x1  }
0x12c: {  	(erf) = vrcp.f32 v19  }
0x12d: {  	s31 =	smul.u32 $0x3C0, s30  }
0x12e: {  	s14 =	simm.s32 $0x300;
	s1 =	smov.u32 s29;
	s0 =	simm.s32 $0x200  }
.LBB2_5:
0x12f: {  	p0 =	sne.s32 s14, $0x400;
	v19 =	vmul.u32 $0x10, v18;
	_ =	sdelay $0x1  }
0x130: {  	v20 =	vor.u32 s0, v1;
	v19 =	vor.u32 $0xFFFFFF80, v19  }
0x131: {  	v19 =	vand.u32 v19, v20;
	_ =	sdelay $0x1  }
0x132: {  	v20 =	vor.u32 s0, v5  }
0x133: {  	s1 =	sadd.s32 $0x10, s1;
	v21 =	vpop (erf)  }
0x134: {  	v22 =	vor.u32 s0, v3;
	[tilespmem:s1+$0x0] =	vst v21  }
0x135: {  	v19 =	vld.idx.msk [tilespmem:v19+s20+$0x0], $0xffff  }
0x136: {  	v21 =	vor.u32 s0, v4  }
0x137: {  	v20 =	vld.idx.msk [tilespmem:v20+s20+$0x0], $0xffff  }
0x138: {  	v23 =	vor.u32 s0, v6  }
0x139: {  	v22 =	vld.idx.msk [tilespmem:v22+s20+$0x0], $0xffff  }
0x13a: {  	v24 =	vor.u32 s0, v7  }
0x13b: {  	v19 =	vadd.f32 $0.0e+00, v19;
	v21 =	vld.idx.msk [tilespmem:v21+s20+$0x0], $0xffff  }
0x13c: {  	v25 =	vor.u32 s0, v8  }
0x13d: {  	v19 =	vadd.f32 v20, v19;
	v20 =	vld.idx.msk [tilespmem:v23+s20+$0x0], $0xffff  }
0x13e: {  	v23 =	vor.u32 s0, v9  }
0x13f: {  	v19 =	vadd.f32 v22, v19;
	v22 =	vld.idx.msk [tilespmem:v24+s20+$0x0], $0xffff  }
0x140: {  	v24 =	vor.u32 s0, v10  }
0x141: {  	v19 =	vadd.f32 v21, v19;
	v21 =	vld.idx.msk [tilespmem:v25+s20+$0x0], $0xffff  }
0x142: {  	v25 =	vor.u32 s0, v11  }
0x143: {  	v19 =	vadd.f32 v20, v19;
	v20 =	vld.idx.msk [tilespmem:v23+s20+$0x0], $0xffff  }
0x144: {  	v23 =	vor.u32 s0, v12  }
0x145: {  	v19 =	vadd.f32 v22, v19;
	v22 =	vld.idx.msk [tilespmem:v24+s20+$0x0], $0xffff  }
0x146: {  	v24 =	vor.u32 s0, v13  }
0x147: {  	v19 =	vadd.f32 v21, v19;
	v21 =	vld.idx.msk [tilespmem:v25+s20+$0x0], $0xffff  }
0x148: {  	v25 =	vor.u32 s0, v14  }
0x149: {  	v19 =	vadd.f32 v20, v19;
	v20 =	vld.idx.msk [tilespmem:v23+s20+$0x0], $0xffff  }
0x14a: {  	v23 =	vor.u32 s0, v15  }
0x14b: {  	v19 =	vadd.f32 v22, v19;
	v22 =	vld.idx.msk [tilespmem:v24+s20+$0x0], $0xffff  }
0x14c: {  	v24 =	vor.u32 s0, v16  }
0x14d: {  	v19 =	vadd.f32 v21, v19;
	v21 =	vld.idx.msk [tilespmem:v25+s20+$0x0], $0xffff  }
0x14e: {  	v25 =	vor.u32 s0, v17;
	s0 =	smov.u32 s14  }
0x14f: {  	v19 =	vadd.f32 v20, v19;
	v20 =	vld.idx.msk [tilespmem:v23+s20+$0x0], $0xffff;
	_ =	sdelay $0x1  }
0x150: {  	v19 =	vadd.f32 v22, v19;
	v22 =	vld.idx.msk [tilespmem:v24+s20+$0x0], $0xffff;
	_ =	sdelay $0x1  }
0x151: {  	v19 =	vadd.f32 v21, v19;
	v21 =	vld.idx.msk [tilespmem:v25+s20+$0x0], $0xffff;
	_ =	sdelay $0x1  }
0x152: {  	v19 =	vadd.f32 v20, v19;
	_ =	sdelay $0x1  }
0x153: {  	v19 =	vadd.f32 v22, v19;
	_ =	sdelay $0x1  }
0x154: {  	v19 =	vadd.f32 v21, v19;
	_ =	sdelay $0x1  }
0x155: {  	v19 =	vmax.f32 v19, $1.000000000e-30  }
0x156: {  	v20 =	vshra.s32 v19, $0x1;
	v21 =	vmul.f32 $5.000000000e-01, v19  }
0x157: {  	v20 =	vsub.s32 $0x5F3759DF, v20  }
0x158: {  	v22 =	vmul.f32 v20, v21;
	_ =	sdelay $0x1  }
0x159: {  	v22 =	vmul.f32 v20, v22;
	_ =	sdelay $0x1  }
0x15a: {  	v22 =	vsub.f32 $1.500000000e+00, v22;
	_ =	sdelay $0x1  }
0x15b: {  	v20 =	vmul.f32 v20, v22;
	_ =	sdelay $0x1  }
0x15c: {  	v22 =	vmul.f32 v20, v21;
	_ =	sdelay $0x1  }
0x15d: {  	v22 =	vmul.f32 v22, v20;
	_ =	sdelay $0x1  }
0x15e: {  	v22 =	vsub.f32 $1.500000000e+00, v22;
	_ =	sdelay $0x1  }
0x15f: {  	v20 =	vmul.f32 v22, v20;
	_ =	sdelay $0x1  }
0x160: {  	v21 =	vmul.f32 v20, v21;
	_ =	sdelay $0x1  }
0x161: {  	v21 =	vmul.f32 v21, v20;
	_ =	sdelay $0x1  }
0x162: {  	v21 =	vsub.f32 $1.500000000e+00, v21;
	_ =	sdelay $0x1  }
0x163: {  	v20 =	vmul.f32 v21, v20;
	_ =	sdelay $0x1  }
0x164: {  	v19 =	vmul.f32 v20, v19;
	_ =	sdelay $0x1  }
0x165: {  	v19 =	vadd.f32 $-1.000000000e+00, v19;
	_ =	sdelay $0x1  }
0x166: {  	v19 =	vmul.f32 $1.442695020e+00, v19;
	_ =	sdelay $0x1  }
0x167: {  	(erf) = vpow2.f32 v19;
	_ =	sdelay $0x8  }
0x168: {  	v19 =	vpop (erf)  }
.Ltmp1:
0x169: {  	v19 =	vadd.f32 $1.000000000e+00, v19;
	(pc) =	sbr.rel @p0 .LBB2_5-.Ltmp1, $3  }
0x16a: {  	_ = 	snop  }
0x16b: {  	(erf) = vrcp.f32 v19;
	_ =	sdelay $0x1  }
0x16c: {  	s14 =	sadd.s32 $0x100, s14  }
0x16d: {  	_ =	sdelay $0x1  }
0x16e: {  	v18 =	vor.u32 s0, v1  }
0x16f: {  	v18 =	vand.u32 v2, v18;
	_ =	sdelay $0x1  }
0x170: {  	v19 =	vor.u32 s0, v5  }
0x171: {  	s1 =	sadd.s32 $0x10, s1;
	v20 =	vpop (erf)  }
0x172: {  	v21 =	vor.u32 s0, v3;
	[tilespmem:s1+$0x0] =	vst v20  }
0x173: {  	v18 =	vld.idx.msk [tilespmem:v18+s20+$0x0], $0xffff  }
0x174: {  	v20 =	vor.u32 s0, v4  }
0x175: {  	v19 =	vld.idx.msk [tilespmem:v19+s20+$0x0], $0xffff  }
0x176: {  	v22 =	vor.u32 s0, v6  }
0x177: {  	v21 =	vld.idx.msk [tilespmem:v21+s20+$0x0], $0xffff  }
0x178: {  	v23 =	vor.u32 s0, v7;
	v18 =	vadd.f32 $0.0e+00, v18  }
0x179: {  	v20 =	vld.idx.msk [tilespmem:v20+s20+$0x0], $0xffff  }
0x17a: {  	v24 =	vor.u32 s0, v8;
	v18 =	vadd.f32 v19, v18  }
0x17b: {  	v19 =	vld.idx.msk [tilespmem:v22+s20+$0x0], $0xffff  }
0x17c: {  	v22 =	vor.u32 s0, v9;
	v18 =	vadd.f32 v21, v18  }
0x17d: {  	v21 =	vld.idx.msk [tilespmem:v23+s20+$0x0], $0xffff  }
0x17e: {  	v23 =	vor.u32 s0, v10;
	v18 =	vadd.f32 v20, v18  }
0x17f: {  	v20 =	vld.idx.msk [tilespmem:v24+s20+$0x0], $0xffff  }
0x180: {  	v24 =	vor.u32 s0, v11;
	v18 =	vadd.f32 v19, v18  }
0x181: {  	v19 =	vld.idx.msk [tilespmem:v22+s20+$0x0], $0xffff  }
0x182: {  	v22 =	vor.u32 s0, v12;
	v18 =	vadd.f32 v21, v18  }
0x183: {  	v21 =	vld.idx.msk [tilespmem:v23+s20+$0x0], $0xffff  }
0x184: {  	v23 =	vor.u32 s0, v13;
	v18 =	vadd.f32 v20, v18  }
0x185: {  	v20 =	vld.idx.msk [tilespmem:v24+s20+$0x0], $0xffff  }
0x186: {  	v24 =	vor.u32 s0, v14;
	v18 =	vadd.f32 v19, v18  }
0x187: {  	v19 =	vld.idx.msk [tilespmem:v22+s20+$0x0], $0xffff  }
0x188: {  	v22 =	vor.u32 s0, v15;
	v18 =	vadd.f32 v21, v18  }
0x189: {  	v21 =	vld.idx.msk [tilespmem:v23+s20+$0x0], $0xffff  }
0x18a: {  	v23 =	vor.u32 s0, v16;
	v18 =	vadd.f32 v20, v18  }
0x18b: {  	v20 =	vld.idx.msk [tilespmem:v24+s20+$0x0], $0xffff  }
0x18c: {  	v24 =	vor.u32 s0, v17;
	v18 =	vadd.f32 v19, v18  }
0x18d: {  	v19 =	vld.idx.msk [tilespmem:v22+s20+$0x0], $0xffff  }
0x18e: {  	v18 =	vadd.f32 v21, v18  }
0x18f: {  	v21 =	vld.idx.msk [tilespmem:v23+s20+$0x0], $0xffff  }
0x190: {  	v18 =	vadd.f32 v20, v18  }
0x191: {  	v20 =	vld.idx.msk [tilespmem:v24+s20+$0x0], $0xffff  }
0x192: {  	v18 =	vadd.f32 v19, v18;
	_ =	sdelay $0x1  }
0x193: {  	v18 =	vadd.f32 v21, v18;
	_ =	sdelay $0x1  }
0x194: {  	v18 =	vadd.f32 v20, v18;
	_ =	sdelay $0x1  }
0x195: {  	v18 =	vmax.f32 v18, $1.000000000e-30  }
0x196: {  	v19 =	vshra.s32 v18, $0x1;
	v20 =	vmul.f32 $5.000000000e-01, v18  }
0x197: {  	v19 =	vsub.s32 $0x5F3759DF, v19  }
0x198: {  	v21 =	vmul.f32 v19, v20;
	_ =	sdelay $0x1  }
0x199: {  	v21 =	vmul.f32 v19, v21;
	_ =	sdelay $0x1  }
0x19a: {  	v21 =	vsub.f32 $1.500000000e+00, v21;
	_ =	sdelay $0x1  }
0x19b: {  	v19 =	vmul.f32 v19, v21;
	_ =	sdelay $0x1  }
0x19c: {  	v21 =	vmul.f32 v19, v20;
	_ =	sdelay $0x1  }
0x19d: {  	v21 =	vmul.f32 v21, v19;
	_ =	sdelay $0x1  }
0x19e: {  	v21 =	vsub.f32 $1.500000000e+00, v21;
	_ =	sdelay $0x1  }
0x19f: {  	v19 =	vmul.f32 v21, v19;
	_ =	sdelay $0x1  }
0x1a0: {  	v20 =	vmul.f32 v19, v20;
	_ =	sdelay $0x1  }
0x1a1: {  	v20 =	vmul.f32 v20, v19;
	_ =	sdelay $0x1  }
0x1a2: {  	v20 =	vsub.f32 $1.500000000e+00, v20;
	_ =	sdelay $0x1  }
0x1a3: {  	v19 =	vmul.f32 v20, v19;
	_ =	sdelay $0x1  }
0x1a4: {  	v18 =	vmul.f32 v19, v18;
	_ =	sdelay $0x1  }
0x1a5: {  	v18 =	vadd.f32 $-1.000000000e+00, v18;
	_ =	sdelay $0x1  }
0x1a6: {  	v18 =	vmul.f32 $1.442695020e+00, v18;
	_ =	sdelay $0x1  }
0x1a7: {  	(erf) = vpow2.f32 v18;
	_ =	sdelay $0x8  }
0x1a8: {  	v18 =	vpop (erf)  }
0x1a9: {  	v18 =	vadd.f32 $1.000000000e+00, v18;
	_ =	sdelay $0x1  }
0x1aa: {  	(erf) = vrcp.f32 v18;
	_ =	sdelay $0x8  }
0x1ab: {  	s18 =	sadd.s32 $0x3C0, s31;
	s14 =	sadd.s32 $0x10, s1;
	v18 =	vpop (erf)  }
0x1ac: {  	s0 =	sshra.s32 s18, $0x2;
	[tilespmem:s14+$0x0] =	vst v18  }
0x1ad: {  	[tilespmem:s12], [sflag:$0x1] =	stream.indirect.gather [hbm4b:s3+s11], $0x80, s0, s11, $0xb8;
	[tilespmem:$0xF380] =	vst v63  }
0x1ae: {  	_ =	swait.ge [sflag:s21], $0x2800  }
0x1af: {  	s24 =	sshra.s32 s31, $0x2;
	[sflag:s21] =	ssyncset.done $0x0  }
0x1b0: {  	s1 =	sadd.s32 $0x2820, s24;
	[sflag:s21] =	ssyncadd.s32 $0xFFFFD800  }
0x1b1: {  	[tilespmem:s15], [sflag:$0x6] =	stream.indirect.gather.add.f32 [hbm:s4], $0x80, s1, s11, $0xb8;
	[tilespmem:$0xF380] =	vst v63  }
0x1b2: {  	_ =	swait.ge [sflag:s22], $0x2800  }
0x1b3: {  	[sflag:s22] =	ssyncset.done $0x0  }
0x1b4: {  	s18 =	simm.s32 $0xA080;
	[sflag:s22] =	ssyncadd.s32 $0xFFFFD800  }
0x1b5: {  	v18 =	vld [tilespmem:s18+$0x180]  }
0x1b6: {  	v19 =	vld [tilespmem:s18+$0x190]  }
0x1b7: {  	v21 =	vld [tilespmem:s18+$0x1A0]  }
0x1b8: {  	v22 =	vld [tilespmem:s18+$0x1B0]  }
0x1b9: {  	v23 =	vld [tilespmem:s18+$0x1C0]  }
0x1ba: {  	v24 =	vld [tilespmem:s18+$0x1D0]  }
0x1bb: {  	v25 =	vld [tilespmem:s18+$0x1E0]  }
0x1bc: {  	v26 =	vld [tilespmem:s18+$0x1F0]  }
0x1bd: {  	v27 =	vld [tilespmem:s18+$0xFFFFFE10]  }
0x1be: {  	v28 =	vld [tilespmem:s18+$0xFFFFFE20]  }
0x1bf: {  	v29 =	vld [tilespmem:s18+$0xFFFFFE30]  }
0x1c0: {  	v20 =	vld [tilespmem:s18+$0xFFFFFE40]  }
0x1c1: {  	v30 =	vld [tilespmem:s18+$0xFFFFFE50]  }
0x1c2: {  	v31 =	vld [tilespmem:s18+$0xFFFFFE60]  }
0x1c3: {  	v32 =	vld [tilespmem:s18+$0xFFFFFE70]  }
0x1c4: {  	v33 =	vld [tilespmem:s18+$0xFFFFFE80]  }
0x1c5: {  	v34 =	vld [tilespmem:s18+$0xFFFFFE90]  }
0x1c6: {  	v35 =	vld [tilespmem:s18+$0xFFFFFEA0]  }
0x1c7: {  	v36 =	vld [tilespmem:s18+$0xFFFFFEB0]  }
0x1c8: {  	v37 =	vld [tilespmem:s18+$0xFFFFFEC0]  }
0x1c9: {  	v38 =	vld [tilespmem:s18+$0xFFFFFED0]  }
0x1ca: {  	v39 =	vld [tilespmem:s18+$0xFFFFFEE0]  }
0x1cb: {  	v40 =	vld [tilespmem:s18+$0xFFFFFEF0]  }
0x1cc: {  	v41 =	vld [tilespmem:s18+$0xFFFFFF00]  }
0x1cd: {  	v42 =	vld [tilespmem:s18+$0xFFFFFF10]  }
0x1ce: {  	v43 =	vld [tilespmem:s18+$0xFFFFFF20];
	v18 =	vmul.f32 v18, v18  }
0x1cf: {  	v44 =	vld [tilespmem:s18+$0xFFFFFF30];
	v19 =	vmul.f32 v19, v19;
	v21 =	vmul.f32 v21, v21  }
0x1d0: {  	v45 =	vld [tilespmem:s18+$0xFFFFFF40];
	v22 =	vmul.f32 v22, v22;
	v23 =	vmul.f32 v23, v23  }
0x1d1: {  	v50 =	vld [tilespmem:s18+$0xFFFFFFA0];
	v24 =	vmul.f32 v24, v24;
	v25 =	vmul.f32 v25, v25  }
0x1d2: {  	v51 =	vld [tilespmem:s18+$0xFFFFFFB0];
	v26 =	vmul.f32 v26, v26;
	v30 =	vmul.f32 v30, v30  }
0x1d3: {  	v54 =	vld [tilespmem:s18+$0xFFFFFFC0];
	v52 =	vmul.f32 v35, v35;
	v53 =	vmul.f32 v36, v36  }
0x1d4: {  	v55 =	vld [tilespmem:s18+$0xFFFFFFD0];
	v56 =	vmul.f32 v40, v40;
	v18 =	vadd.f32 v23, v18;
	v19 =	vadd.f32 v24, v19  }
0x1d5: {  	v58 =	vmul.f32 v42, v42;
	v23 =	vld [tilespmem:s18+$0xFFFFFF50];
	v21 =	vadd.f32 v25, v21;
	v22 =	vadd.f32 v26, v22  }
0x1d6: {  	v60 =	vmul.f32 v44, v44;
	v62 =	vmul.f32 v45, v45;
	v24 =	vld [tilespmem:s18+$0xFFFFFF60]  }
0x1d7: {  	v57 =	vld [tilespmem:s18+$0xFFFFFFE0];
	v25 =	vmul.f32 v27, v27;
	v18 =	vadd.f32 v19, v18;
	v19 =	vadd.f32 v22, v21  }
0x1d8: {  	v26 =	vld [tilespmem:s18+$0xFFFFFF70];
	v27 =	vmul.f32 v28, v28;
	v28 =	vmul.f32 v31, v31  }
0x1d9: {  	v59 =	vld [tilespmem:s18+$0xFFFFFFF0];
	v22 =	vmul.f32 v29, v29;
	v31 =	vadd.f32 v19, v18;
	v18 =	vmul.f32 v32, v32  }
0x1da: {  	v61 =	vld [tilespmem:s18+$0x0];
	v19 =	vadd.f32 v28, v27;
	v27 =	vmul.f32 v33, v33;
	v28 =	vmul.f32 v34, v34  }
0x1db: {  	v63 =	vld [tilespmem:s18+$0x10];
	v35 =	vadd.f32 v56, v53;
	v23 =	vmul.f32 v23, v23;
	v24 =	vmul.f32 v24, v24  }
0x1dc: {  	v46 =	vld [tilespmem:s18+$0x20];
	v22 =	vadd.f32 v18, v22;
	v18 =	vadd.f32 v30, v25;
	v25 =	vmul.f32 v37, v37  }
0x1dd: {  	v47 =	vld [tilespmem:s18+$0x30];
	v26 =	vmul.f32 v26, v26;
	v30 =	vmul.f32 v38, v38;
	v23 =	vadd.f32 v23, v58  }
0x1de: {  	v48 =	vld [tilespmem:s18+$0x80];
	v19 =	vadd.f32 v22, v19;
	v22 =	vmul.f32 v39, v39;
	v25 =	vadd.f32 v25, v27  }
0x1df: {  	v21 =	vld [tilespmem:s18+$0xFFFFFF80];
	v27 =	vmul.f32 v41, v41;
	v28 =	vadd.f32 v30, v28;
	v30 =	vmul.f32 v43, v43  }
0x1e0: {  	v29 =	vld [tilespmem:s18+$0xFFFFFF90];
	v26 =	vadd.f32 v26, v60;
	v22 =	vadd.f32 v22, v52  }
0x1e1: {  	v49 =	vld [tilespmem:s18+$0x90];
	v27 =	vadd.f32 v62, v27;
	v24 =	vadd.f32 v24, v30  }
0x1e2: {  	v56 =	vld [tilespmem:s18+$0xF0];
	v32 =	vmul.f32 v50, v50;
	v25 =	vadd.f32 v28, v25;
	v22 =	vadd.f32 v35, v22  }
0x1e3: {  	v33 =	vmul.f32 v51, v51;
	v30 =	vld [tilespmem:s18+$0x40];
	v23 =	vadd.f32 v23, v27;
	v24 =	vadd.f32 v26, v24  }
0x1e4: {  	v21 =	vmul.f32 v21, v21;
	v26 =	vld [tilespmem:s18+$0x60];
	v22 =	vadd.f32 v22, v25;
	v25 =	vmul.f32 v54, v54  }
0x1e5: {  	v29 =	vmul.f32 v29, v29;
	v27 =	vld [tilespmem:s18+$0x70];
	v24 =	vadd.f32 v24, v23;
	v23 =	vmul.f32 v55, v55  }
0x1e6: {  	v51 =	vmul.f32 v61, v61;
	v34 =	vmul.f32 v47, v47;
	v28 =	vld [tilespmem:s18+$0x50];
	v21 =	vadd.f32 v25, v21  }
0x1e7: {  	s1 =	simm.s32 $0xEEC0;
	v53 =	vld [tilespmem:s18+$0xB0];
	v25 =	vmul.f32 v57, v57;
	v23 =	vadd.f32 v23, v29;
	v29 =	vmul.f32 v59, v59  }
0x1e8: {  	[tilespmem:s1+$0x30] =	vst v31;
	v31 =	vmul.f32 v56, v56;
	v54 =	vmul.f32 v46, v46;
	v55 =	vld [tilespmem:s18+$0xC0]  }
0x1e9: {  	v50 =	vld [tilespmem:s18+$0xA0];
	v26 =	vmul.f32 v26, v26;
	v25 =	vadd.f32 v25, v32;
	v29 =	vadd.f32 v29, v33  }
0x1ea: {  	v27 =	vmul.f32 v27, v27;
	v21 =	vadd.f32 v23, v21;
	v23 =	vmul.f32 v30, v30;
	v30 =	vld [tilespmem:s18+$0xD0]  }
0x1eb: {  	v52 =	vmul.f32 v63, v63;
	v28 =	vmul.f32 v28, v28;
	v25 =	vadd.f32 v29, v25;
	v29 =	vld [tilespmem:s18+$0xE0]  }
0x1ec: {  	v61 =	vld [tilespmem:s18+$0x120];
	v58 =	vmul.f32 v48, v48;
	v26 =	vadd.f32 v26, v54;
	v27 =	vadd.f32 v27, v34  }
0x1ed: {  	v57 =	vld [tilespmem:s18+$0x100];
	v28 =	vadd.f32 v28, v52;
	v38 =	vmul.f32 v55, v55;
	v23 =	vadd.f32 v23, v51  }
0x1ee: {  	v60 =	vmul.f32 v50, v50;
	v59 =	vld [tilespmem:s18+$0x110];
	v26 =	vadd.f32 v27, v26;
	v27 =	vmul.f32 v53, v53  }
0x1ef: {  	v62 =	vld [tilespmem:s18+$0x130];
	[tilespmem:s1+$0xFFFFFFD0] =	vst v22;
	v22 =	vadd.f32 v38, v58;
	v23 =	vadd.f32 v28, v23;
	v28 =	vmul.f32 v49, v49  }
0x1f0: {  	v25 =	vadd.f32 v25, v21;
	v21 =	vld [tilespmem:s18+$0x140];
	v30 =	vmul.f32 v30, v30;
	v29 =	vmul.f32 v29, v29  }
0x1f1: {  	v20 =	vmul.f32 v20, v20;
	[tilespmem:s1+$0xFFFFFFE0] =	vst v24;
	v31 =	vadd.f32 v31, v27;
	v26 =	vadd.f32 v26, v23;
	v23 =	vld [tilespmem:s18+$0x150]  }
0x1f2: {  	v24 =	vmul.f32 v57, v57;
	v27 =	vld [tilespmem:s18+$0x160];
	[tilespmem:s1+$0xFFFFFFF0] =	vst v25;
	v28 =	vadd.f32 v30, v28;
	v63 =	vadd.f32 v29, v60  }
0x1f3: {  	v25 =	vmul.f32 v59, v59;
	[tilespmem:s1+$0x0] =	vst v26;
	v26 =	vmul.f32 v61, v61;
	v29 =	vld [tilespmem:s18+$0x170]  }
0x1f4: {  	s14 =	simm.s32 $0x0;
	v30 =	vld [tilespmem:s18+$0xFFFFFE00];
	v22 =	vadd.f32 v28, v22;
	v28 =	vmul.f32 v62, v62;
	s18 =	simm.s32 $0xA480;
	v31 =	vadd.f32 v31, v63  }
.LBB2_7:
0x1f5: {  	v32 =	vld [tilespmem:s18+$0x180];
	v21 =	vmul.f32 v21, v21  }
0x1f6: {  	v33 =	vld [tilespmem:s18+$0x190];
	v22 =	vadd.f32 v31, v22;
	v23 =	vmul.f32 v23, v23  }
0x1f7: {  	v31 =	vld [tilespmem:s18+$0x1A0];
	v21 =	vadd.f32 v21, v24;
	v24 =	vmul.f32 v27, v27  }
0x1f8: {  	v27 =	vld [tilespmem:s18+$0x1B0];
	[tilespmem:s1+$0x10] =	vst v22;
	v22 =	vadd.f32 v23, v25;
	v23 =	vmul.f32 v29, v29  }
0x1f9: {  	v25 =	vld [tilespmem:s18+$0x1C0];
	v29 =	vmul.f32 v30, v30;
	v24 =	vadd.f32 v24, v26  }
0x1fa: {  	v26 =	vld [tilespmem:s18+$0x1D0];
	v23 =	vadd.f32 v23, v28;
	v21 =	vadd.f32 v22, v21  }
0x1fb: {  	v22 =	vld [tilespmem:s18+$0x1E0];
	v20 =	vadd.f32 v20, v29  }
0x1fc: {  	s14 =	sadd.s32 $0x8, s14;
	v28 =	vld [tilespmem:s18+$0x1F0];
	v23 =	vadd.f32 v23, v24  }
0x1fd: {  	p0 =	slt.u32 s14, $0x48;
	v24 =	vld [tilespmem:s18+$0xFFFFFE10];
	v18 =	vadd.f32 v18, v20  }
0x1fe: {  	v29 =	vmul.f32 v32, v32;
	v30 =	vmul.f32 v33, v33;
	v20 =	vld [tilespmem:s18+$0xFFFFFE20];
	v21 =	vadd.f32 v23, v21  }
0x1ff: {  	v31 =	vmul.f32 v31, v31;
	v27 =	vmul.f32 v27, v27;
	v23 =	vld [tilespmem:s18+$0xFFFFFE30];
	v18 =	vadd.f32 v19, v18  }
0x200: {  	v25 =	vmul.f32 v25, v25;
	v26 =	vmul.f32 v26, v26;
	v19 =	vld [tilespmem:s18+$0xFFFFFE40];
	[tilespmem:s1+$0x20] =	vst v21  }
0x201: {  	v22 =	vmul.f32 v22, v22;
	v21 =	vld [tilespmem:s18+$0xFFFFFE50];
	v28 =	vmul.f32 v28, v28;
	[tilespmem:s1+$0xFFFFFFC0] =	vst v18  }
0x202: {  	v25 =	vadd.f32 v25, v29;
	v26 =	vadd.f32 v26, v30;
	v18 =	vmul.f32 v24, v24;
	v24 =	vld [tilespmem:s18+$0xFFFFFE60]  }
0x203: {  	v22 =	vadd.f32 v22, v31;
	v29 =	vmul.f32 v20, v20;
	v30 =	vld [tilespmem:s18+$0xFFFFFE70];
	v27 =	vadd.f32 v28, v27  }
0x204: {  	v23 =	vmul.f32 v23, v23;
	v28 =	vld [tilespmem:s18+$0xFFFFFE80]  }
0x205: {  	v25 =	vadd.f32 v26, v25;
	v20 =	vmul.f32 v19, v19;
	v19 =	vld [tilespmem:s18+$0xFFFFFE90];
	v22 =	vadd.f32 v27, v22  }
0x206: {  	v21 =	vmul.f32 v21, v21;
	v26 =	vld [tilespmem:s18+$0xFFFFFEA0]  }
0x207: {  	v24 =	vmul.f32 v24, v24;
	v27 =	vld [tilespmem:s18+$0xFFFFFEB0];
	v22 =	vadd.f32 v22, v25  }
0x208: {  	s1 =	sadd.s32 $0x80, s1;
	v18 =	vadd.f32 v21, v18;
	v21 =	vmul.f32 v30, v30;
	v25 =	vld [tilespmem:s18+$0xFFFFFEC0]  }
0x209: {  	s24 =	simm.s32 $0x0;
	v24 =	vadd.f32 v24, v29;
	v28 =	vmul.f32 v28, v28;
	v29 =	vld [tilespmem:s18+$0xFFFFFED0];
	[tilespmem:s1+$0x30] =	vst v22  }
0x20a: {  	v21 =	vadd.f32 v21, v23;
	v22 =	vmul.f32 v19, v19;
	v23 =	vld [tilespmem:s18+$0xFFFFFEE0]  }
0x20b: {  	v26 =	vmul.f32 v26, v26;
	v30 =	vld [tilespmem:s18+$0xFFFFFEF0]  }
0x20c: {  	v19 =	vadd.f32 v21, v24;
	v21 =	vmul.f32 v27, v27;
	v24 =	vld [tilespmem:s18+$0xFFFFFF00]  }
0x20d: {  	v25 =	vmul.f32 v25, v25;
	v27 =	vld [tilespmem:s18+$0xFFFFFF10]  }
0x20e: {  	v29 =	vmul.f32 v29, v29;
	v31 =	vld [tilespmem:s18+$0xFFFFFF20]  }
0x20f: {  	v25 =	vadd.f32 v25, v28;
	v23 =	vmul.f32 v23, v23;
	v28 =	vld [tilespmem:s18+$0xFFFFFF30]  }
0x210: {  	v22 =	vadd.f32 v29, v22;
	v29 =	vmul.f32 v30, v30;
	v30 =	vld [tilespmem:s18+$0xFFFFFF40]  }
0x211: {  	v23 =	vadd.f32 v23, v26;
	v24 =	vmul.f32 v24, v24;
	v26 =	vld [tilespmem:s18+$0xFFFFFF50]  }
0x212: {  	v21 =	vadd.f32 v29, v21;
	v22 =	vadd.f32 v22, v25;
	v25 =	vmul.f32 v27, v27;
	v27 =	vld [tilespmem:s18+$0xFFFFFF60]  }
0x213: {  	v29 =	vmul.f32 v31, v31;
	v31 =	vld [tilespmem:s18+$0xFFFFFF70]  }
0x214: {  	v21 =	vadd.f32 v21, v23;
	v23 =	vmul.f32 v28, v28;
	v28 =	vld [tilespmem:s18+$0xFFFFFF80]  }
0x215: {  	v30 =	vmul.f32 v30, v30;
	v32 =	vld [tilespmem:s18+$0xFFFFFF90]  }
0x216: {  	v21 =	vadd.f32 v21, v22;
	v22 =	vmul.f32 v26, v26;
	v26 =	vld [tilespmem:s18+$0xFFFFFFA0]  }
0x217: {  	v24 =	vadd.f32 v30, v24;
	v27 =	vmul.f32 v27, v27;
	v30 =	vld [tilespmem:s18+$0xFFFFFFB0]  }
0x218: {  	[tilespmem:s1+$0xFFFFFFD0] =	vst v21;
	v21 =	vadd.f32 v22, v25;
	v22 =	vmul.f32 v31, v31;
	v25 =	vld [tilespmem:s18+$0xFFFFFFC0]  }
0x219: {  	v27 =	vadd.f32 v27, v29;
	v28 =	vmul.f32 v28, v28;
	v29 =	vld [tilespmem:s18+$0xFFFFFFD0]  }
0x21a: {  	v22 =	vadd.f32 v22, v23;
	v21 =	vadd.f32 v21, v24;
	v23 =	vmul.f32 v32, v32;
	v24 =	vld [tilespmem:s18+$0xFFFFFFE0]  }
0x21b: {  	v26 =	vmul.f32 v26, v26;
	v31 =	vld [tilespmem:s18+$0xFFFFFFF0]  }
0x21c: {  	v22 =	vadd.f32 v22, v27;
	v27 =	vmul.f32 v30, v30;
	v30 =	vld [tilespmem:s18+$0x0]  }
0x21d: {  	v25 =	vmul.f32 v25, v25;
	v32 =	vld [tilespmem:s18+$0x10]  }
0x21e: {  	v21 =	vadd.f32 v22, v21;
	v22 =	vmul.f32 v29, v29;
	v29 =	vld [tilespmem:s18+$0x20]  }
0x21f: {  	v25 =	vadd.f32 v25, v28;
	v24 =	vmul.f32 v24, v24;
	v28 =	vld [tilespmem:s18+$0x30]  }
0x220: {  	[tilespmem:s1+$0xFFFFFFE0] =	vst v21;
	v21 =	vadd.f32 v22, v23;
	v22 =	vmul.f32 v31, v31;
	v23 =	vld [tilespmem:s18+$0x40]  }
0x221: {  	v24 =	vadd.f32 v24, v26;
	v26 =	vmul.f32 v30, v30;
	v30 =	vld [tilespmem:s18+$0x50]  }
0x222: {  	v22 =	vadd.f32 v22, v27;
	v21 =	vadd.f32 v21, v25;
	v25 =	vmul.f32 v32, v32;
	v27 =	vld [tilespmem:s18+$0x60]  }
0x223: {  	v29 =	vmul.f32 v29, v29;
	v31 =	vld [tilespmem:s18+$0x70]  }
0x224: {  	v22 =	vadd.f32 v22, v24;
	v24 =	vmul.f32 v28, v28;
	v28 =	vld [tilespmem:s18+$0x80]  }
0x225: {  	v23 =	vmul.f32 v23, v23;
	v32 =	vld [tilespmem:s18+$0x90]  }
0x226: {  	v21 =	vadd.f32 v22, v21;
	v22 =	vmul.f32 v30, v30;
	v30 =	vld [tilespmem:s18+$0xA0]  }
0x227: {  	v23 =	vadd.f32 v23, v26;
	v26 =	vmul.f32 v27, v27;
	v27 =	vld [tilespmem:s18+$0xB0]  }
0x228: {  	[tilespmem:s1+$0xFFFFFFF0] =	vst v21;
	v21 =	vadd.f32 v22, v25;
	v22 =	vmul.f32 v31, v31;
	v25 =	vld [tilespmem:s18+$0xC0]  }
0x229: {  	v26 =	vadd.f32 v26, v29;
	v28 =	vmul.f32 v28, v28;
	v29 =	vld [tilespmem:s18+$0xD0]  }
0x22a: {  	v22 =	vadd.f32 v22, v24;
	v21 =	vadd.f32 v21, v23;
	v23 =	vmul.f32 v32, v32;
	v24 =	vld [tilespmem:s18+$0xE0]  }
0x22b: {  	v30 =	vmul.f32 v30, v30;
	v31 =	vld [tilespmem:s18+$0xF0]  }
0x22c: {  	v22 =	vadd.f32 v22, v26;
	v26 =	vmul.f32 v27, v27;
	v27 =	vld [tilespmem:s18+$0x100]  }
0x22d: {  	v25 =	vmul.f32 v25, v25;
	v32 =	vld [tilespmem:s18+$0x110]  }
0x22e: {  	v21 =	vadd.f32 v22, v21;
	v22 =	vmul.f32 v29, v29;
	v29 =	vld [tilespmem:s18+$0x120]  }
0x22f: {  	v25 =	vadd.f32 v25, v28;
	v24 =	vmul.f32 v24, v24;
	v28 =	vld [tilespmem:s18+$0x130]  }
.Ltmp2:
0x230: {  	[tilespmem:s1+$0x0] =	vst v21;
	v22 =	vadd.f32 v22, v23;
	v31 =	vmul.f32 v31, v31;
	v21 =	vld [tilespmem:s18+$0x140];
	(pc) =	sbr.rel @p0 .LBB2_7-.Ltmp2, $4  }
0x231: {  	v33 =	vadd.f32 v24, v30;
	v24 =	vmul.f32 v27, v27;
	v23 =	vld [tilespmem:s18+$0x150]  }
0x232: {  	v31 =	vadd.f32 v31, v26;
	v22 =	vadd.f32 v22, v25;
	v25 =	vmul.f32 v32, v32;
	v27 =	vld [tilespmem:s18+$0x160]  }
0x233: {  	v26 =	vmul.f32 v29, v29;
	v29 =	vld [tilespmem:s18+$0x170]  }
0x234: {  	v30 =	vld [tilespmem:s18+$0xFFFFFE00];
	v31 =	vadd.f32 v31, v33;
	v28 =	vmul.f32 v28, v28;
	s18 =	sadd.s32 $0x400, s18  }
0x235: {  	_ =	sdelay $0x1  }
0x236: {  	v21 =	vmul.f32 v21, v21;
	v23 =	vmul.f32 v23, v23  }
0x237: {  	v27 =	vmul.f32 v27, v27;
	v29 =	vmul.f32 v29, v29  }
0x238: {  	v21 =	vadd.f32 v21, v24;
	v23 =	vadd.f32 v23, v25;
	v59 =	vmul.f32 v30, v30  }
0x239: {  	v60 =	vadd.f32 v27, v26;
	v61 =	vadd.f32 v29, v28  }
0x23a: {  	v20 =	vadd.f32 v20, v59  }
0x23b: {  	v63 =	vor.u32 s24, v1;
	v21 =	vadd.f32 v23, v21;
	v62 =	vadd.f32 v61, v60  }
0x23c: {  	v22 =	vadd.f32 v31, v22;
	v18 =	vadd.f32 v18, v20;
	v20 =	vand.u32 v2, v63  }
0x23d: {  	v21 =	vadd.f32 v62, v21  }
0x23e: {  	[tilespmem:s1+$0x10] =	vst v22;
	v18 =	vadd.f32 v19, v18;
	v19 =	vor.u32 s24, v5  }
0x23f: {  	[tilespmem:s1+$0x20] =	vst v21  }
0x240: {  	[tilespmem:s1+$0xFFFFFFC0] =	vst v18;
	v18 =	vor.u32 s24, v3  }
0x241: {  	v20 =	vld.idx.msk [tilespmem:v20+s20+$0x0], $0xffff  }
0x242: {  	v28 =	vor.u32 s24, v4  }
0x243: {  	v19 =	vld.idx.msk [tilespmem:v19+s20+$0x0], $0xffff  }
0x244: {  	v29 =	vor.u32 s24, v6  }
0x245: {  	v18 =	vld.idx.msk [tilespmem:v18+s20+$0x0], $0xffff  }
0x246: {  	v30 =	vor.u32 s24, v7;
	v20 =	vadd.f32 $0.0e+00, v20  }
0x247: {  	v21 =	vld.idx.msk [tilespmem:v28+s20+$0x0], $0xffff  }
0x248: {  	v31 =	vor.u32 s24, v8;
	v19 =	vadd.f32 v19, v20  }
0x249: {  	v20 =	vld.idx.msk [tilespmem:v29+s20+$0x0], $0xffff  }
0x24a: {  	v32 =	vor.u32 s24, v9;
	v18 =	vadd.f32 v18, v19  }
0x24b: {  	v19 =	vld.idx.msk [tilespmem:v30+s20+$0x0], $0xffff  }
0x24c: {  	v33 =	vor.u32 s24, v10;
	v18 =	vadd.f32 v21, v18  }
0x24d: {  	v34 =	vld.idx.msk [tilespmem:v31+s20+$0x0], $0xffff  }
0x24e: {  	v35 =	vor.u32 s24, v11;
	v18 =	vadd.f32 v20, v18  }
0x24f: {  	v20 =	vld.idx.msk [tilespmem:v32+s20+$0x0], $0xffff  }
0x250: {  	v36 =	vor.u32 s24, v12;
	v18 =	vadd.f32 v19, v18  }
0x251: {  	v19 =	vld.idx.msk [tilespmem:v33+s20+$0x0], $0xffff  }
0x252: {  	v37 =	vor.u32 s24, v13;
	v18 =	vadd.f32 v34, v18  }
0x253: {  	v38 =	vld.idx.msk [tilespmem:v35+s20+$0x0], $0xffff  }
0x254: {  	v39 =	vor.u32 s24, v14;
	v18 =	vadd.f32 v20, v18  }
0x255: {  	v20 =	vld.idx.msk [tilespmem:v36+s20+$0x0], $0xffff  }
0x256: {  	v40 =	vor.u32 s24, v15;
	v18 =	vadd.f32 v19, v18  }
0x257: {  	v19 =	vld.idx.msk [tilespmem:v37+s20+$0x0], $0xffff  }
0x258: {  	v41 =	vor.u32 s24, v16;
	v18 =	vadd.f32 v38, v18  }
0x259: {  	v42 =	vld.idx.msk [tilespmem:v39+s20+$0x0], $0xffff  }
0x25a: {  	v43 =	vor.u32 s24, v17;
	v18 =	vadd.f32 v20, v18  }
0x25b: {  	v20 =	vld.idx.msk [tilespmem:v40+s20+$0x0], $0xffff  }
0x25c: {  	v18 =	vadd.f32 v19, v18  }
0x25d: {  	v19 =	vld.idx.msk [tilespmem:v41+s20+$0x0], $0xffff  }
0x25e: {  	v18 =	vadd.f32 v42, v18  }
0x25f: {  	v44 =	vld.idx.msk [tilespmem:v43+s20+$0x0], $0xffff  }
0x260: {  	v18 =	vadd.f32 v20, v18;
	_ =	sdelay $0x1  }
0x261: {  	v18 =	vadd.f32 v19, v18;
	_ =	sdelay $0x1  }
0x262: {  	v18 =	vadd.f32 v44, v18;
	_ =	sdelay $0x1  }
0x263: {  	v18 =	vmax.f32 v18, $1.000000000e-30  }
0x264: {  	v19 =	vshra.s32 v18, $0x1;
	v20 =	vmul.f32 $5.000000000e-01, v18  }
0x265: {  	v19 =	vsub.s32 $0x5F3759DF, v19  }
0x266: {  	v45 =	vmul.f32 v19, v20;
	_ =	sdelay $0x1  }
0x267: {  	v21 =	vmul.f32 v19, v45;
	_ =	sdelay $0x1  }
0x268: {  	v21 =	vsub.f32 $1.500000000e+00, v21;
	_ =	sdelay $0x1  }
0x269: {  	v19 =	vmul.f32 v19, v21;
	_ =	sdelay $0x1  }
0x26a: {  	v21 =	vmul.f32 v19, v20;
	_ =	sdelay $0x1  }
0x26b: {  	v21 =	vmul.f32 v21, v19;
	_ =	sdelay $0x1  }
0x26c: {  	v21 =	vsub.f32 $1.500000000e+00, v21;
	_ =	sdelay $0x1  }
0x26d: {  	v19 =	vmul.f32 v21, v19;
	_ =	sdelay $0x1  }
0x26e: {  	v20 =	vmul.f32 v19, v20;
	_ =	sdelay $0x1  }
0x26f: {  	v20 =	vmul.f32 v20, v19;
	_ =	sdelay $0x1  }
0x270: {  	v20 =	vsub.f32 $1.500000000e+00, v20;
	_ =	sdelay $0x1  }
0x271: {  	v19 =	vmul.f32 v20, v19;
	_ =	sdelay $0x1  }
0x272: {  	v18 =	vmul.f32 v19, v18;
	_ =	sdelay $0x1  }
0x273: {  	v18 =	vadd.f32 $-1.000000000e+00, v18;
	_ =	sdelay $0x1  }
0x274: {  	v18 =	vmul.f32 $1.442695020e+00, v18;
	_ =	sdelay $0x1  }
0x275: {  	(erf) = vpow2.f32 v18;
	_ =	sdelay $0x8  }
0x276: {  	v18 =	vpop (erf)  }
0x277: {  	v18 =	vadd.f32 $1.000000000e+00, v18;
	_ =	sdelay $0x1  }
0x278: {  	(erf) = vrcp.f32 v18;
	_ =	sdelay $0x3  }
0x279: {  	s24 =	simm.s32 $0x100  }
0x27a: {  	v18 =	vor.u32 s24, v1  }
0x27b: {  	v18 =	vand.u32 v2, v18;
	_ =	sdelay $0x1  }
0x27c: {  	v19 =	vor.u32 s24, v5  }
0x27d: {  	v20 =	vpop (erf)  }
0x27e: {  	v46 =	vor.u32 s24, v3;
	[tilespmem:s26+$0x0] =	vst v20  }
0x27f: {  	v18 =	vld.idx.msk [tilespmem:v18+s20+$0x0], $0xffff  }
0x280: {  	v20 =	vor.u32 s24, v4  }
0x281: {  	v19 =	vld.idx.msk [tilespmem:v19+s20+$0x0], $0xffff  }
0x282: {  	v47 =	vor.u32 s24, v6  }
0x283: {  	v21 =	vld.idx.msk [tilespmem:v46+s20+$0x0], $0xffff  }
0x284: {  	v48 =	vor.u32 s24, v7;
	v18 =	vadd.f32 $0.0e+00, v18  }
0x285: {  	v20 =	vld.idx.msk [tilespmem:v20+s20+$0x0], $0xffff  }
0x286: {  	v49 =	vor.u32 s24, v8;
	v18 =	vadd.f32 v19, v18  }
0x287: {  	v19 =	vld.idx.msk [tilespmem:v47+s20+$0x0], $0xffff  }
0x288: {  	v50 =	vor.u32 s24, v9;
	v18 =	vadd.f32 v21, v18  }
0x289: {  	v51 =	vld.idx.msk [tilespmem:v48+s20+$0x0], $0xffff  }
0x28a: {  	v52 =	vor.u32 s24, v10;
	v18 =	vadd.f32 v20, v18  }
0x28b: {  	v20 =	vld.idx.msk [tilespmem:v49+s20+$0x0], $0xffff  }
0x28c: {  	v53 =	vor.u32 s24, v11;
	v18 =	vadd.f32 v19, v18  }
0x28d: {  	v19 =	vld.idx.msk [tilespmem:v50+s20+$0x0], $0xffff  }
0x28e: {  	v54 =	vor.u32 s24, v12;
	v18 =	vadd.f32 v51, v18  }
0x28f: {  	v55 =	vld.idx.msk [tilespmem:v52+s20+$0x0], $0xffff  }
0x290: {  	v56 =	vor.u32 s24, v13;
	v18 =	vadd.f32 v20, v18  }
0x291: {  	v20 =	vld.idx.msk [tilespmem:v53+s20+$0x0], $0xffff  }
0x292: {  	v57 =	vor.u32 s24, v14;
	v18 =	vadd.f32 v19, v18  }
0x293: {  	v19 =	vld.idx.msk [tilespmem:v54+s20+$0x0], $0xffff  }
0x294: {  	v58 =	vor.u32 s24, v15;
	v18 =	vadd.f32 v55, v18  }
0x295: {  	v59 =	vld.idx.msk [tilespmem:v56+s20+$0x0], $0xffff  }
0x296: {  	v60 =	vor.u32 s24, v16;
	v18 =	vadd.f32 v20, v18  }
0x297: {  	v20 =	vld.idx.msk [tilespmem:v57+s20+$0x0], $0xffff  }
0x298: {  	v61 =	vor.u32 s24, v17;
	v18 =	vadd.f32 v19, v18  }
0x299: {  	v19 =	vld.idx.msk [tilespmem:v58+s20+$0x0], $0xffff  }
0x29a: {  	v18 =	vadd.f32 v59, v18  }
0x29b: {  	v62 =	vld.idx.msk [tilespmem:v60+s20+$0x0], $0xffff  }
0x29c: {  	v18 =	vadd.f32 v20, v18  }
0x29d: {  	v20 =	vld.idx.msk [tilespmem:v61+s20+$0x0], $0xffff  }
0x29e: {  	v18 =	vadd.f32 v19, v18;
	_ =	sdelay $0x1  }
0x29f: {  	v18 =	vadd.f32 v62, v18;
	_ =	sdelay $0x1  }
0x2a0: {  	v18 =	vadd.f32 v20, v18;
	_ =	sdelay $0x1  }
0x2a1: {  	v18 =	vmax.f32 v18, $1.000000000e-30  }
0x2a2: {  	v19 =	vshra.s32 v18, $0x1;
	v20 =	vmul.f32 $5.000000000e-01, v18  }
0x2a3: {  	v19 =	vsub.s32 $0x5F3759DF, v19  }
0x2a4: {  	v63 =	vmul.f32 v19, v20;
	_ =	sdelay $0x1  }
0x2a5: {  	v21 =	vmul.f32 v19, v63;
	_ =	sdelay $0x1  }
0x2a6: {  	v21 =	vsub.f32 $1.500000000e+00, v21;
	_ =	sdelay $0x1  }
0x2a7: {  	v19 =	vmul.f32 v19, v21;
	_ =	sdelay $0x1  }
0x2a8: {  	v21 =	vmul.f32 v19, v20;
	_ =	sdelay $0x1  }
0x2a9: {  	v21 =	vmul.f32 v21, v19;
	_ =	sdelay $0x1  }
0x2aa: {  	v21 =	vsub.f32 $1.500000000e+00, v21;
	_ =	sdelay $0x1  }
0x2ab: {  	v19 =	vmul.f32 v21, v19;
	_ =	sdelay $0x1  }
0x2ac: {  	v20 =	vmul.f32 v19, v20;
	_ =	sdelay $0x1  }
0x2ad: {  	v20 =	vmul.f32 v20, v19;
	_ =	sdelay $0x1  }
0x2ae: {  	v20 =	vsub.f32 $1.500000000e+00, v20;
	_ =	sdelay $0x1  }
0x2af: {  	v19 =	vmul.f32 v20, v19;
	_ =	sdelay $0x1  }
0x2b0: {  	v18 =	vmul.f32 v19, v18;
	_ =	sdelay $0x1  }
0x2b1: {  	v18 =	vadd.f32 $-1.000000000e+00, v18;
	_ =	sdelay $0x1  }
0x2b2: {  	v18 =	vmul.f32 $1.442695020e+00, v18;
	_ =	sdelay $0x1  }
0x2b3: {  	(erf) = vpow2.f32 v18;
	_ =	sdelay $0x8  }
0x2b4: {  	v18 =	vpop (erf)  }
0x2b5: {  	v18 =	vadd.f32 $1.000000000e+00, v18;
	_ =	sdelay $0x1  }
0x2b6: {  	(erf) = vrcp.f32 v18;
	_ =	sdelay $0x3  }
0x2b7: {  	s1 =	simm.s32 $0x200  }
0x2b8: {  	s18 =	simm.s32 $0x300;
	s14 =	smov.u32 s26;
	v18 =	vor.u32 s1, v1  }
.LBB2_9:
0x2b9: {  	p0 =	sne.s32 s18, $0x400;
	v18 =	vand.u32 v2, v18;
	_ =	sdelay $0x1  }
0x2ba: {  	v19 =	vor.u32 s1, v5  }
0x2bb: {  	s14 =	sadd.s32 $0x10, s14;
	v20 =	vpop (erf)  }
0x2bc: {  	v21 =	vor.u32 s1, v3;
	[tilespmem:s14+$0x0] =	vst v20  }
0x2bd: {  	v18 =	vld.idx.msk [tilespmem:v18+s20+$0x0], $0xffff  }
0x2be: {  	v20 =	vor.u32 s1, v4  }
0x2bf: {  	v19 =	vld.idx.msk [tilespmem:v19+s20+$0x0], $0xffff  }
0x2c0: {  	v22 =	vor.u32 s1, v6  }
0x2c1: {  	v21 =	vld.idx.msk [tilespmem:v21+s20+$0x0], $0xffff  }
0x2c2: {  	v23 =	vor.u32 s1, v7  }
0x2c3: {  	v18 =	vadd.f32 $0.0e+00, v18;
	v20 =	vld.idx.msk [tilespmem:v20+s20+$0x0], $0xffff  }
0x2c4: {  	v24 =	vor.u32 s1, v8  }
0x2c5: {  	v18 =	vadd.f32 v19, v18;
	v19 =	vld.idx.msk [tilespmem:v22+s20+$0x0], $0xffff  }
0x2c6: {  	v22 =	vor.u32 s1, v9  }
0x2c7: {  	v18 =	vadd.f32 v21, v18;
	v21 =	vld.idx.msk [tilespmem:v23+s20+$0x0], $0xffff  }
0x2c8: {  	v23 =	vor.u32 s1, v10  }
0x2c9: {  	v18 =	vadd.f32 v20, v18;
	v20 =	vld.idx.msk [tilespmem:v24+s20+$0x0], $0xffff  }
0x2ca: {  	v24 =	vor.u32 s1, v11  }
0x2cb: {  	v18 =	vadd.f32 v19, v18;
	v19 =	vld.idx.msk [tilespmem:v22+s20+$0x0], $0xffff  }
0x2cc: {  	v22 =	vor.u32 s1, v12  }
0x2cd: {  	v18 =	vadd.f32 v21, v18;
	v21 =	vld.idx.msk [tilespmem:v23+s20+$0x0], $0xffff  }
0x2ce: {  	v23 =	vor.u32 s1, v13  }
0x2cf: {  	v18 =	vadd.f32 v20, v18;
	v20 =	vld.idx.msk [tilespmem:v24+s20+$0x0], $0xffff  }
0x2d0: {  	v24 =	vor.u32 s1, v14  }
0x2d1: {  	v18 =	vadd.f32 v19, v18;
	v19 =	vld.idx.msk [tilespmem:v22+s20+$0x0], $0xffff  }
0x2d2: {  	v22 =	vor.u32 s1, v15  }
0x2d3: {  	v18 =	vadd.f32 v21, v18;
	v21 =	vld.idx.msk [tilespmem:v23+s20+$0x0], $0xffff  }
0x2d4: {  	v23 =	vor.u32 s1, v16  }
0x2d5: {  	v18 =	vadd.f32 v20, v18;
	v20 =	vld.idx.msk [tilespmem:v24+s20+$0x0], $0xffff  }
0x2d6: {  	v24 =	vor.u32 s1, v17;
	s1 =	smov.u32 s18  }
0x2d7: {  	v18 =	vadd.f32 v19, v18;
	v19 =	vld.idx.msk [tilespmem:v22+s20+$0x0], $0xffff;
	_ =	sdelay $0x1  }
0x2d8: {  	v18 =	vadd.f32 v21, v18;
	v21 =	vld.idx.msk [tilespmem:v23+s20+$0x0], $0xffff;
	_ =	sdelay $0x1  }
0x2d9: {  	v18 =	vadd.f32 v20, v18;
	v20 =	vld.idx.msk [tilespmem:v24+s20+$0x0], $0xffff;
	_ =	sdelay $0x1  }
0x2da: {  	v18 =	vadd.f32 v19, v18;
	_ =	sdelay $0x1  }
0x2db: {  	v18 =	vadd.f32 v21, v18;
	_ =	sdelay $0x1  }
0x2dc: {  	v18 =	vadd.f32 v20, v18;
	_ =	sdelay $0x1  }
0x2dd: {  	v18 =	vmax.f32 v18, $1.000000000e-30  }
0x2de: {  	v19 =	vshra.s32 v18, $0x1;
	v20 =	vmul.f32 $5.000000000e-01, v18  }
0x2df: {  	v19 =	vsub.s32 $0x5F3759DF, v19  }
0x2e0: {  	v21 =	vmul.f32 v19, v20;
	_ =	sdelay $0x1  }
0x2e1: {  	v21 =	vmul.f32 v19, v21;
	_ =	sdelay $0x1  }
0x2e2: {  	v21 =	vsub.f32 $1.500000000e+00, v21;
	_ =	sdelay $0x1  }
0x2e3: {  	v19 =	vmul.f32 v19, v21;
	_ =	sdelay $0x1  }
0x2e4: {  	v21 =	vmul.f32 v19, v20;
	_ =	sdelay $0x1  }
0x2e5: {  	v21 =	vmul.f32 v21, v19;
	_ =	sdelay $0x1  }
0x2e6: {  	v21 =	vsub.f32 $1.500000000e+00, v21;
	_ =	sdelay $0x1  }
0x2e7: {  	v19 =	vmul.f32 v21, v19;
	_ =	sdelay $0x1  }
0x2e8: {  	v20 =	vmul.f32 v19, v20;
	_ =	sdelay $0x1  }
0x2e9: {  	v20 =	vmul.f32 v20, v19;
	_ =	sdelay $0x1  }
0x2ea: {  	v20 =	vsub.f32 $1.500000000e+00, v20;
	_ =	sdelay $0x1  }
0x2eb: {  	v19 =	vmul.f32 v20, v19;
	_ =	sdelay $0x1  }
0x2ec: {  	v18 =	vmul.f32 v19, v18;
	_ =	sdelay $0x1  }
0x2ed: {  	v18 =	vadd.f32 $-1.000000000e+00, v18;
	_ =	sdelay $0x1  }
0x2ee: {  	v18 =	vmul.f32 $1.442695020e+00, v18;
	_ =	sdelay $0x1  }
0x2ef: {  	(erf) = vpow2.f32 v18;
	_ =	sdelay $0x8  }
0x2f0: {  	v18 =	vpop (erf)  }
0x2f1: {  	v18 =	vadd.f32 $1.000000000e+00, v18;
	_ =	sdelay $0x1  }
0x2f2: {  	(erf) = vrcp.f32 v18  }
.Ltmp3:
0x2f3: {  	(pc) =	sbr.rel @p0 .LBB2_9-.Ltmp3, $2  }
0x2f4: {  	_ =	sdelay $0x2  }
0x2f5: {  	s18 =	sadd.s32 $0x100, s18;
	v18 =	vor.u32 s1, v1  }
0x2f6: {  	v18 =	vand.u32 v2, v18;
	_ =	sdelay $0x1  }
0x2f7: {  	v19 =	vor.u32 s1, v5  }
0x2f8: {  	s14 =	sadd.s32 $0x10, s14;
	v20 =	vpop (erf)  }
0x2f9: {  	v21 =	vor.u32 s1, v3;
	[tilespmem:s14+$0x0] =	vst v20  }
0x2fa: {  	v18 =	vld.idx.msk [tilespmem:v18+s20+$0x0], $0xffff  }
0x2fb: {  	v20 =	vor.u32 s1, v4  }
0x2fc: {  	v19 =	vld.idx.msk [tilespmem:v19+s20+$0x0], $0xffff  }
0x2fd: {  	v22 =	vor.u32 s1, v6  }
0x2fe: {  	v21 =	vld.idx.msk [tilespmem:v21+s20+$0x0], $0xffff  }
0x2ff: {  	v23 =	vor.u32 s1, v7;
	v18 =	vadd.f32 $0.0e+00, v18  }
0x300: {  	v20 =	vld.idx.msk [tilespmem:v20+s20+$0x0], $0xffff  }
0x301: {  	v24 =	vor.u32 s1, v8;
	v18 =	vadd.f32 v19, v18  }
0x302: {  	v19 =	vld.idx.msk [tilespmem:v22+s20+$0x0], $0xffff  }
0x303: {  	v22 =	vor.u32 s1, v9;
	v18 =	vadd.f32 v21, v18  }
0x304: {  	v21 =	vld.idx.msk [tilespmem:v23+s20+$0x0], $0xffff  }
0x305: {  	v23 =	vor.u32 s1, v10;
	v18 =	vadd.f32 v20, v18  }
0x306: {  	v20 =	vld.idx.msk [tilespmem:v24+s20+$0x0], $0xffff  }
0x307: {  	v24 =	vor.u32 s1, v11;
	v18 =	vadd.f32 v19, v18  }
0x308: {  	v19 =	vld.idx.msk [tilespmem:v22+s20+$0x0], $0xffff  }
0x309: {  	v22 =	vor.u32 s1, v12;
	v18 =	vadd.f32 v21, v18  }
0x30a: {  	v21 =	vld.idx.msk [tilespmem:v23+s20+$0x0], $0xffff  }
0x30b: {  	v23 =	vor.u32 s1, v13;
	v18 =	vadd.f32 v20, v18  }
0x30c: {  	v20 =	vld.idx.msk [tilespmem:v24+s20+$0x0], $0xffff  }
0x30d: {  	v24 =	vor.u32 s1, v14;
	v18 =	vadd.f32 v19, v18  }
0x30e: {  	v19 =	vld.idx.msk [tilespmem:v22+s20+$0x0], $0xffff  }
0x30f: {  	v22 =	vor.u32 s1, v15;
	v18 =	vadd.f32 v21, v18  }
0x310: {  	v21 =	vld.idx.msk [tilespmem:v23+s20+$0x0], $0xffff  }
0x311: {  	v23 =	vor.u32 s1, v16;
	v18 =	vadd.f32 v20, v18  }
0x312: {  	v20 =	vld.idx.msk [tilespmem:v24+s20+$0x0], $0xffff  }
0x313: {  	v24 =	vor.u32 s1, v17;
	v18 =	vadd.f32 v19, v18  }
0x314: {  	v19 =	vld.idx.msk [tilespmem:v22+s20+$0x0], $0xffff  }
0x315: {  	v18 =	vadd.f32 v21, v18  }
0x316: {  	v21 =	vld.idx.msk [tilespmem:v23+s20+$0x0], $0xffff  }
0x317: {  	v18 =	vadd.f32 v20, v18  }
0x318: {  	v20 =	vld.idx.msk [tilespmem:v24+s20+$0x0], $0xffff  }
0x319: {  	v18 =	vadd.f32 v19, v18;
	_ =	sdelay $0x1  }
0x31a: {  	v18 =	vadd.f32 v21, v18;
	_ =	sdelay $0x1  }
0x31b: {  	v18 =	vadd.f32 v20, v18;
	_ =	sdelay $0x1  }
0x31c: {  	v18 =	vmax.f32 v18, $1.000000000e-30  }
0x31d: {  	v19 =	vshra.s32 v18, $0x1;
	v20 =	vmul.f32 $5.000000000e-01, v18  }
0x31e: {  	v19 =	vsub.s32 $0x5F3759DF, v19  }
0x31f: {  	v21 =	vmul.f32 v19, v20;
	_ =	sdelay $0x1  }
0x320: {  	v21 =	vmul.f32 v19, v21;
	_ =	sdelay $0x1  }
0x321: {  	v21 =	vsub.f32 $1.500000000e+00, v21;
	_ =	sdelay $0x1  }
0x322: {  	v19 =	vmul.f32 v19, v21;
	_ =	sdelay $0x1  }
0x323: {  	v21 =	vmul.f32 v19, v20;
	_ =	sdelay $0x1  }
0x324: {  	v21 =	vmul.f32 v21, v19;
	_ =	sdelay $0x1  }
0x325: {  	v21 =	vsub.f32 $1.500000000e+00, v21;
	_ =	sdelay $0x1  }
0x326: {  	v19 =	vmul.f32 v21, v19;
	_ =	sdelay $0x1  }
0x327: {  	v20 =	vmul.f32 v19, v20;
	_ =	sdelay $0x1  }
0x328: {  	v20 =	vmul.f32 v20, v19;
	_ =	sdelay $0x1  }
0x329: {  	v20 =	vsub.f32 $1.500000000e+00, v20;
	_ =	sdelay $0x1  }
0x32a: {  	v19 =	vmul.f32 v20, v19;
	_ =	sdelay $0x1  }
0x32b: {  	v18 =	vmul.f32 v19, v18;
	_ =	sdelay $0x1  }
0x32c: {  	v18 =	vadd.f32 $-1.000000000e+00, v18;
	_ =	sdelay $0x1  }
0x32d: {  	v18 =	vmul.f32 $1.442695020e+00, v18;
	_ =	sdelay $0x1  }
0x32e: {  	(erf) = vpow2.f32 v18;
	_ =	sdelay $0x8  }
0x32f: {  	v18 =	vpop (erf)  }
0x330: {  	v18 =	vadd.f32 $1.000000000e+00, v18;
	_ =	sdelay $0x1  }
0x331: {  	(erf) = vrcp.f32 v18;
	_ =	sdelay $0x8  }
0x332: {  	s24 =	sadd.s32 $0x500, s31;
	s18 =	sadd.s32 $0x10, s14;
	v18 =	vpop (erf)  }
0x333: {  	s1 =	sshra.s32 s24, $0x2;
	[tilespmem:s18+$0x0] =	vst v18  }
0x334: {  	[tilespmem:s13], [sflag:$0x3] =	stream.indirect.gather [hbm4b:s3+s11], $0x80, s1, s11, $0xb8;
	[tilespmem:$0xF380] =	vst v63  }
0x335: {  	_ =	swait.ge [sflag:s16], $0x2800  }
0x336: {  	[sflag:s16] =	ssyncset.done $0x0  }
0x337: {  	s0 =	sadd.s32 $0x2780, s0;
	[sflag:s16] =	ssyncadd.s32 $0xFFFFD800  }
0x338: {  	[tilespmem:s12], [sflag:$0x2] =	stream.indirect.gather.add.f32 [hbm:s4], $0x80, s0, s11, $0xb8;
	[tilespmem:$0xF380] =	vst v63  }
0x339: {  	_ =	swait.ge [sflag:s23], $0x2800  }
0x33a: {  	[sflag:s23] =	ssyncset.done $0x0  }
0x33b: {  	s18 =	simm.s32 $0xC880;
	[sflag:s23] =	ssyncadd.s32 $0xFFFFD800  }
0x33c: {  	v18 =	vld [tilespmem:s18+$0x180]  }
0x33d: {  	v19 =	vld [tilespmem:s18+$0x190]  }
0x33e: {  	v21 =	vld [tilespmem:s18+$0x1A0]  }
0x33f: {  	v22 =	vld [tilespmem:s18+$0x1B0]  }
0x340: {  	v23 =	vld [tilespmem:s18+$0x1C0]  }
0x341: {  	v24 =	vld [tilespmem:s18+$0x1D0]  }
0x342: {  	v25 =	vld [tilespmem:s18+$0x1E0]  }
0x343: {  	v26 =	vld [tilespmem:s18+$0x1F0]  }
0x344: {  	v27 =	vld [tilespmem:s18+$0xFFFFFE10]  }
0x345: {  	v28 =	vld [tilespmem:s18+$0xFFFFFE20]  }
0x346: {  	v29 =	vld [tilespmem:s18+$0xFFFFFE30]  }
0x347: {  	v20 =	vld [tilespmem:s18+$0xFFFFFE40]  }
0x348: {  	v30 =	vld [tilespmem:s18+$0xFFFFFE50]  }
0x349: {  	v31 =	vld [tilespmem:s18+$0xFFFFFE60]  }
0x34a: {  	v32 =	vld [tilespmem:s18+$0xFFFFFE70]  }
0x34b: {  	v33 =	vld [tilespmem:s18+$0xFFFFFE80]  }
0x34c: {  	v34 =	vld [tilespmem:s18+$0xFFFFFE90]  }
0x34d: {  	v35 =	vld [tilespmem:s18+$0xFFFFFEA0]  }
0x34e: {  	v36 =	vld [tilespmem:s18+$0xFFFFFEB0]  }
0x34f: {  	v37 =	vld [tilespmem:s18+$0xFFFFFEC0]  }
0x350: {  	v38 =	vld [tilespmem:s18+$0xFFFFFED0]  }
0x351: {  	v39 =	vld [tilespmem:s18+$0xFFFFFEE0]  }
0x352: {  	v40 =	vld [tilespmem:s18+$0xFFFFFEF0]  }
0x353: {  	v41 =	vld [tilespmem:s18+$0xFFFFFF00]  }
0x354: {  	v42 =	vld [tilespmem:s18+$0xFFFFFF10]  }
0x355: {  	v43 =	vld [tilespmem:s18+$0xFFFFFF20];
	v18 =	vmul.f32 v18, v18  }
0x356: {  	v44 =	vld [tilespmem:s18+$0xFFFFFF30];
	v19 =	vmul.f32 v19, v19;
	v21 =	vmul.f32 v21, v21  }
0x357: {  	v45 =	vld [tilespmem:s18+$0xFFFFFF40];
	v22 =	vmul.f32 v22, v22;
	v23 =	vmul.f32 v23, v23  }
0x358: {  	v50 =	vld [tilespmem:s18+$0xFFFFFFA0];
	v24 =	vmul.f32 v24, v24;
	v25 =	vmul.f32 v25, v25  }
0x359: {  	v51 =	vld [tilespmem:s18+$0xFFFFFFB0];
	v26 =	vmul.f32 v26, v26;
	v30 =	vmul.f32 v30, v30  }
0x35a: {  	v54 =	vld [tilespmem:s18+$0xFFFFFFC0];
	v52 =	vmul.f32 v35, v35;
	v53 =	vmul.f32 v36, v36  }
0x35b: {  	v55 =	vld [tilespmem:s18+$0xFFFFFFD0];
	v56 =	vmul.f32 v40, v40;
	v18 =	vadd.f32 v23, v18;
	v19 =	vadd.f32 v24, v19  }
0x35c: {  	v58 =	vmul.f32 v42, v42;
	v23 =	vld [tilespmem:s18+$0xFFFFFF50];
	v21 =	vadd.f32 v25, v21;
	v22 =	vadd.f32 v26, v22  }
0x35d: {  	v60 =	vmul.f32 v44, v44;
	v62 =	vmul.f32 v45, v45;
	v24 =	vld [tilespmem:s18+$0xFFFFFF60]  }
0x35e: {  	v57 =	vld [tilespmem:s18+$0xFFFFFFE0];
	v25 =	vmul.f32 v27, v27;
	v18 =	vadd.f32 v19, v18;
	v19 =	vadd.f32 v22, v21  }
0x35f: {  	v26 =	vld [tilespmem:s18+$0xFFFFFF70];
	v27 =	vmul.f32 v28, v28;
	v28 =	vmul.f32 v31, v31  }
0x360: {  	v59 =	vld [tilespmem:s18+$0xFFFFFFF0];
	v22 =	vmul.f32 v29, v29;
	v31 =	vadd.f32 v19, v18;
	v18 =	vmul.f32 v32, v32  }
0x361: {  	v61 =	vld [tilespmem:s18+$0x0];
	v19 =	vadd.f32 v28, v27;
	v27 =	vmul.f32 v33, v33;
	v28 =	vmul.f32 v34, v34  }
0x362: {  	v63 =	vld [tilespmem:s18+$0x10];
	v35 =	vadd.f32 v56, v53;
	v23 =	vmul.f32 v23, v23;
	v24 =	vmul.f32 v24, v24  }
0x363: {  	v46 =	vld [tilespmem:s18+$0x20];
	v22 =	vadd.f32 v18, v22;
	v18 =	vadd.f32 v30, v25;
	v25 =	vmul.f32 v37, v37  }
0x364: {  	v47 =	vld [tilespmem:s18+$0x30];
	v26 =	vmul.f32 v26, v26;
	v30 =	vmul.f32 v38, v38;
	v23 =	vadd.f32 v23, v58  }
0x365: {  	v48 =	vld [tilespmem:s18+$0x80];
	v19 =	vadd.f32 v22, v19;
	v22 =	vmul.f32 v39, v39;
	v25 =	vadd.f32 v25, v27  }
0x366: {  	v21 =	vld [tilespmem:s18+$0xFFFFFF80];
	v27 =	vmul.f32 v41, v41;
	v28 =	vadd.f32 v30, v28;
	v30 =	vmul.f32 v43, v43  }
0x367: {  	v29 =	vld [tilespmem:s18+$0xFFFFFF90];
	v26 =	vadd.f32 v26, v60;
	v22 =	vadd.f32 v22, v52  }
0x368: {  	v49 =	vld [tilespmem:s18+$0x90];
	v27 =	vadd.f32 v62, v27;
	v24 =	vadd.f32 v24, v30  }
0x369: {  	v56 =	vld [tilespmem:s18+$0xF0];
	v32 =	vmul.f32 v50, v50;
	v25 =	vadd.f32 v28, v25;
	v22 =	vadd.f32 v35, v22  }
0x36a: {  	v33 =	vmul.f32 v51, v51;
	v30 =	vld [tilespmem:s18+$0x40];
	v23 =	vadd.f32 v23, v27;
	v24 =	vadd.f32 v26, v24  }
0x36b: {  	v21 =	vmul.f32 v21, v21;
	v26 =	vld [tilespmem:s18+$0x60];
	v22 =	vadd.f32 v22, v25;
	v25 =	vmul.f32 v54, v54  }
0x36c: {  	v29 =	vmul.f32 v29, v29;
	v27 =	vld [tilespmem:s18+$0x70];
	v24 =	vadd.f32 v24, v23;
	v23 =	vmul.f32 v55, v55  }
0x36d: {  	v51 =	vmul.f32 v61, v61;
	v34 =	vmul.f32 v47, v47;
	v28 =	vld [tilespmem:s18+$0x50];
	v21 =	vadd.f32 v25, v21  }
0x36e: {  	s0 =	simm.s32 $0xEEC0;
	v53 =	vld [tilespmem:s18+$0xB0];
	v25 =	vmul.f32 v57, v57;
	v23 =	vadd.f32 v23, v29;
	v29 =	vmul.f32 v59, v59  }
0x36f: {  	[tilespmem:s0+$0x30] =	vst v31;
	v31 =	vmul.f32 v56, v56;
	v54 =	vmul.f32 v46, v46;
	v55 =	vld [tilespmem:s18+$0xC0]  }
0x370: {  	v50 =	vld [tilespmem:s18+$0xA0];
	v26 =	vmul.f32 v26, v26;
	v25 =	vadd.f32 v25, v32;
	v29 =	vadd.f32 v29, v33  }
0x371: {  	v27 =	vmul.f32 v27, v27;
	v21 =	vadd.f32 v23, v21;
	v23 =	vmul.f32 v30, v30;
	v30 =	vld [tilespmem:s18+$0xD0]  }
0x372: {  	v52 =	vmul.f32 v63, v63;
	v28 =	vmul.f32 v28, v28;
	v25 =	vadd.f32 v29, v25;
	v29 =	vld [tilespmem:s18+$0xE0]  }
0x373: {  	v61 =	vld [tilespmem:s18+$0x120];
	v58 =	vmul.f32 v48, v48;
	v26 =	vadd.f32 v26, v54;
	v27 =	vadd.f32 v27, v34  }
0x374: {  	v57 =	vld [tilespmem:s18+$0x100];
	v28 =	vadd.f32 v28, v52;
	v38 =	vmul.f32 v55, v55;
	v23 =	vadd.f32 v23, v51  }
0x375: {  	v60 =	vmul.f32 v50, v50;
	v59 =	vld [tilespmem:s18+$0x110];
	v26 =	vadd.f32 v27, v26;
	v27 =	vmul.f32 v53, v53  }
0x376: {  	v62 =	vld [tilespmem:s18+$0x130];
	[tilespmem:s0+$0xFFFFFFD0] =	vst v22;
	v22 =	vadd.f32 v38, v58;
	v23 =	vadd.f32 v28, v23;
	v28 =	vmul.f32 v49, v49  }
0x377: {  	v25 =	vadd.f32 v25, v21;
	v21 =	vld [tilespmem:s18+$0x140];
	v30 =	vmul.f32 v30, v30;
	v29 =	vmul.f32 v29, v29  }
0x378: {  	v20 =	vmul.f32 v20, v20;
	[tilespmem:s0+$0xFFFFFFE0] =	vst v24;
	v31 =	vadd.f32 v31, v27;
	v26 =	vadd.f32 v26, v23;
	v23 =	vld [tilespmem:s18+$0x150]  }
0x379: {  	v24 =	vmul.f32 v57, v57;
	v27 =	vld [tilespmem:s18+$0x160];
	[tilespmem:s0+$0xFFFFFFF0] =	vst v25;
	v28 =	vadd.f32 v30, v28;
	v63 =	vadd.f32 v29, v60  }
0x37a: {  	v25 =	vmul.f32 v59, v59;
	[tilespmem:s0+$0x0] =	vst v26;
	v26 =	vmul.f32 v61, v61;
	v29 =	vld [tilespmem:s18+$0x170]  }
0x37b: {  	s14 =	simm.s32 $0x0;
	v30 =	vld [tilespmem:s18+$0xFFFFFE00];
	v22 =	vadd.f32 v28, v22;
	v28 =	vmul.f32 v62, v62;
	s18 =	simm.s32 $0xCC80;
	v31 =	vadd.f32 v31, v63  }
.LBB2_11:
0x37c: {  	v32 =	vld [tilespmem:s18+$0x180];
	v21 =	vmul.f32 v21, v21  }
0x37d: {  	v33 =	vld [tilespmem:s18+$0x190];
	v22 =	vadd.f32 v31, v22;
	v23 =	vmul.f32 v23, v23  }
0x37e: {  	v31 =	vld [tilespmem:s18+$0x1A0];
	v21 =	vadd.f32 v21, v24;
	v24 =	vmul.f32 v27, v27  }
0x37f: {  	v27 =	vld [tilespmem:s18+$0x1B0];
	[tilespmem:s0+$0x10] =	vst v22;
	v22 =	vadd.f32 v23, v25;
	v23 =	vmul.f32 v29, v29  }
0x380: {  	v25 =	vld [tilespmem:s18+$0x1C0];
	v29 =	vmul.f32 v30, v30;
	v24 =	vadd.f32 v24, v26  }
0x381: {  	v26 =	vld [tilespmem:s18+$0x1D0];
	v23 =	vadd.f32 v23, v28;
	v21 =	vadd.f32 v22, v21  }
0x382: {  	v22 =	vld [tilespmem:s18+$0x1E0];
	v20 =	vadd.f32 v20, v29  }
0x383: {  	s14 =	sadd.s32 $0x8, s14;
	v28 =	vld [tilespmem:s18+$0x1F0];
	v23 =	vadd.f32 v23, v24  }
0x384: {  	p0 =	slt.u32 s14, $0x48;
	v24 =	vld [tilespmem:s18+$0xFFFFFE10];
	v18 =	vadd.f32 v18, v20  }
0x385: {  	v29 =	vmul.f32 v32, v32;
	v30 =	vmul.f32 v33, v33;
	v20 =	vld [tilespmem:s18+$0xFFFFFE20];
	v21 =	vadd.f32 v23, v21  }
0x386: {  	v31 =	vmul.f32 v31, v31;
	v27 =	vmul.f32 v27, v27;
	v23 =	vld [tilespmem:s18+$0xFFFFFE30];
	v18 =	vadd.f32 v19, v18  }
0x387: {  	v25 =	vmul.f32 v25, v25;
	v26 =	vmul.f32 v26, v26;
	v19 =	vld [tilespmem:s18+$0xFFFFFE40];
	[tilespmem:s0+$0x20] =	vst v21  }
0x388: {  	v22 =	vmul.f32 v22, v22;
	v21 =	vld [tilespmem:s18+$0xFFFFFE50];
	v28 =	vmul.f32 v28, v28;
	[tilespmem:s0+$0xFFFFFFC0] =	vst v18  }
0x389: {  	v25 =	vadd.f32 v25, v29;
	v26 =	vadd.f32 v26, v30;
	v18 =	vmul.f32 v24, v24;
	v24 =	vld [tilespmem:s18+$0xFFFFFE60]  }
0x38a: {  	v22 =	vadd.f32 v22, v31;
	v29 =	vmul.f32 v20, v20;
	v30 =	vld [tilespmem:s18+$0xFFFFFE70];
	v27 =	vadd.f32 v28, v27  }
0x38b: {  	v23 =	vmul.f32 v23, v23;
	v28 =	vld [tilespmem:s18+$0xFFFFFE80]  }
0x38c: {  	v25 =	vadd.f32 v26, v25;
	v20 =	vmul.f32 v19, v19;
	v19 =	vld [tilespmem:s18+$0xFFFFFE90];
	v22 =	vadd.f32 v27, v22  }
0x38d: {  	v21 =	vmul.f32 v21, v21;
	v26 =	vld [tilespmem:s18+$0xFFFFFEA0]  }
0x38e: {  	v24 =	vmul.f32 v24, v24;
	v27 =	vld [tilespmem:s18+$0xFFFFFEB0];
	v22 =	vadd.f32 v22, v25  }
0x38f: {  	s0 =	sadd.s32 $0x80, s0;
	v18 =	vadd.f32 v21, v18;
	v21 =	vmul.f32 v30, v30;
	v25 =	vld [tilespmem:s18+$0xFFFFFEC0]  }
0x390: {  	s24 =	simm.s32 $0x0;
	v24 =	vadd.f32 v24, v29;
	v28 =	vmul.f32 v28, v28;
	v29 =	vld [tilespmem:s18+$0xFFFFFED0];
	[tilespmem:s0+$0x30] =	vst v22  }
0x391: {  	v21 =	vadd.f32 v21, v23;
	v22 =	vmul.f32 v19, v19;
	v23 =	vld [tilespmem:s18+$0xFFFFFEE0]  }
0x392: {  	v26 =	vmul.f32 v26, v26;
	v30 =	vld [tilespmem:s18+$0xFFFFFEF0]  }
0x393: {  	v19 =	vadd.f32 v21, v24;
	v21 =	vmul.f32 v27, v27;
	v24 =	vld [tilespmem:s18+$0xFFFFFF00]  }
0x394: {  	v25 =	vmul.f32 v25, v25;
	v27 =	vld [tilespmem:s18+$0xFFFFFF10]  }
0x395: {  	v29 =	vmul.f32 v29, v29;
	v31 =	vld [tilespmem:s18+$0xFFFFFF20]  }
0x396: {  	v25 =	vadd.f32 v25, v28;
	v23 =	vmul.f32 v23, v23;
	v28 =	vld [tilespmem:s18+$0xFFFFFF30]  }
0x397: {  	v22 =	vadd.f32 v29, v22;
	v29 =	vmul.f32 v30, v30;
	v30 =	vld [tilespmem:s18+$0xFFFFFF40]  }
0x398: {  	v23 =	vadd.f32 v23, v26;
	v24 =	vmul.f32 v24, v24;
	v26 =	vld [tilespmem:s18+$0xFFFFFF50]  }
0x399: {  	v21 =	vadd.f32 v29, v21;
	v22 =	vadd.f32 v22, v25;
	v25 =	vmul.f32 v27, v27;
	v27 =	vld [tilespmem:s18+$0xFFFFFF60]  }
0x39a: {  	v29 =	vmul.f32 v31, v31;
	v31 =	vld [tilespmem:s18+$0xFFFFFF70]  }
0x39b: {  	v21 =	vadd.f32 v21, v23;
	v23 =	vmul.f32 v28, v28;
	v28 =	vld [tilespmem:s18+$0xFFFFFF80]  }
0x39c: {  	v30 =	vmul.f32 v30, v30;
	v32 =	vld [tilespmem:s18+$0xFFFFFF90]  }
0x39d: {  	v21 =	vadd.f32 v21, v22;
	v22 =	vmul.f32 v26, v26;
	v26 =	vld [tilespmem:s18+$0xFFFFFFA0]  }
0x39e: {  	v24 =	vadd.f32 v30, v24;
	v27 =	vmul.f32 v27, v27;
	v30 =	vld [tilespmem:s18+$0xFFFFFFB0]  }
0x39f: {  	[tilespmem:s0+$0xFFFFFFD0] =	vst v21;
	v21 =	vadd.f32 v22, v25;
	v22 =	vmul.f32 v31, v31;
	v25 =	vld [tilespmem:s18+$0xFFFFFFC0]  }
0x3a0: {  	v27 =	vadd.f32 v27, v29;
	v28 =	vmul.f32 v28, v28;
	v29 =	vld [tilespmem:s18+$0xFFFFFFD0]  }
0x3a1: {  	v22 =	vadd.f32 v22, v23;
	v21 =	vadd.f32 v21, v24;
	v23 =	vmul.f32 v32, v32;
	v24 =	vld [tilespmem:s18+$0xFFFFFFE0]  }
0x3a2: {  	v26 =	vmul.f32 v26, v26;
	v31 =	vld [tilespmem:s18+$0xFFFFFFF0]  }
0x3a3: {  	v22 =	vadd.f32 v22, v27;
	v27 =	vmul.f32 v30, v30;
	v30 =	vld [tilespmem:s18+$0x0]  }
0x3a4: {  	v25 =	vmul.f32 v25, v25;
	v32 =	vld [tilespmem:s18+$0x10]  }
0x3a5: {  	v21 =	vadd.f32 v22, v21;
	v22 =	vmul.f32 v29, v29;
	v29 =	vld [tilespmem:s18+$0x20]  }
0x3a6: {  	v25 =	vadd.f32 v25, v28;
	v24 =	vmul.f32 v24, v24;
	v28 =	vld [tilespmem:s18+$0x30]  }
0x3a7: {  	[tilespmem:s0+$0xFFFFFFE0] =	vst v21;
	v21 =	vadd.f32 v22, v23;
	v22 =	vmul.f32 v31, v31;
	v23 =	vld [tilespmem:s18+$0x40]  }
0x3a8: {  	v24 =	vadd.f32 v24, v26;
	v26 =	vmul.f32 v30, v30;
	v30 =	vld [tilespmem:s18+$0x50]  }
0x3a9: {  	v22 =	vadd.f32 v22, v27;
	v21 =	vadd.f32 v21, v25;
	v25 =	vmul.f32 v32, v32;
	v27 =	vld [tilespmem:s18+$0x60]  }
0x3aa: {  	v29 =	vmul.f32 v29, v29;
	v31 =	vld [tilespmem:s18+$0x70]  }
0x3ab: {  	v22 =	vadd.f32 v22, v24;
	v24 =	vmul.f32 v28, v28;
	v28 =	vld [tilespmem:s18+$0x80]  }
0x3ac: {  	v23 =	vmul.f32 v23, v23;
	v32 =	vld [tilespmem:s18+$0x90]  }
0x3ad: {  	v21 =	vadd.f32 v22, v21;
	v22 =	vmul.f32 v30, v30;
	v30 =	vld [tilespmem:s18+$0xA0]  }
0x3ae: {  	v23 =	vadd.f32 v23, v26;
	v26 =	vmul.f32 v27, v27;
	v27 =	vld [tilespmem:s18+$0xB0]  }
0x3af: {  	[tilespmem:s0+$0xFFFFFFF0] =	vst v21;
	v21 =	vadd.f32 v22, v25;
	v22 =	vmul.f32 v31, v31;
	v25 =	vld [tilespmem:s18+$0xC0]  }
0x3b0: {  	v26 =	vadd.f32 v26, v29;
	v28 =	vmul.f32 v28, v28;
	v29 =	vld [tilespmem:s18+$0xD0]  }
0x3b1: {  	v22 =	vadd.f32 v22, v24;
	v21 =	vadd.f32 v21, v23;
	v23 =	vmul.f32 v32, v32;
	v24 =	vld [tilespmem:s18+$0xE0]  }
0x3b2: {  	v30 =	vmul.f32 v30, v30;
	v31 =	vld [tilespmem:s18+$0xF0]  }
0x3b3: {  	v22 =	vadd.f32 v22, v26;
	v26 =	vmul.f32 v27, v27;
	v27 =	vld [tilespmem:s18+$0x100]  }
0x3b4: {  	v25 =	vmul.f32 v25, v25;
	v32 =	vld [tilespmem:s18+$0x110]  }
0x3b5: {  	v21 =	vadd.f32 v22, v21;
	v22 =	vmul.f32 v29, v29;
	v29 =	vld [tilespmem:s18+$0x120]  }
0x3b6: {  	v25 =	vadd.f32 v25, v28;
	v24 =	vmul.f32 v24, v24;
	v28 =	vld [tilespmem:s18+$0x130]  }
.Ltmp4:
0x3b7: {  	[tilespmem:s0+$0x0] =	vst v21;
	v22 =	vadd.f32 v22, v23;
	v31 =	vmul.f32 v31, v31;
	v21 =	vld [tilespmem:s18+$0x140];
	(pc) =	sbr.rel @p0 .LBB2_11-.Ltmp4, $4  }
0x3b8: {  	v33 =	vadd.f32 v24, v30;
	v24 =	vmul.f32 v27, v27;
	v23 =	vld [tilespmem:s18+$0x150]  }
0x3b9: {  	v31 =	vadd.f32 v31, v26;
	v22 =	vadd.f32 v22, v25;
	v25 =	vmul.f32 v32, v32;
	v27 =	vld [tilespmem:s18+$0x160]  }
0x3ba: {  	v26 =	vmul.f32 v29, v29;
	v29 =	vld [tilespmem:s18+$0x170]  }
0x3bb: {  	v30 =	vld [tilespmem:s18+$0xFFFFFE00];
	v31 =	vadd.f32 v31, v33;
	v28 =	vmul.f32 v28, v28;
	s18 =	sadd.s32 $0x400, s18  }
0x3bc: {  	_ =	sdelay $0x1  }
0x3bd: {  	v21 =	vmul.f32 v21, v21;
	v23 =	vmul.f32 v23, v23  }
0x3be: {  	v27 =	vmul.f32 v27, v27;
	v29 =	vmul.f32 v29, v29  }
0x3bf: {  	v21 =	vadd.f32 v21, v24;
	v23 =	vadd.f32 v23, v25;
	v59 =	vmul.f32 v30, v30  }
0x3c0: {  	v60 =	vadd.f32 v27, v26;
	v61 =	vadd.f32 v29, v28  }
0x3c1: {  	v20 =	vadd.f32 v20, v59  }
0x3c2: {  	v63 =	vor.u32 s24, v1;
	v21 =	vadd.f32 v23, v21;
	v62 =	vadd.f32 v61, v60  }
0x3c3: {  	v22 =	vadd.f32 v31, v22;
	v18 =	vadd.f32 v18, v20;
	v20 =	vand.u32 v2, v63  }
0x3c4: {  	v21 =	vadd.f32 v62, v21  }
0x3c5: {  	[tilespmem:s0+$0x10] =	vst v22;
	v18 =	vadd.f32 v19, v18;
	v19 =	vor.u32 s24, v5  }
0x3c6: {  	[tilespmem:s0+$0x20] =	vst v21  }
0x3c7: {  	[tilespmem:s0+$0xFFFFFFC0] =	vst v18;
	v18 =	vor.u32 s24, v3  }
0x3c8: {  	v20 =	vld.idx.msk [tilespmem:v20+s20+$0x0], $0xffff  }
0x3c9: {  	v28 =	vor.u32 s24, v4  }
0x3ca: {  	v19 =	vld.idx.msk [tilespmem:v19+s20+$0x0], $0xffff  }
0x3cb: {  	v29 =	vor.u32 s24, v6  }
0x3cc: {  	v18 =	vld.idx.msk [tilespmem:v18+s20+$0x0], $0xffff  }
0x3cd: {  	v30 =	vor.u32 s24, v7;
	v20 =	vadd.f32 $0.0e+00, v20  }
0x3ce: {  	v21 =	vld.idx.msk [tilespmem:v28+s20+$0x0], $0xffff  }
0x3cf: {  	v31 =	vor.u32 s24, v8;
	v19 =	vadd.f32 v19, v20  }
0x3d0: {  	v20 =	vld.idx.msk [tilespmem:v29+s20+$0x0], $0xffff  }
0x3d1: {  	v32 =	vor.u32 s24, v9;
	v18 =	vadd.f32 v18, v19  }
0x3d2: {  	v19 =	vld.idx.msk [tilespmem:v30+s20+$0x0], $0xffff  }
0x3d3: {  	v33 =	vor.u32 s24, v10;
	v18 =	vadd.f32 v21, v18  }
0x3d4: {  	v34 =	vld.idx.msk [tilespmem:v31+s20+$0x0], $0xffff  }
0x3d5: {  	v35 =	vor.u32 s24, v11;
	v18 =	vadd.f32 v20, v18  }
0x3d6: {  	v20 =	vld.idx.msk [tilespmem:v32+s20+$0x0], $0xffff  }
0x3d7: {  	v36 =	vor.u32 s24, v12;
	v18 =	vadd.f32 v19, v18  }
0x3d8: {  	v19 =	vld.idx.msk [tilespmem:v33+s20+$0x0], $0xffff  }
0x3d9: {  	v37 =	vor.u32 s24, v13;
	v18 =	vadd.f32 v34, v18  }
0x3da: {  	v38 =	vld.idx.msk [tilespmem:v35+s20+$0x0], $0xffff  }
0x3db: {  	v39 =	vor.u32 s24, v14;
	v18 =	vadd.f32 v20, v18  }
0x3dc: {  	v20 =	vld.idx.msk [tilespmem:v36+s20+$0x0], $0xffff  }
0x3dd: {  	v40 =	vor.u32 s24, v15;
	v18 =	vadd.f32 v19, v18  }
0x3de: {  	v19 =	vld.idx.msk [tilespmem:v37+s20+$0x0], $0xffff  }
0x3df: {  	v41 =	vor.u32 s24, v16;
	v18 =	vadd.f32 v38, v18  }
0x3e0: {  	v42 =	vld.idx.msk [tilespmem:v39+s20+$0x0], $0xffff  }
0x3e1: {  	v43 =	vor.u32 s24, v17;
	v18 =	vadd.f32 v20, v18  }
0x3e2: {  	v20 =	vld.idx.msk [tilespmem:v40+s20+$0x0], $0xffff  }
0x3e3: {  	v18 =	vadd.f32 v19, v18  }
0x3e4: {  	v19 =	vld.idx.msk [tilespmem:v41+s20+$0x0], $0xffff  }
0x3e5: {  	v18 =	vadd.f32 v42, v18  }
0x3e6: {  	v44 =	vld.idx.msk [tilespmem:v43+s20+$0x0], $0xffff  }
0x3e7: {  	v18 =	vadd.f32 v20, v18;
	_ =	sdelay $0x1  }
0x3e8: {  	v18 =	vadd.f32 v19, v18;
	_ =	sdelay $0x1  }
0x3e9: {  	v18 =	vadd.f32 v44, v18;
	_ =	sdelay $0x1  }
0x3ea: {  	v18 =	vmax.f32 v18, $1.000000000e-30  }
0x3eb: {  	v19 =	vshra.s32 v18, $0x1;
	v20 =	vmul.f32 $5.000000000e-01, v18  }
0x3ec: {  	v19 =	vsub.s32 $0x5F3759DF, v19  }
0x3ed: {  	v45 =	vmul.f32 v19, v20;
	_ =	sdelay $0x1  }
0x3ee: {  	v21 =	vmul.f32 v19, v45;
	_ =	sdelay $0x1  }
0x3ef: {  	v21 =	vsub.f32 $1.500000000e+00, v21;
	_ =	sdelay $0x1  }
0x3f0: {  	v19 =	vmul.f32 v19, v21;
	_ =	sdelay $0x1  }
0x3f1: {  	v21 =	vmul.f32 v19, v20;
	_ =	sdelay $0x1  }
0x3f2: {  	v21 =	vmul.f32 v21, v19;
	_ =	sdelay $0x1  }
0x3f3: {  	v21 =	vsub.f32 $1.500000000e+00, v21;
	_ =	sdelay $0x1  }
0x3f4: {  	v19 =	vmul.f32 v21, v19;
	_ =	sdelay $0x1  }
0x3f5: {  	v20 =	vmul.f32 v19, v20;
	_ =	sdelay $0x1  }
0x3f6: {  	v20 =	vmul.f32 v20, v19;
	_ =	sdelay $0x1  }
0x3f7: {  	v20 =	vsub.f32 $1.500000000e+00, v20;
	_ =	sdelay $0x1  }
0x3f8: {  	v19 =	vmul.f32 v20, v19;
	_ =	sdelay $0x1  }
0x3f9: {  	v18 =	vmul.f32 v19, v18;
	_ =	sdelay $0x1  }
0x3fa: {  	v18 =	vadd.f32 $-1.000000000e+00, v18;
	_ =	sdelay $0x1  }
0x3fb: {  	v18 =	vmul.f32 $1.442695020e+00, v18;
	_ =	sdelay $0x1  }
0x3fc: {  	(erf) = vpow2.f32 v18;
	_ =	sdelay $0x8  }
0x3fd: {  	v18 =	vpop (erf)  }
0x3fe: {  	v18 =	vadd.f32 $1.000000000e+00, v18;
	_ =	sdelay $0x1  }
0x3ff: {  	(erf) = vrcp.f32 v18;
	_ =	sdelay $0x3  }
0x400: {  	s24 =	simm.s32 $0x100  }
0x401: {  	v18 =	vor.u32 s24, v1  }
0x402: {  	v18 =	vand.u32 v2, v18;
	_ =	sdelay $0x1  }
0x403: {  	v19 =	vor.u32 s24, v5  }
0x404: {  	v20 =	vpop (erf)  }
0x405: {  	v46 =	vor.u32 s24, v3;
	[tilespmem:s28+$0x0] =	vst v20  }
0x406: {  	v18 =	vld.idx.msk [tilespmem:v18+s20+$0x0], $0xffff  }
0x407: {  	v20 =	vor.u32 s24, v4  }
0x408: {  	v19 =	vld.idx.msk [tilespmem:v19+s20+$0x0], $0xffff  }
0x409: {  	v47 =	vor.u32 s24, v6  }
0x40a: {  	v21 =	vld.idx.msk [tilespmem:v46+s20+$0x0], $0xffff  }
0x40b: {  	v48 =	vor.u32 s24, v7;
	v18 =	vadd.f32 $0.0e+00, v18  }
0x40c: {  	v20 =	vld.idx.msk [tilespmem:v20+s20+$0x0], $0xffff  }
0x40d: {  	v49 =	vor.u32 s24, v8;
	v18 =	vadd.f32 v19, v18  }
0x40e: {  	v19 =	vld.idx.msk [tilespmem:v47+s20+$0x0], $0xffff  }
0x40f: {  	v50 =	vor.u32 s24, v9;
	v18 =	vadd.f32 v21, v18  }
0x410: {  	v51 =	vld.idx.msk [tilespmem:v48+s20+$0x0], $0xffff  }
0x411: {  	v52 =	vor.u32 s24, v10;
	v18 =	vadd.f32 v20, v18  }
0x412: {  	v20 =	vld.idx.msk [tilespmem:v49+s20+$0x0], $0xffff  }
0x413: {  	v53 =	vor.u32 s24, v11;
	v18 =	vadd.f32 v19, v18  }
0x414: {  	v19 =	vld.idx.msk [tilespmem:v50+s20+$0x0], $0xffff  }
0x415: {  	v54 =	vor.u32 s24, v12;
	v18 =	vadd.f32 v51, v18  }
0x416: {  	v55 =	vld.idx.msk [tilespmem:v52+s20+$0x0], $0xffff  }
0x417: {  	v56 =	vor.u32 s24, v13;
	v18 =	vadd.f32 v20, v18  }
0x418: {  	v20 =	vld.idx.msk [tilespmem:v53+s20+$0x0], $0xffff  }
0x419: {  	v57 =	vor.u32 s24, v14;
	v18 =	vadd.f32 v19, v18  }
0x41a: {  	v19 =	vld.idx.msk [tilespmem:v54+s20+$0x0], $0xffff  }
0x41b: {  	v58 =	vor.u32 s24, v15;
	v18 =	vadd.f32 v55, v18  }
0x41c: {  	v59 =	vld.idx.msk [tilespmem:v56+s20+$0x0], $0xffff  }
0x41d: {  	v60 =	vor.u32 s24, v16;
	v18 =	vadd.f32 v20, v18  }
0x41e: {  	v20 =	vld.idx.msk [tilespmem:v57+s20+$0x0], $0xffff  }
0x41f: {  	v61 =	vor.u32 s24, v17;
	v18 =	vadd.f32 v19, v18  }
0x420: {  	v19 =	vld.idx.msk [tilespmem:v58+s20+$0x0], $0xffff  }
0x421: {  	v18 =	vadd.f32 v59, v18  }
0x422: {  	v62 =	vld.idx.msk [tilespmem:v60+s20+$0x0], $0xffff  }
0x423: {  	v18 =	vadd.f32 v20, v18  }
0x424: {  	v20 =	vld.idx.msk [tilespmem:v61+s20+$0x0], $0xffff  }
0x425: {  	v18 =	vadd.f32 v19, v18;
	_ =	sdelay $0x1  }
0x426: {  	v18 =	vadd.f32 v62, v18;
	_ =	sdelay $0x1  }
0x427: {  	v18 =	vadd.f32 v20, v18;
	_ =	sdelay $0x1  }
0x428: {  	v18 =	vmax.f32 v18, $1.000000000e-30  }
0x429: {  	v19 =	vshra.s32 v18, $0x1;
	v20 =	vmul.f32 $5.000000000e-01, v18  }
0x42a: {  	v19 =	vsub.s32 $0x5F3759DF, v19  }
0x42b: {  	v63 =	vmul.f32 v19, v20;
	_ =	sdelay $0x1  }
0x42c: {  	v21 =	vmul.f32 v19, v63;
	_ =	sdelay $0x1  }
0x42d: {  	v21 =	vsub.f32 $1.500000000e+00, v21;
	_ =	sdelay $0x1  }
0x42e: {  	v19 =	vmul.f32 v19, v21;
	_ =	sdelay $0x1  }
0x42f: {  	v21 =	vmul.f32 v19, v20;
	_ =	sdelay $0x1  }
0x430: {  	v21 =	vmul.f32 v21, v19;
	_ =	sdelay $0x1  }
0x431: {  	v21 =	vsub.f32 $1.500000000e+00, v21;
	_ =	sdelay $0x1  }
0x432: {  	v19 =	vmul.f32 v21, v19;
	_ =	sdelay $0x1  }
0x433: {  	v20 =	vmul.f32 v19, v20;
	_ =	sdelay $0x1  }
0x434: {  	v20 =	vmul.f32 v20, v19;
	_ =	sdelay $0x1  }
0x435: {  	v20 =	vsub.f32 $1.500000000e+00, v20;
	_ =	sdelay $0x1  }
0x436: {  	v19 =	vmul.f32 v20, v19;
	_ =	sdelay $0x1  }
0x437: {  	v18 =	vmul.f32 v19, v18;
	_ =	sdelay $0x1  }
0x438: {  	v18 =	vadd.f32 $-1.000000000e+00, v18;
	_ =	sdelay $0x1  }
0x439: {  	v18 =	vmul.f32 $1.442695020e+00, v18;
	_ =	sdelay $0x1  }
0x43a: {  	(erf) = vpow2.f32 v18;
	_ =	sdelay $0x8  }
0x43b: {  	v18 =	vpop (erf)  }
0x43c: {  	v18 =	vadd.f32 $1.000000000e+00, v18;
	_ =	sdelay $0x1  }
0x43d: {  	(erf) = vrcp.f32 v18;
	_ =	sdelay $0x3  }
0x43e: {  	s0 =	simm.s32 $0x200  }
0x43f: {  	s18 =	simm.s32 $0x300;
	s14 =	smov.u32 s28;
	v18 =	vor.u32 s0, v1  }
.LBB2_13:
0x440: {  	p0 =	sne.s32 s18, $0x400;
	v18 =	vand.u32 v2, v18;
	_ =	sdelay $0x1  }
0x441: {  	v19 =	vor.u32 s0, v5  }
0x442: {  	s14 =	sadd.s32 $0x10, s14;
	v20 =	vpop (erf)  }
0x443: {  	v21 =	vor.u32 s0, v3;
	[tilespmem:s14+$0x0] =	vst v20  }
0x444: {  	v18 =	vld.idx.msk [tilespmem:v18+s20+$0x0], $0xffff  }
0x445: {  	v20 =	vor.u32 s0, v4  }
0x446: {  	v19 =	vld.idx.msk [tilespmem:v19+s20+$0x0], $0xffff  }
0x447: {  	v22 =	vor.u32 s0, v6  }
0x448: {  	v21 =	vld.idx.msk [tilespmem:v21+s20+$0x0], $0xffff  }
0x449: {  	v23 =	vor.u32 s0, v7  }
0x44a: {  	v18 =	vadd.f32 $0.0e+00, v18;
	v20 =	vld.idx.msk [tilespmem:v20+s20+$0x0], $0xffff  }
0x44b: {  	v24 =	vor.u32 s0, v8  }
0x44c: {  	v18 =	vadd.f32 v19, v18;
	v19 =	vld.idx.msk [tilespmem:v22+s20+$0x0], $0xffff  }
0x44d: {  	v22 =	vor.u32 s0, v9  }
0x44e: {  	v18 =	vadd.f32 v21, v18;
	v21 =	vld.idx.msk [tilespmem:v23+s20+$0x0], $0xffff  }
0x44f: {  	v23 =	vor.u32 s0, v10  }
0x450: {  	v18 =	vadd.f32 v20, v18;
	v20 =	vld.idx.msk [tilespmem:v24+s20+$0x0], $0xffff  }
0x451: {  	v24 =	vor.u32 s0, v11  }
0x452: {  	v18 =	vadd.f32 v19, v18;
	v19 =	vld.idx.msk [tilespmem:v22+s20+$0x0], $0xffff  }
0x453: {  	v22 =	vor.u32 s0, v12  }
0x454: {  	v18 =	vadd.f32 v21, v18;
	v21 =	vld.idx.msk [tilespmem:v23+s20+$0x0], $0xffff  }
0x455: {  	v23 =	vor.u32 s0, v13  }
0x456: {  	v18 =	vadd.f32 v20, v18;
	v20 =	vld.idx.msk [tilespmem:v24+s20+$0x0], $0xffff  }
0x457: {  	v24 =	vor.u32 s0, v14  }
0x458: {  	v18 =	vadd.f32 v19, v18;
	v19 =	vld.idx.msk [tilespmem:v22+s20+$0x0], $0xffff  }
0x459: {  	v22 =	vor.u32 s0, v15  }
0x45a: {  	v18 =	vadd.f32 v21, v18;
	v21 =	vld.idx.msk [tilespmem:v23+s20+$0x0], $0xffff  }
0x45b: {  	v23 =	vor.u32 s0, v16  }
0x45c: {  	v18 =	vadd.f32 v20, v18;
	v20 =	vld.idx.msk [tilespmem:v24+s20+$0x0], $0xffff  }
0x45d: {  	v24 =	vor.u32 s0, v17;
	s0 =	smov.u32 s18  }
0x45e: {  	v18 =	vadd.f32 v19, v18;
	v19 =	vld.idx.msk [tilespmem:v22+s20+$0x0], $0xffff;
	_ =	sdelay $0x1  }
0x45f: {  	v18 =	vadd.f32 v21, v18;
	v21 =	vld.idx.msk [tilespmem:v23+s20+$0x0], $0xffff;
	_ =	sdelay $0x1  }
0x460: {  	v18 =	vadd.f32 v20, v18;
	v20 =	vld.idx.msk [tilespmem:v24+s20+$0x0], $0xffff;
	_ =	sdelay $0x1  }
0x461: {  	v18 =	vadd.f32 v19, v18;
	_ =	sdelay $0x1  }
0x462: {  	v18 =	vadd.f32 v21, v18;
	_ =	sdelay $0x1  }
0x463: {  	v18 =	vadd.f32 v20, v18;
	_ =	sdelay $0x1  }
0x464: {  	v18 =	vmax.f32 v18, $1.000000000e-30  }
0x465: {  	v19 =	vshra.s32 v18, $0x1;
	v20 =	vmul.f32 $5.000000000e-01, v18  }
0x466: {  	v19 =	vsub.s32 $0x5F3759DF, v19  }
0x467: {  	v21 =	vmul.f32 v19, v20;
	_ =	sdelay $0x1  }
0x468: {  	v21 =	vmul.f32 v19, v21;
	_ =	sdelay $0x1  }
0x469: {  	v21 =	vsub.f32 $1.500000000e+00, v21;
	_ =	sdelay $0x1  }
0x46a: {  	v19 =	vmul.f32 v19, v21;
	_ =	sdelay $0x1  }
0x46b: {  	v21 =	vmul.f32 v19, v20;
	_ =	sdelay $0x1  }
0x46c: {  	v21 =	vmul.f32 v21, v19;
	_ =	sdelay $0x1  }
0x46d: {  	v21 =	vsub.f32 $1.500000000e+00, v21;
	_ =	sdelay $0x1  }
0x46e: {  	v19 =	vmul.f32 v21, v19;
	_ =	sdelay $0x1  }
0x46f: {  	v20 =	vmul.f32 v19, v20;
	_ =	sdelay $0x1  }
0x470: {  	v20 =	vmul.f32 v20, v19;
	_ =	sdelay $0x1  }
0x471: {  	v20 =	vsub.f32 $1.500000000e+00, v20;
	_ =	sdelay $0x1  }
0x472: {  	v19 =	vmul.f32 v20, v19;
	_ =	sdelay $0x1  }
0x473: {  	v18 =	vmul.f32 v19, v18;
	_ =	sdelay $0x1  }
0x474: {  	v18 =	vadd.f32 $-1.000000000e+00, v18;
	_ =	sdelay $0x1  }
0x475: {  	v18 =	vmul.f32 $1.442695020e+00, v18;
	_ =	sdelay $0x1  }
0x476: {  	(erf) = vpow2.f32 v18;
	_ =	sdelay $0x8  }
0x477: {  	v18 =	vpop (erf)  }
0x478: {  	v18 =	vadd.f32 $1.000000000e+00, v18;
	_ =	sdelay $0x1  }
0x479: {  	(erf) = vrcp.f32 v18  }
.Ltmp5:
0x47a: {  	(pc) =	sbr.rel @p0 .LBB2_13-.Ltmp5, $2  }
0x47b: {  	_ =	sdelay $0x2  }
0x47c: {  	s18 =	sadd.s32 $0x100, s18;
	v18 =	vor.u32 s0, v1  }
0x47d: {  	v18 =	vand.u32 v2, v18;
	_ =	sdelay $0x1  }
0x47e: {  	v19 =	vor.u32 s0, v5  }
0x47f: {  	s14 =	sadd.s32 $0x10, s14;
	v20 =	vpop (erf)  }
0x480: {  	v21 =	vor.u32 s0, v3;
	[tilespmem:s14+$0x0] =	vst v20  }
0x481: {  	v18 =	vld.idx.msk [tilespmem:v18+s20+$0x0], $0xffff  }
0x482: {  	v44 =	vor.u32 s0, v4  }
0x483: {  	v19 =	vld.idx.msk [tilespmem:v19+s20+$0x0], $0xffff  }
0x484: {  	v22 =	vor.u32 s0, v6  }
0x485: {  	v21 =	vld.idx.msk [tilespmem:v21+s20+$0x0], $0xffff  }
0x486: {  	v23 =	vor.u32 s0, v7;
	v18 =	vadd.f32 $0.0e+00, v18  }
0x487: {  	v20 =	vld.idx.msk [tilespmem:v44+s20+$0x0], $0xffff  }
0x488: {  	v24 =	vor.u32 s0, v8;
	v18 =	vadd.f32 v19, v18  }
0x489: {  	v19 =	vld.idx.msk [tilespmem:v22+s20+$0x0], $0xffff  }
0x48a: {  	v45 =	vor.u32 s0, v9;
	v18 =	vadd.f32 v21, v18  }
0x48b: {  	v46 =	vld.idx.msk [tilespmem:v23+s20+$0x0], $0xffff  }
0x48c: {  	v47 =	vor.u32 s0, v10;
	v18 =	vadd.f32 v20, v18  }
0x48d: {  	v48 =	vld.idx.msk [tilespmem:v24+s20+$0x0], $0xffff  }
0x48e: {  	v49 =	vor.u32 s0, v11;
	v18 =	vadd.f32 v19, v18  }
0x48f: {  	v19 =	vld.idx.msk [tilespmem:v45+s20+$0x0], $0xffff  }
0x490: {  	v50 =	vor.u32 s0, v12;
	v18 =	vadd.f32 v46, v18  }
0x491: {  	v51 =	vld.idx.msk [tilespmem:v47+s20+$0x0], $0xffff  }
0x492: {  	v52 =	vor.u32 s0, v13;
	v18 =	vadd.f32 v48, v18  }
0x493: {  	v53 =	vld.idx.msk [tilespmem:v49+s20+$0x0], $0xffff  }
0x494: {  	v54 =	vor.u32 s0, v14;
	v18 =	vadd.f32 v19, v18  }
0x495: {  	v19 =	vld.idx.msk [tilespmem:v50+s20+$0x0], $0xffff  }
0x496: {  	v55 =	vor.u32 s0, v15;
	v18 =	vadd.f32 v51, v18  }
0x497: {  	v56 =	vld.idx.msk [tilespmem:v52+s20+$0x0], $0xffff  }
0x498: {  	v57 =	vor.u32 s0, v16;
	v18 =	vadd.f32 v53, v18  }
0x499: {  	v58 =	vld.idx.msk [tilespmem:v54+s20+$0x0], $0xffff  }
0x49a: {  	v59 =	vor.u32 s0, v17;
	v18 =	vadd.f32 v19, v18  }
0x49b: {  	v19 =	vld.idx.msk [tilespmem:v55+s20+$0x0], $0xffff  }
0x49c: {  	v18 =	vadd.f32 v56, v18  }
0x49d: {  	v60 =	vld.idx.msk [tilespmem:v57+s20+$0x0], $0xffff  }
0x49e: {  	v18 =	vadd.f32 v58, v18  }
0x49f: {  	v61 =	vld.idx.msk [tilespmem:v59+s20+$0x0], $0xffff  }
0x4a0: {  	v18 =	vadd.f32 v19, v18;
	_ =	sdelay $0x1  }
0x4a1: {  	v18 =	vadd.f32 v60, v18;
	_ =	sdelay $0x1  }
0x4a2: {  	v18 =	vadd.f32 v61, v18;
	_ =	sdelay $0x1  }
0x4a3: {  	v18 =	vmax.f32 v18, $1.000000000e-30  }
0x4a4: {  	v19 =	vshra.s32 v18, $0x1;
	v62 =	vmul.f32 $5.000000000e-01, v18  }
0x4a5: {  	v19 =	vsub.s32 $0x5F3759DF, v19  }
0x4a6: {  	v63 =	vmul.f32 v19, v62;
	_ =	sdelay $0x1  }
0x4a7: {  	v21 =	vmul.f32 v19, v63;
	_ =	sdelay $0x1  }
0x4a8: {  	v21 =	vsub.f32 $1.500000000e+00, v21;
	_ =	sdelay $0x1  }
0x4a9: {  	v19 =	vmul.f32 v19, v21;
	_ =	sdelay $0x1  }
0x4aa: {  	v21 =	vmul.f32 v19, v62;
	_ =	sdelay $0x1  }
0x4ab: {  	v21 =	vmul.f32 v21, v19;
	_ =	sdelay $0x1  }
0x4ac: {  	v21 =	vsub.f32 $1.500000000e+00, v21;
	_ =	sdelay $0x1  }
0x4ad: {  	v19 =	vmul.f32 v21, v19;
	_ =	sdelay $0x1  }
0x4ae: {  	v20 =	vmul.f32 v19, v62;
	_ =	sdelay $0x1  }
0x4af: {  	v20 =	vmul.f32 v20, v19;
	_ =	sdelay $0x1  }
0x4b0: {  	v20 =	vsub.f32 $1.500000000e+00, v20;
	_ =	sdelay $0x1  }
0x4b1: {  	v19 =	vmul.f32 v20, v19;
	_ =	sdelay $0x1  }
0x4b2: {  	v18 =	vmul.f32 v19, v18;
	_ =	sdelay $0x1  }
0x4b3: {  	v18 =	vadd.f32 $-1.000000000e+00, v18;
	_ =	sdelay $0x1  }
0x4b4: {  	v18 =	vmul.f32 $1.442695020e+00, v18;
	_ =	sdelay $0x1  }
0x4b5: {  	(erf) = vpow2.f32 v18;
	_ =	sdelay $0x8  }
0x4b6: {  	v18 =	vpop (erf)  }
0x4b7: {  	v18 =	vadd.f32 $1.000000000e+00, v18;
	_ =	sdelay $0x1  }
0x4b8: {  	(erf) = vrcp.f32 v18;
	_ =	sdelay $0x7  }
0x4b9: {  	p0 =	seq.s32 s30, $0x28  }
0x4ba: {  	s30 =	sadd.s32 $0x1, s30;
	s24 =	sadd.s32 $0x10, s14;
	s14 =	sshra.s32 @!p0 s31, $0x2;
	v18 =	vpop (erf)  }
0x4bb: {  	s18 =	simm.s32 @!p0 $0xC680;
	s0 =	sadd.s32 @!p0 $0x190, s14;
	s14 =	simm.s32 @!p0 $0x50;
	[tilespmem:s24+$0x0] =	vst v18  }
0x4bc: {  	[tilespmem:s18], [sflag:$0x5] =	stream.indirect.gather @!p0 [hbm4b:s3+s14], $0x80, s0, s14, $0xb8;
	[tilespmem:$0xF380] =	vst v63  }
0x4bd: {  	p0 =	sne.s32 s30, $0x29  }
.Ltmp6:
0x4be: {  	_ = 	snop;
	(pc) =	sbr.rel @p0 .LBB2_2-.Ltmp6, $4  }
0x4bf: {  	_ =	swait.ge [sflag:s17], $0x2800  }
0x4c0: {  	s29 =	sadd.s32 $0xF0, s29;
	s26 =	sadd.s32 $0xF0, s26;
	[sflag:s17] =	ssyncset.done $0x0  }
0x4c1: {  	s28 =	sadd.s32 $0xF0, s28;
	s31 =	sadd.s32 $0x2780, s1;
	[sflag:s17] =	ssyncadd.s32 $0xFFFFD800  }
0x4c2: {  	[tilespmem:s13], [sflag:$0x4] =	stream.indirect.gather.add.f32 [hbm:s4], $0x80, s31, s11, $0xb8;
	[tilespmem:$0xF380] =	vst v63  }
0x4c3: {  	_ =	swait.ge [sflag:s19], $0x2800  }
0x4c4: {  	[sflag:s19] =	ssyncset.done $0x0  }
0x4c5: {  	s14 =	simm.s32 $0x7880;
	[sflag:s19] =	ssyncadd.s32 $0xFFFFD800  }
0x4c6: {  	v18 =	vld [tilespmem:s14+$0x180]  }
0x4c7: {  	v19 =	vld [tilespmem:s14+$0x190]  }
0x4c8: {  	v21 =	vld [tilespmem:s14+$0x1A0]  }
0x4c9: {  	v22 =	vld [tilespmem:s14+$0x1B0]  }
0x4ca: {  	v23 =	vld [tilespmem:s14+$0x1C0]  }
0x4cb: {  	v24 =	vld [tilespmem:s14+$0x1D0]  }
0x4cc: {  	v25 =	vld [tilespmem:s14+$0x1E0]  }
0x4cd: {  	v26 =	vld [tilespmem:s14+$0x1F0]  }
0x4ce: {  	v27 =	vld [tilespmem:s14+$0xFFFFFE10]  }
0x4cf: {  	v28 =	vld [tilespmem:s14+$0xFFFFFE20]  }
0x4d0: {  	v29 =	vld [tilespmem:s14+$0xFFFFFE30]  }
0x4d1: {  	v20 =	vld [tilespmem:s14+$0xFFFFFE40]  }
0x4d2: {  	v30 =	vld [tilespmem:s14+$0xFFFFFE50]  }
0x4d3: {  	v31 =	vld [tilespmem:s14+$0xFFFFFE60]  }
0x4d4: {  	v32 =	vld [tilespmem:s14+$0xFFFFFE70]  }
0x4d5: {  	v33 =	vld [tilespmem:s14+$0xFFFFFE80]  }
0x4d6: {  	v34 =	vld [tilespmem:s14+$0xFFFFFE90]  }
0x4d7: {  	v35 =	vld [tilespmem:s14+$0xFFFFFEA0]  }
0x4d8: {  	v36 =	vld [tilespmem:s14+$0xFFFFFEB0]  }
0x4d9: {  	v37 =	vld [tilespmem:s14+$0xFFFFFEC0]  }
0x4da: {  	v38 =	vld [tilespmem:s14+$0xFFFFFED0]  }
0x4db: {  	v39 =	vld [tilespmem:s14+$0xFFFFFEE0]  }
0x4dc: {  	v40 =	vld [tilespmem:s14+$0xFFFFFEF0]  }
0x4dd: {  	v41 =	vld [tilespmem:s14+$0xFFFFFF00]  }
0x4de: {  	v42 =	vld [tilespmem:s14+$0xFFFFFF10]  }
0x4df: {  	v43 =	vld [tilespmem:s14+$0xFFFFFF20];
	v18 =	vmul.f32 v18, v18  }
0x4e0: {  	v44 =	vld [tilespmem:s14+$0xFFFFFF30];
	v19 =	vmul.f32 v19, v19;
	v21 =	vmul.f32 v21, v21  }
0x4e1: {  	v45 =	vld [tilespmem:s14+$0xFFFFFF40];
	v22 =	vmul.f32 v22, v22;
	v23 =	vmul.f32 v23, v23  }
0x4e2: {  	v50 =	vld [tilespmem:s14+$0xFFFFFFA0];
	v24 =	vmul.f32 v24, v24;
	v25 =	vmul.f32 v25, v25  }
0x4e3: {  	v51 =	vld [tilespmem:s14+$0xFFFFFFB0];
	v26 =	vmul.f32 v26, v26;
	v30 =	vmul.f32 v30, v30  }
0x4e4: {  	v54 =	vld [tilespmem:s14+$0xFFFFFFC0];
	v52 =	vmul.f32 v35, v35;
	v53 =	vmul.f32 v36, v36  }
0x4e5: {  	v55 =	vld [tilespmem:s14+$0xFFFFFFD0];
	v56 =	vmul.f32 v40, v40;
	v18 =	vadd.f32 v23, v18;
	v19 =	vadd.f32 v24, v19  }
0x4e6: {  	v58 =	vmul.f32 v42, v42;
	v23 =	vld [tilespmem:s14+$0xFFFFFF50];
	v21 =	vadd.f32 v25, v21;
	v22 =	vadd.f32 v26, v22  }
0x4e7: {  	v60 =	vmul.f32 v44, v44;
	v62 =	vmul.f32 v45, v45;
	v24 =	vld [tilespmem:s14+$0xFFFFFF60]  }
0x4e8: {  	v57 =	vld [tilespmem:s14+$0xFFFFFFE0];
	v25 =	vmul.f32 v27, v27;
	v18 =	vadd.f32 v19, v18;
	v19 =	vadd.f32 v22, v21  }
0x4e9: {  	v26 =	vld [tilespmem:s14+$0xFFFFFF70];
	v27 =	vmul.f32 v28, v28;
	v28 =	vmul.f32 v31, v31  }
0x4ea: {  	v59 =	vld [tilespmem:s14+$0xFFFFFFF0];
	v22 =	vmul.f32 v29, v29;
	v31 =	vadd.f32 v19, v18;
	v18 =	vmul.f32 v32, v32  }
0x4eb: {  	v61 =	vld [tilespmem:s14+$0x0];
	v19 =	vadd.f32 v28, v27;
	v27 =	vmul.f32 v33, v33;
	v28 =	vmul.f32 v34, v34  }
0x4ec: {  	v63 =	vld [tilespmem:s14+$0x10];
	v35 =	vadd.f32 v56, v53;
	v23 =	vmul.f32 v23, v23;
	v24 =	vmul.f32 v24, v24  }
0x4ed: {  	v46 =	vld [tilespmem:s14+$0x20];
	v22 =	vadd.f32 v18, v22;
	v18 =	vadd.f32 v30, v25;
	v25 =	vmul.f32 v37, v37  }
0x4ee: {  	v47 =	vld [tilespmem:s14+$0x30];
	v26 =	vmul.f32 v26, v26;
	v30 =	vmul.f32 v38, v38;
	v23 =	vadd.f32 v23, v58  }
0x4ef: {  	v48 =	vld [tilespmem:s14+$0x80];
	v19 =	vadd.f32 v22, v19;
	v22 =	vmul.f32 v39, v39;
	v25 =	vadd.f32 v25, v27  }
0x4f0: {  	v21 =	vld [tilespmem:s14+$0xFFFFFF80];
	v27 =	vmul.f32 v41, v41;
	v28 =	vadd.f32 v30, v28;
	v30 =	vmul.f32 v43, v43  }
0x4f1: {  	v29 =	vld [tilespmem:s14+$0xFFFFFF90];
	v26 =	vadd.f32 v26, v60;
	v22 =	vadd.f32 v22, v52  }
0x4f2: {  	v49 =	vld [tilespmem:s14+$0x90];
	v27 =	vadd.f32 v62, v27;
	v24 =	vadd.f32 v24, v30  }
0x4f3: {  	v56 =	vld [tilespmem:s14+$0xF0];
	v32 =	vmul.f32 v50, v50;
	v25 =	vadd.f32 v28, v25;
	v22 =	vadd.f32 v35, v22  }
0x4f4: {  	v33 =	vmul.f32 v51, v51;
	v30 =	vld [tilespmem:s14+$0x40];
	v23 =	vadd.f32 v23, v27;
	v24 =	vadd.f32 v26, v24  }
0x4f5: {  	v21 =	vmul.f32 v21, v21;
	v26 =	vld [tilespmem:s14+$0x60];
	v22 =	vadd.f32 v22, v25;
	v25 =	vmul.f32 v54, v54  }
0x4f6: {  	v29 =	vmul.f32 v29, v29;
	v27 =	vld [tilespmem:s14+$0x70];
	v24 =	vadd.f32 v24, v23;
	v23 =	vmul.f32 v55, v55  }
0x4f7: {  	v51 =	vmul.f32 v61, v61;
	v34 =	vmul.f32 v47, v47;
	v28 =	vld [tilespmem:s14+$0x50];
	v21 =	vadd.f32 v25, v21  }
0x4f8: {  	s1 =	simm.s32 $0xEEC0;
	v53 =	vld [tilespmem:s14+$0xB0];
	v25 =	vmul.f32 v57, v57;
	v23 =	vadd.f32 v23, v29;
	v29 =	vmul.f32 v59, v59  }
0x4f9: {  	[tilespmem:s1+$0x30] =	vst v31;
	v31 =	vmul.f32 v56, v56;
	v54 =	vmul.f32 v46, v46;
	v55 =	vld [tilespmem:s14+$0xC0]  }
0x4fa: {  	v50 =	vld [tilespmem:s14+$0xA0];
	v26 =	vmul.f32 v26, v26;
	v25 =	vadd.f32 v25, v32;
	v29 =	vadd.f32 v29, v33  }
0x4fb: {  	v27 =	vmul.f32 v27, v27;
	v21 =	vadd.f32 v23, v21;
	v23 =	vmul.f32 v30, v30;
	v30 =	vld [tilespmem:s14+$0xD0]  }
0x4fc: {  	v52 =	vmul.f32 v63, v63;
	v28 =	vmul.f32 v28, v28;
	v25 =	vadd.f32 v29, v25;
	v29 =	vld [tilespmem:s14+$0xE0]  }
0x4fd: {  	v61 =	vld [tilespmem:s14+$0x120];
	v58 =	vmul.f32 v48, v48;
	v26 =	vadd.f32 v26, v54;
	v27 =	vadd.f32 v27, v34  }
0x4fe: {  	v57 =	vld [tilespmem:s14+$0x100];
	v28 =	vadd.f32 v28, v52;
	v38 =	vmul.f32 v55, v55;
	v23 =	vadd.f32 v23, v51  }
0x4ff: {  	v60 =	vmul.f32 v50, v50;
	v59 =	vld [tilespmem:s14+$0x110];
	v26 =	vadd.f32 v27, v26;
	v27 =	vmul.f32 v53, v53  }
0x500: {  	v62 =	vld [tilespmem:s14+$0x130];
	[tilespmem:s1+$0xFFFFFFD0] =	vst v22;
	v22 =	vadd.f32 v38, v58;
	v23 =	vadd.f32 v28, v23;
	v28 =	vmul.f32 v49, v49  }
0x501: {  	v25 =	vadd.f32 v25, v21;
	v21 =	vld [tilespmem:s14+$0x140];
	v30 =	vmul.f32 v30, v30;
	v29 =	vmul.f32 v29, v29  }
0x502: {  	v20 =	vmul.f32 v20, v20;
	[tilespmem:s1+$0xFFFFFFE0] =	vst v24;
	v31 =	vadd.f32 v31, v27;
	v26 =	vadd.f32 v26, v23;
	v23 =	vld [tilespmem:s14+$0x150]  }
0x503: {  	v24 =	vmul.f32 v57, v57;
	v27 =	vld [tilespmem:s14+$0x160];
	[tilespmem:s1+$0xFFFFFFF0] =	vst v25;
	v28 =	vadd.f32 v30, v28;
	v63 =	vadd.f32 v29, v60  }
0x504: {  	v25 =	vmul.f32 v59, v59;
	[tilespmem:s1+$0x0] =	vst v26;
	v26 =	vmul.f32 v61, v61;
	v29 =	vld [tilespmem:s14+$0x170]  }
0x505: {  	s26 =	simm.s32 $0x0;
	s0 =	simm.s32 $0x7570;
	v30 =	vld [tilespmem:s14+$0xFFFFFE00];
	v22 =	vadd.f32 v28, v22;
	v28 =	vmul.f32 v62, v62;
	s14 =	simm.s32 $0x7C80;
	v31 =	vadd.f32 v31, v63  }
.LBB2_16:
0x506: {  	v32 =	vld [tilespmem:s14+$0x180];
	v21 =	vmul.f32 v21, v21  }
0x507: {  	v33 =	vld [tilespmem:s14+$0x190];
	v22 =	vadd.f32 v31, v22;
	v23 =	vmul.f32 v23, v23  }
0x508: {  	v31 =	vld [tilespmem:s14+$0x1A0];
	v21 =	vadd.f32 v21, v24;
	v24 =	vmul.f32 v27, v27  }
0x509: {  	v27 =	vld [tilespmem:s14+$0x1B0];
	[tilespmem:s1+$0x10] =	vst v22;
	v22 =	vadd.f32 v23, v25;
	v23 =	vmul.f32 v29, v29  }
0x50a: {  	v25 =	vld [tilespmem:s14+$0x1C0];
	v29 =	vmul.f32 v30, v30;
	v24 =	vadd.f32 v24, v26  }
0x50b: {  	v26 =	vld [tilespmem:s14+$0x1D0];
	v23 =	vadd.f32 v23, v28;
	v21 =	vadd.f32 v22, v21  }
0x50c: {  	v22 =	vld [tilespmem:s14+$0x1E0];
	v20 =	vadd.f32 v20, v29  }
0x50d: {  	s26 =	sadd.s32 $0x8, s26;
	v28 =	vld [tilespmem:s14+$0x1F0];
	v23 =	vadd.f32 v23, v24  }
0x50e: {  	p0 =	slt.u32 s26, $0x48;
	v24 =	vld [tilespmem:s14+$0xFFFFFE10];
	v18 =	vadd.f32 v18, v20  }
0x50f: {  	v29 =	vmul.f32 v32, v32;
	v30 =	vmul.f32 v33, v33;
	v20 =	vld [tilespmem:s14+$0xFFFFFE20];
	v21 =	vadd.f32 v23, v21  }
0x510: {  	v31 =	vmul.f32 v31, v31;
	v27 =	vmul.f32 v27, v27;
	v23 =	vld [tilespmem:s14+$0xFFFFFE30];
	v18 =	vadd.f32 v19, v18  }
0x511: {  	v25 =	vmul.f32 v25, v25;
	v26 =	vmul.f32 v26, v26;
	v19 =	vld [tilespmem:s14+$0xFFFFFE40];
	[tilespmem:s1+$0x20] =	vst v21  }
0x512: {  	v22 =	vmul.f32 v22, v22;
	v21 =	vld [tilespmem:s14+$0xFFFFFE50];
	v28 =	vmul.f32 v28, v28;
	[tilespmem:s1+$0xFFFFFFC0] =	vst v18  }
0x513: {  	v25 =	vadd.f32 v25, v29;
	v26 =	vadd.f32 v26, v30;
	v18 =	vmul.f32 v24, v24;
	v24 =	vld [tilespmem:s14+$0xFFFFFE60]  }
0x514: {  	v22 =	vadd.f32 v22, v31;
	v29 =	vmul.f32 v20, v20;
	v30 =	vld [tilespmem:s14+$0xFFFFFE70];
	v27 =	vadd.f32 v28, v27  }
0x515: {  	v23 =	vmul.f32 v23, v23;
	v28 =	vld [tilespmem:s14+$0xFFFFFE80]  }
0x516: {  	v25 =	vadd.f32 v26, v25;
	v20 =	vmul.f32 v19, v19;
	v19 =	vld [tilespmem:s14+$0xFFFFFE90];
	v22 =	vadd.f32 v27, v22  }
0x517: {  	v21 =	vmul.f32 v21, v21;
	v26 =	vld [tilespmem:s14+$0xFFFFFEA0]  }
0x518: {  	v24 =	vmul.f32 v24, v24;
	v27 =	vld [tilespmem:s14+$0xFFFFFEB0];
	v22 =	vadd.f32 v22, v25  }
0x519: {  	s1 =	sadd.s32 $0x80, s1;
	v18 =	vadd.f32 v21, v18;
	v21 =	vmul.f32 v30, v30;
	v25 =	vld [tilespmem:s14+$0xFFFFFEC0]  }
0x51a: {  	s18 =	simm.s32 $0x0;
	v24 =	vadd.f32 v24, v29;
	v28 =	vmul.f32 v28, v28;
	v29 =	vld [tilespmem:s14+$0xFFFFFED0];
	[tilespmem:s1+$0x30] =	vst v22  }
0x51b: {  	v21 =	vadd.f32 v21, v23;
	v22 =	vmul.f32 v19, v19;
	v23 =	vld [tilespmem:s14+$0xFFFFFEE0]  }
0x51c: {  	v26 =	vmul.f32 v26, v26;
	v30 =	vld [tilespmem:s14+$0xFFFFFEF0]  }
0x51d: {  	v19 =	vadd.f32 v21, v24;
	v21 =	vmul.f32 v27, v27;
	v24 =	vld [tilespmem:s14+$0xFFFFFF00]  }
0x51e: {  	v25 =	vmul.f32 v25, v25;
	v27 =	vld [tilespmem:s14+$0xFFFFFF10]  }
0x51f: {  	v29 =	vmul.f32 v29, v29;
	v31 =	vld [tilespmem:s14+$0xFFFFFF20]  }
0x520: {  	v25 =	vadd.f32 v25, v28;
	v23 =	vmul.f32 v23, v23;
	v28 =	vld [tilespmem:s14+$0xFFFFFF30]  }
0x521: {  	v22 =	vadd.f32 v29, v22;
	v29 =	vmul.f32 v30, v30;
	v30 =	vld [tilespmem:s14+$0xFFFFFF40]  }
0x522: {  	v23 =	vadd.f32 v23, v26;
	v24 =	vmul.f32 v24, v24;
	v26 =	vld [tilespmem:s14+$0xFFFFFF50]  }
0x523: {  	v21 =	vadd.f32 v29, v21;
	v22 =	vadd.f32 v22, v25;
	v25 =	vmul.f32 v27, v27;
	v27 =	vld [tilespmem:s14+$0xFFFFFF60]  }
0x524: {  	v29 =	vmul.f32 v31, v31;
	v31 =	vld [tilespmem:s14+$0xFFFFFF70]  }
0x525: {  	v21 =	vadd.f32 v21, v23;
	v23 =	vmul.f32 v28, v28;
	v28 =	vld [tilespmem:s14+$0xFFFFFF80]  }
0x526: {  	v30 =	vmul.f32 v30, v30;
	v32 =	vld [tilespmem:s14+$0xFFFFFF90]  }
0x527: {  	v21 =	vadd.f32 v21, v22;
	v22 =	vmul.f32 v26, v26;
	v26 =	vld [tilespmem:s14+$0xFFFFFFA0]  }
0x528: {  	v24 =	vadd.f32 v30, v24;
	v27 =	vmul.f32 v27, v27;
	v30 =	vld [tilespmem:s14+$0xFFFFFFB0]  }
0x529: {  	[tilespmem:s1+$0xFFFFFFD0] =	vst v21;
	v21 =	vadd.f32 v22, v25;
	v22 =	vmul.f32 v31, v31;
	v25 =	vld [tilespmem:s14+$0xFFFFFFC0]  }
0x52a: {  	v27 =	vadd.f32 v27, v29;
	v28 =	vmul.f32 v28, v28;
	v29 =	vld [tilespmem:s14+$0xFFFFFFD0]  }
0x52b: {  	v22 =	vadd.f32 v22, v23;
	v21 =	vadd.f32 v21, v24;
	v23 =	vmul.f32 v32, v32;
	v24 =	vld [tilespmem:s14+$0xFFFFFFE0]  }
0x52c: {  	v26 =	vmul.f32 v26, v26;
	v31 =	vld [tilespmem:s14+$0xFFFFFFF0]  }
0x52d: {  	v22 =	vadd.f32 v22, v27;
	v27 =	vmul.f32 v30, v30;
	v30 =	vld [tilespmem:s14+$0x0]  }
0x52e: {  	v25 =	vmul.f32 v25, v25;
	v32 =	vld [tilespmem:s14+$0x10]  }
0x52f: {  	v21 =	vadd.f32 v22, v21;
	v22 =	vmul.f32 v29, v29;
	v29 =	vld [tilespmem:s14+$0x20]  }
0x530: {  	v25 =	vadd.f32 v25, v28;
	v24 =	vmul.f32 v24, v24;
	v28 =	vld [tilespmem:s14+$0x30]  }
0x531: {  	[tilespmem:s1+$0xFFFFFFE0] =	vst v21;
	v21 =	vadd.f32 v22, v23;
	v22 =	vmul.f32 v31, v31;
	v23 =	vld [tilespmem:s14+$0x40]  }
0x532: {  	v24 =	vadd.f32 v24, v26;
	v26 =	vmul.f32 v30, v30;
	v30 =	vld [tilespmem:s14+$0x50]  }
0x533: {  	v22 =	vadd.f32 v22, v27;
	v21 =	vadd.f32 v21, v25;
	v25 =	vmul.f32 v32, v32;
	v27 =	vld [tilespmem:s14+$0x60]  }
0x534: {  	v29 =	vmul.f32 v29, v29;
	v31 =	vld [tilespmem:s14+$0x70]  }
0x535: {  	v22 =	vadd.f32 v22, v24;
	v24 =	vmul.f32 v28, v28;
	v28 =	vld [tilespmem:s14+$0x80]  }
0x536: {  	v23 =	vmul.f32 v23, v23;
	v32 =	vld [tilespmem:s14+$0x90]  }
0x537: {  	v21 =	vadd.f32 v22, v21;
	v22 =	vmul.f32 v30, v30;
	v30 =	vld [tilespmem:s14+$0xA0]  }
0x538: {  	v23 =	vadd.f32 v23, v26;
	v26 =	vmul.f32 v27, v27;
	v27 =	vld [tilespmem:s14+$0xB0]  }
0x539: {  	[tilespmem:s1+$0xFFFFFFF0] =	vst v21;
	v21 =	vadd.f32 v22, v25;
	v22 =	vmul.f32 v31, v31;
	v25 =	vld [tilespmem:s14+$0xC0]  }
0x53a: {  	v26 =	vadd.f32 v26, v29;
	v28 =	vmul.f32 v28, v28;
	v29 =	vld [tilespmem:s14+$0xD0]  }
0x53b: {  	v22 =	vadd.f32 v22, v24;
	v21 =	vadd.f32 v21, v23;
	v23 =	vmul.f32 v32, v32;
	v24 =	vld [tilespmem:s14+$0xE0]  }
0x53c: {  	v30 =	vmul.f32 v30, v30;
	v31 =	vld [tilespmem:s14+$0xF0]  }
0x53d: {  	v22 =	vadd.f32 v22, v26;
	v26 =	vmul.f32 v27, v27;
	v27 =	vld [tilespmem:s14+$0x100]  }
0x53e: {  	v25 =	vmul.f32 v25, v25;
	v32 =	vld [tilespmem:s14+$0x110]  }
0x53f: {  	v21 =	vadd.f32 v22, v21;
	v22 =	vmul.f32 v29, v29;
	v29 =	vld [tilespmem:s14+$0x120]  }
0x540: {  	v25 =	vadd.f32 v25, v28;
	v24 =	vmul.f32 v24, v24;
	v28 =	vld [tilespmem:s14+$0x130]  }
.Ltmp7:
0x541: {  	[tilespmem:s1+$0x0] =	vst v21;
	v22 =	vadd.f32 v22, v23;
	v31 =	vmul.f32 v31, v31;
	v21 =	vld [tilespmem:s14+$0x140];
	(pc) =	sbr.rel @p0 .LBB2_16-.Ltmp7, $4  }
0x542: {  	v33 =	vadd.f32 v24, v30;
	v24 =	vmul.f32 v27, v27;
	v23 =	vld [tilespmem:s14+$0x150]  }
0x543: {  	v31 =	vadd.f32 v31, v26;
	v22 =	vadd.f32 v22, v25;
	v25 =	vmul.f32 v32, v32;
	v27 =	vld [tilespmem:s14+$0x160]  }
0x544: {  	v26 =	vmul.f32 v29, v29;
	v29 =	vld [tilespmem:s14+$0x170]  }
0x545: {  	v30 =	vld [tilespmem:s14+$0xFFFFFE00];
	v31 =	vadd.f32 v31, v33;
	v28 =	vmul.f32 v28, v28;
	s14 =	sadd.s32 $0x400, s14  }
0x546: {  	_ =	sdelay $0x1  }
0x547: {  	v21 =	vmul.f32 v21, v21;
	v23 =	vmul.f32 v23, v23  }
0x548: {  	v27 =	vmul.f32 v27, v27;
	v29 =	vmul.f32 v29, v29  }
0x549: {  	v21 =	vadd.f32 v21, v24;
	v23 =	vadd.f32 v23, v25;
	v59 =	vmul.f32 v30, v30  }
0x54a: {  	v60 =	vadd.f32 v27, v26;
	v61 =	vadd.f32 v29, v28  }
0x54b: {  	v20 =	vadd.f32 v20, v59  }
0x54c: {  	v63 =	vor.u32 s18, v1;
	v21 =	vadd.f32 v23, v21;
	v62 =	vadd.f32 v61, v60  }
0x54d: {  	v22 =	vadd.f32 v31, v22;
	v18 =	vadd.f32 v18, v20;
	v20 =	vand.u32 v2, v63  }
0x54e: {  	v21 =	vadd.f32 v62, v21  }
0x54f: {  	[tilespmem:s1+$0x10] =	vst v22;
	v18 =	vadd.f32 v19, v18;
	v19 =	vor.u32 s18, v5  }
0x550: {  	[tilespmem:s1+$0x20] =	vst v21  }
0x551: {  	[tilespmem:s1+$0xFFFFFFC0] =	vst v18;
	v18 =	vor.u32 s18, v3  }
0x552: {  	v20 =	vld.idx.msk [tilespmem:v20+s20+$0x0], $0xffff  }
0x553: {  	v28 =	vor.u32 s18, v4  }
0x554: {  	v19 =	vld.idx.msk [tilespmem:v19+s20+$0x0], $0xffff  }
0x555: {  	v29 =	vor.u32 s18, v6  }
0x556: {  	v18 =	vld.idx.msk [tilespmem:v18+s20+$0x0], $0xffff  }
0x557: {  	v30 =	vor.u32 s18, v7;
	v20 =	vadd.f32 $0.0e+00, v20  }
0x558: {  	v21 =	vld.idx.msk [tilespmem:v28+s20+$0x0], $0xffff  }
0x559: {  	v31 =	vor.u32 s18, v8;
	v19 =	vadd.f32 v19, v20  }
0x55a: {  	v20 =	vld.idx.msk [tilespmem:v29+s20+$0x0], $0xffff  }
0x55b: {  	v32 =	vor.u32 s18, v9;
	v18 =	vadd.f32 v18, v19  }
0x55c: {  	v19 =	vld.idx.msk [tilespmem:v30+s20+$0x0], $0xffff  }
0x55d: {  	v33 =	vor.u32 s18, v10;
	v18 =	vadd.f32 v21, v18  }
0x55e: {  	v34 =	vld.idx.msk [tilespmem:v31+s20+$0x0], $0xffff  }
0x55f: {  	v35 =	vor.u32 s18, v11;
	v18 =	vadd.f32 v20, v18  }
0x560: {  	v20 =	vld.idx.msk [tilespmem:v32+s20+$0x0], $0xffff  }
0x561: {  	v36 =	vor.u32 s18, v12;
	v18 =	vadd.f32 v19, v18  }
0x562: {  	v19 =	vld.idx.msk [tilespmem:v33+s20+$0x0], $0xffff  }
0x563: {  	v37 =	vor.u32 s18, v13;
	v18 =	vadd.f32 v34, v18  }
0x564: {  	v38 =	vld.idx.msk [tilespmem:v35+s20+$0x0], $0xffff  }
0x565: {  	v39 =	vor.u32 s18, v14;
	v18 =	vadd.f32 v20, v18  }
0x566: {  	v20 =	vld.idx.msk [tilespmem:v36+s20+$0x0], $0xffff  }
0x567: {  	v40 =	vor.u32 s18, v15;
	v18 =	vadd.f32 v19, v18  }
0x568: {  	v19 =	vld.idx.msk [tilespmem:v37+s20+$0x0], $0xffff  }
0x569: {  	v41 =	vor.u32 s18, v16;
	v18 =	vadd.f32 v38, v18  }
0x56a: {  	v42 =	vld.idx.msk [tilespmem:v39+s20+$0x0], $0xffff  }
0x56b: {  	v43 =	vor.u32 s18, v17;
	v18 =	vadd.f32 v20, v18  }
0x56c: {  	v20 =	vld.idx.msk [tilespmem:v40+s20+$0x0], $0xffff  }
0x56d: {  	v18 =	vadd.f32 v19, v18  }
0x56e: {  	v19 =	vld.idx.msk [tilespmem:v41+s20+$0x0], $0xffff  }
0x56f: {  	v18 =	vadd.f32 v42, v18  }
0x570: {  	v44 =	vld.idx.msk [tilespmem:v43+s20+$0x0], $0xffff  }
0x571: {  	v18 =	vadd.f32 v20, v18;
	_ =	sdelay $0x1  }
0x572: {  	v18 =	vadd.f32 v19, v18;
	_ =	sdelay $0x1  }
0x573: {  	v18 =	vadd.f32 v44, v18;
	_ =	sdelay $0x1  }
0x574: {  	v18 =	vmax.f32 v18, $1.000000000e-30  }
0x575: {  	v19 =	vshra.s32 v18, $0x1;
	v20 =	vmul.f32 $5.000000000e-01, v18  }
0x576: {  	v19 =	vsub.s32 $0x5F3759DF, v19  }
0x577: {  	v45 =	vmul.f32 v19, v20;
	_ =	sdelay $0x1  }
0x578: {  	v21 =	vmul.f32 v19, v45;
	_ =	sdelay $0x1  }
0x579: {  	v21 =	vsub.f32 $1.500000000e+00, v21;
	_ =	sdelay $0x1  }
0x57a: {  	v19 =	vmul.f32 v19, v21;
	_ =	sdelay $0x1  }
0x57b: {  	v21 =	vmul.f32 v19, v20;
	_ =	sdelay $0x1  }
0x57c: {  	v21 =	vmul.f32 v21, v19;
	_ =	sdelay $0x1  }
0x57d: {  	v21 =	vsub.f32 $1.500000000e+00, v21;
	_ =	sdelay $0x1  }
0x57e: {  	v19 =	vmul.f32 v21, v19;
	_ =	sdelay $0x1  }
0x57f: {  	v20 =	vmul.f32 v19, v20;
	_ =	sdelay $0x1  }
0x580: {  	v20 =	vmul.f32 v20, v19;
	_ =	sdelay $0x1  }
0x581: {  	v20 =	vsub.f32 $1.500000000e+00, v20;
	_ =	sdelay $0x1  }
0x582: {  	v19 =	vmul.f32 v20, v19;
	_ =	sdelay $0x1  }
0x583: {  	v18 =	vmul.f32 v19, v18;
	_ =	sdelay $0x1  }
0x584: {  	v18 =	vadd.f32 $-1.000000000e+00, v18;
	_ =	sdelay $0x1  }
0x585: {  	v18 =	vmul.f32 $1.442695020e+00, v18;
	_ =	sdelay $0x1  }
0x586: {  	(erf) = vpow2.f32 v18;
	_ =	sdelay $0x8  }
0x587: {  	v18 =	vpop (erf)  }
0x588: {  	v18 =	vadd.f32 $1.000000000e+00, v18;
	_ =	sdelay $0x1  }
0x589: {  	(erf) = vrcp.f32 v18;
	_ =	sdelay $0x3  }
0x58a: {  	s31 =	simm.s32 $0x100  }
0x58b: {  	v18 =	vor.u32 s31, v1  }
0x58c: {  	v18 =	vand.u32 v2, v18;
	_ =	sdelay $0x1  }
0x58d: {  	v19 =	vor.u32 s31, v5  }
0x58e: {  	v20 =	vpop (erf)  }
0x58f: {  	v46 =	vor.u32 s31, v3;
	[tilespmem:s0+$0x0] =	vst v20  }
0x590: {  	v18 =	vld.idx.msk [tilespmem:v18+s20+$0x0], $0xffff  }
0x591: {  	v20 =	vor.u32 s31, v4  }
0x592: {  	v19 =	vld.idx.msk [tilespmem:v19+s20+$0x0], $0xffff  }
0x593: {  	v47 =	vor.u32 s31, v6  }
0x594: {  	v21 =	vld.idx.msk [tilespmem:v46+s20+$0x0], $0xffff  }
0x595: {  	v48 =	vor.u32 s31, v7;
	v18 =	vadd.f32 $0.0e+00, v18  }
0x596: {  	v20 =	vld.idx.msk [tilespmem:v20+s20+$0x0], $0xffff  }
0x597: {  	v49 =	vor.u32 s31, v8;
	v18 =	vadd.f32 v19, v18  }
0x598: {  	v19 =	vld.idx.msk [tilespmem:v47+s20+$0x0], $0xffff  }
0x599: {  	v50 =	vor.u32 s31, v9;
	v18 =	vadd.f32 v21, v18  }
0x59a: {  	v51 =	vld.idx.msk [tilespmem:v48+s20+$0x0], $0xffff  }
0x59b: {  	v52 =	vor.u32 s31, v10;
	v18 =	vadd.f32 v20, v18  }
0x59c: {  	v20 =	vld.idx.msk [tilespmem:v49+s20+$0x0], $0xffff  }
0x59d: {  	v53 =	vor.u32 s31, v11;
	v18 =	vadd.f32 v19, v18  }
0x59e: {  	v19 =	vld.idx.msk [tilespmem:v50+s20+$0x0], $0xffff  }
0x59f: {  	v54 =	vor.u32 s31, v12;
	v18 =	vadd.f32 v51, v18  }
0x5a0: {  	v55 =	vld.idx.msk [tilespmem:v52+s20+$0x0], $0xffff  }
0x5a1: {  	v56 =	vor.u32 s31, v13;
	v18 =	vadd.f32 v20, v18  }
0x5a2: {  	v20 =	vld.idx.msk [tilespmem:v53+s20+$0x0], $0xffff  }
0x5a3: {  	v57 =	vor.u32 s31, v14;
	v18 =	vadd.f32 v19, v18  }
0x5a4: {  	v19 =	vld.idx.msk [tilespmem:v54+s20+$0x0], $0xffff  }
0x5a5: {  	v58 =	vor.u32 s31, v15;
	v18 =	vadd.f32 v55, v18  }
0x5a6: {  	v59 =	vld.idx.msk [tilespmem:v56+s20+$0x0], $0xffff  }
0x5a7: {  	v60 =	vor.u32 s31, v16;
	v18 =	vadd.f32 v20, v18  }
0x5a8: {  	v20 =	vld.idx.msk [tilespmem:v57+s20+$0x0], $0xffff  }
0x5a9: {  	v61 =	vor.u32 s31, v17;
	v18 =	vadd.f32 v19, v18  }
0x5aa: {  	v19 =	vld.idx.msk [tilespmem:v58+s20+$0x0], $0xffff  }
0x5ab: {  	v18 =	vadd.f32 v59, v18  }
0x5ac: {  	v62 =	vld.idx.msk [tilespmem:v60+s20+$0x0], $0xffff  }
0x5ad: {  	v18 =	vadd.f32 v20, v18  }
0x5ae: {  	v20 =	vld.idx.msk [tilespmem:v61+s20+$0x0], $0xffff  }
0x5af: {  	v18 =	vadd.f32 v19, v18;
	_ =	sdelay $0x1  }
0x5b0: {  	v18 =	vadd.f32 v62, v18;
	_ =	sdelay $0x1  }
0x5b1: {  	v18 =	vadd.f32 v20, v18;
	_ =	sdelay $0x1  }
0x5b2: {  	v18 =	vmax.f32 v18, $1.000000000e-30  }
0x5b3: {  	v19 =	vshra.s32 v18, $0x1;
	v20 =	vmul.f32 $5.000000000e-01, v18  }
0x5b4: {  	v19 =	vsub.s32 $0x5F3759DF, v19  }
0x5b5: {  	v63 =	vmul.f32 v19, v20;
	_ =	sdelay $0x1  }
0x5b6: {  	v21 =	vmul.f32 v19, v63;
	_ =	sdelay $0x1  }
0x5b7: {  	v21 =	vsub.f32 $1.500000000e+00, v21;
	_ =	sdelay $0x1  }
0x5b8: {  	v19 =	vmul.f32 v19, v21;
	_ =	sdelay $0x1  }
0x5b9: {  	v21 =	vmul.f32 v19, v20;
	_ =	sdelay $0x1  }
0x5ba: {  	v21 =	vmul.f32 v21, v19;
	_ =	sdelay $0x1  }
0x5bb: {  	v21 =	vsub.f32 $1.500000000e+00, v21;
	_ =	sdelay $0x1  }
0x5bc: {  	v19 =	vmul.f32 v21, v19;
	_ =	sdelay $0x1  }
0x5bd: {  	v20 =	vmul.f32 v19, v20;
	_ =	sdelay $0x1  }
0x5be: {  	v20 =	vmul.f32 v20, v19;
	_ =	sdelay $0x1  }
0x5bf: {  	v20 =	vsub.f32 $1.500000000e+00, v20;
	_ =	sdelay $0x1  }
0x5c0: {  	v19 =	vmul.f32 v20, v19;
	_ =	sdelay $0x1  }
0x5c1: {  	v18 =	vmul.f32 v19, v18;
	_ =	sdelay $0x1  }
0x5c2: {  	v18 =	vadd.f32 $-1.000000000e+00, v18;
	_ =	sdelay $0x1  }
0x5c3: {  	v18 =	vmul.f32 $1.442695020e+00, v18;
	_ =	sdelay $0x1  }
0x5c4: {  	(erf) = vpow2.f32 v18;
	_ =	sdelay $0x8  }
0x5c5: {  	v18 =	vpop (erf)  }
0x5c6: {  	v18 =	vadd.f32 $1.000000000e+00, v18;
	_ =	sdelay $0x1  }
0x5c7: {  	(erf) = vrcp.f32 v18;
	_ =	sdelay $0x3  }
0x5c8: {  	s1 =	simm.s32 $0x200  }
0x5c9: {  	s14 =	simm.s32 $0x300;
	v18 =	vor.u32 s1, v1  }
.LBB2_18:
0x5ca: {  	p0 =	sne.s32 s14, $0x400;
	v18 =	vand.u32 v2, v18;
	_ =	sdelay $0x1  }
0x5cb: {  	v19 =	vor.u32 s1, v5  }
0x5cc: {  	s0 =	sadd.s32 $0x10, s0;
	v20 =	vpop (erf)  }
0x5cd: {  	v21 =	vor.u32 s1, v3;
	[tilespmem:s0+$0x0] =	vst v20  }
0x5ce: {  	v18 =	vld.idx.msk [tilespmem:v18+s20+$0x0], $0xffff  }
0x5cf: {  	v20 =	vor.u32 s1, v4  }
0x5d0: {  	v19 =	vld.idx.msk [tilespmem:v19+s20+$0x0], $0xffff  }
0x5d1: {  	v22 =	vor.u32 s1, v6  }
0x5d2: {  	v21 =	vld.idx.msk [tilespmem:v21+s20+$0x0], $0xffff  }
0x5d3: {  	v23 =	vor.u32 s1, v7  }
0x5d4: {  	v18 =	vadd.f32 $0.0e+00, v18;
	v20 =	vld.idx.msk [tilespmem:v20+s20+$0x0], $0xffff  }
0x5d5: {  	v24 =	vor.u32 s1, v8  }
0x5d6: {  	v18 =	vadd.f32 v19, v18;
	v19 =	vld.idx.msk [tilespmem:v22+s20+$0x0], $0xffff  }
0x5d7: {  	v22 =	vor.u32 s1, v9  }
0x5d8: {  	v18 =	vadd.f32 v21, v18;
	v21 =	vld.idx.msk [tilespmem:v23+s20+$0x0], $0xffff  }
0x5d9: {  	v23 =	vor.u32 s1, v10  }
0x5da: {  	v18 =	vadd.f32 v20, v18;
	v20 =	vld.idx.msk [tilespmem:v24+s20+$0x0], $0xffff  }
0x5db: {  	v24 =	vor.u32 s1, v11  }
0x5dc: {  	v18 =	vadd.f32 v19, v18;
	v19 =	vld.idx.msk [tilespmem:v22+s20+$0x0], $0xffff  }
0x5dd: {  	v22 =	vor.u32 s1, v12  }
0x5de: {  	v18 =	vadd.f32 v21, v18;
	v21 =	vld.idx.msk [tilespmem:v23+s20+$0x0], $0xffff  }
0x5df: {  	v23 =	vor.u32 s1, v13  }
0x5e0: {  	v18 =	vadd.f32 v20, v18;
	v20 =	vld.idx.msk [tilespmem:v24+s20+$0x0], $0xffff  }
0x5e1: {  	v24 =	vor.u32 s1, v14  }
0x5e2: {  	v18 =	vadd.f32 v19, v18;
	v19 =	vld.idx.msk [tilespmem:v22+s20+$0x0], $0xffff  }
0x5e3: {  	v22 =	vor.u32 s1, v15  }
0x5e4: {  	v18 =	vadd.f32 v21, v18;
	v21 =	vld.idx.msk [tilespmem:v23+s20+$0x0], $0xffff  }
0x5e5: {  	v23 =	vor.u32 s1, v16  }
0x5e6: {  	v18 =	vadd.f32 v20, v18;
	v20 =	vld.idx.msk [tilespmem:v24+s20+$0x0], $0xffff  }
0x5e7: {  	v24 =	vor.u32 s1, v17;
	s1 =	smov.u32 s14  }
0x5e8: {  	v18 =	vadd.f32 v19, v18;
	v19 =	vld.idx.msk [tilespmem:v22+s20+$0x0], $0xffff;
	_ =	sdelay $0x1  }
0x5e9: {  	v18 =	vadd.f32 v21, v18;
	v21 =	vld.idx.msk [tilespmem:v23+s20+$0x0], $0xffff;
	_ =	sdelay $0x1  }
0x5ea: {  	v18 =	vadd.f32 v20, v18;
	v20 =	vld.idx.msk [tilespmem:v24+s20+$0x0], $0xffff;
	_ =	sdelay $0x1  }
0x5eb: {  	v18 =	vadd.f32 v19, v18;
	_ =	sdelay $0x1  }
0x5ec: {  	v18 =	vadd.f32 v21, v18;
	_ =	sdelay $0x1  }
0x5ed: {  	v18 =	vadd.f32 v20, v18;
	_ =	sdelay $0x1  }
0x5ee: {  	v18 =	vmax.f32 v18, $1.000000000e-30  }
0x5ef: {  	v19 =	vshra.s32 v18, $0x1;
	v20 =	vmul.f32 $5.000000000e-01, v18  }
0x5f0: {  	v19 =	vsub.s32 $0x5F3759DF, v19  }
0x5f1: {  	v21 =	vmul.f32 v19, v20;
	_ =	sdelay $0x1  }
0x5f2: {  	v21 =	vmul.f32 v19, v21;
	_ =	sdelay $0x1  }
0x5f3: {  	v21 =	vsub.f32 $1.500000000e+00, v21;
	_ =	sdelay $0x1  }
0x5f4: {  	v19 =	vmul.f32 v19, v21;
	_ =	sdelay $0x1  }
0x5f5: {  	v21 =	vmul.f32 v19, v20;
	_ =	sdelay $0x1  }
0x5f6: {  	v21 =	vmul.f32 v21, v19;
	_ =	sdelay $0x1  }
0x5f7: {  	v21 =	vsub.f32 $1.500000000e+00, v21;
	_ =	sdelay $0x1  }
0x5f8: {  	v19 =	vmul.f32 v21, v19;
	_ =	sdelay $0x1  }
0x5f9: {  	v20 =	vmul.f32 v19, v20;
	_ =	sdelay $0x1  }
0x5fa: {  	v20 =	vmul.f32 v20, v19;
	_ =	sdelay $0x1  }
0x5fb: {  	v20 =	vsub.f32 $1.500000000e+00, v20;
	_ =	sdelay $0x1  }
0x5fc: {  	v19 =	vmul.f32 v20, v19;
	_ =	sdelay $0x1  }
0x5fd: {  	v18 =	vmul.f32 v19, v18;
	_ =	sdelay $0x1  }
0x5fe: {  	v18 =	vadd.f32 $-1.000000000e+00, v18;
	_ =	sdelay $0x1  }
0x5ff: {  	v18 =	vmul.f32 $1.442695020e+00, v18;
	_ =	sdelay $0x1  }
0x600: {  	(erf) = vpow2.f32 v18;
	_ =	sdelay $0x8  }
0x601: {  	v18 =	vpop (erf)  }
0x602: {  	v18 =	vadd.f32 $1.000000000e+00, v18;
	_ =	sdelay $0x1  }
0x603: {  	(erf) = vrcp.f32 v18  }
.Ltmp8:
0x604: {  	(pc) =	sbr.rel @p0 .LBB2_18-.Ltmp8, $2  }
0x605: {  	_ =	sdelay $0x2  }
0x606: {  	s14 =	sadd.s32 $0x100, s14;
	v18 =	vor.u32 s1, v1  }
0x607: {  	v18 =	vand.u32 v2, v18;
	_ =	sdelay $0x1  }
0x608: {  	v19 =	vor.u32 s1, v5  }
0x609: {  	s0 =	sadd.s32 $0x10, s0;
	v20 =	vpop (erf)  }
0x60a: {  	v21 =	vor.u32 s1, v3;
	[tilespmem:s0+$0x0] =	vst v20  }
0x60b: {  	v18 =	vld.idx.msk [tilespmem:v18+s20+$0x0], $0xffff  }
0x60c: {  	v20 =	vor.u32 s1, v4  }
0x60d: {  	v19 =	vld.idx.msk [tilespmem:v19+s20+$0x0], $0xffff  }
0x60e: {  	v22 =	vor.u32 s1, v6  }
0x60f: {  	v21 =	vld.idx.msk [tilespmem:v21+s20+$0x0], $0xffff  }
0x610: {  	v23 =	vor.u32 s1, v7;
	v18 =	vadd.f32 $0.0e+00, v18  }
0x611: {  	v20 =	vld.idx.msk [tilespmem:v20+s20+$0x0], $0xffff  }
0x612: {  	v24 =	vor.u32 s1, v8;
	v18 =	vadd.f32 v19, v18  }
0x613: {  	v19 =	vld.idx.msk [tilespmem:v22+s20+$0x0], $0xffff  }
0x614: {  	v22 =	vor.u32 s1, v9;
	v18 =	vadd.f32 v21, v18  }
0x615: {  	v21 =	vld.idx.msk [tilespmem:v23+s20+$0x0], $0xffff  }
0x616: {  	v23 =	vor.u32 s1, v10;
	v18 =	vadd.f32 v20, v18  }
0x617: {  	v20 =	vld.idx.msk [tilespmem:v24+s20+$0x0], $0xffff  }
0x618: {  	v24 =	vor.u32 s1, v11;
	v18 =	vadd.f32 v19, v18  }
0x619: {  	v19 =	vld.idx.msk [tilespmem:v22+s20+$0x0], $0xffff  }
0x61a: {  	v22 =	vor.u32 s1, v12;
	v18 =	vadd.f32 v21, v18  }
0x61b: {  	v21 =	vld.idx.msk [tilespmem:v23+s20+$0x0], $0xffff  }
0x61c: {  	v23 =	vor.u32 s1, v13;
	v18 =	vadd.f32 v20, v18  }
0x61d: {  	v20 =	vld.idx.msk [tilespmem:v24+s20+$0x0], $0xffff  }
0x61e: {  	v24 =	vor.u32 s1, v14;
	v18 =	vadd.f32 v19, v18  }
0x61f: {  	v19 =	vld.idx.msk [tilespmem:v22+s20+$0x0], $0xffff  }
0x620: {  	v22 =	vor.u32 s1, v15;
	v18 =	vadd.f32 v21, v18  }
0x621: {  	v21 =	vld.idx.msk [tilespmem:v23+s20+$0x0], $0xffff  }
0x622: {  	v23 =	vor.u32 s1, v16;
	v18 =	vadd.f32 v20, v18  }
0x623: {  	v20 =	vld.idx.msk [tilespmem:v24+s20+$0x0], $0xffff  }
0x624: {  	v24 =	vor.u32 s1, v17;
	v18 =	vadd.f32 v19, v18  }
0x625: {  	v19 =	vld.idx.msk [tilespmem:v22+s20+$0x0], $0xffff  }
0x626: {  	v18 =	vadd.f32 v21, v18  }
0x627: {  	v21 =	vld.idx.msk [tilespmem:v23+s20+$0x0], $0xffff  }
0x628: {  	v18 =	vadd.f32 v20, v18  }
0x629: {  	v20 =	vld.idx.msk [tilespmem:v24+s20+$0x0], $0xffff  }
0x62a: {  	v18 =	vadd.f32 v19, v18;
	_ =	sdelay $0x1  }
0x62b: {  	v18 =	vadd.f32 v21, v18;
	_ =	sdelay $0x1  }
0x62c: {  	v18 =	vadd.f32 v20, v18;
	_ =	sdelay $0x1  }
0x62d: {  	v18 =	vmax.f32 v18, $1.000000000e-30  }
0x62e: {  	v19 =	vshra.s32 v18, $0x1;
	v20 =	vmul.f32 $5.000000000e-01, v18  }
0x62f: {  	v19 =	vsub.s32 $0x5F3759DF, v19  }
0x630: {  	v21 =	vmul.f32 v19, v20;
	_ =	sdelay $0x1  }
0x631: {  	v21 =	vmul.f32 v19, v21;
	_ =	sdelay $0x1  }
0x632: {  	v21 =	vsub.f32 $1.500000000e+00, v21;
	_ =	sdelay $0x1  }
0x633: {  	v19 =	vmul.f32 v19, v21;
	_ =	sdelay $0x1  }
0x634: {  	v21 =	vmul.f32 v19, v20;
	_ =	sdelay $0x1  }
0x635: {  	v21 =	vmul.f32 v21, v19;
	_ =	sdelay $0x1  }
0x636: {  	v21 =	vsub.f32 $1.500000000e+00, v21;
	_ =	sdelay $0x1  }
0x637: {  	v19 =	vmul.f32 v21, v19;
	_ =	sdelay $0x1  }
0x638: {  	v20 =	vmul.f32 v19, v20;
	_ =	sdelay $0x1  }
0x639: {  	v20 =	vmul.f32 v20, v19;
	_ =	sdelay $0x1  }
0x63a: {  	v20 =	vsub.f32 $1.500000000e+00, v20;
	_ =	sdelay $0x1  }
0x63b: {  	v19 =	vmul.f32 v20, v19;
	_ =	sdelay $0x1  }
0x63c: {  	v18 =	vmul.f32 v19, v18;
	_ =	sdelay $0x1  }
0x63d: {  	v18 =	vadd.f32 $-1.000000000e+00, v18;
	_ =	sdelay $0x1  }
0x63e: {  	v18 =	vmul.f32 $1.442695020e+00, v18;
	_ =	sdelay $0x1  }
0x63f: {  	(erf) = vpow2.f32 v18;
	_ =	sdelay $0x8  }
0x640: {  	v18 =	vpop (erf)  }
0x641: {  	v18 =	vadd.f32 $1.000000000e+00, v18;
	_ =	sdelay $0x1  }
0x642: {  	(erf) = vrcp.f32 v18;
	_ =	sdelay $0x8  }
0x643: {  	s0 =	sadd.s32 $0x10, s0;
	v18 =	vpop (erf)  }
0x644: {  	[tilespmem:s0+$0x0] =	vst v18  }
0x645: {  	_ =	swait.ge [sflag:s22], $0x2800  }
0x646: {  	[sflag:s22] =	ssyncset.done $0x0  }
0x647: {  	s14 =	simm.s32 $0xA080;
	[sflag:s22] =	ssyncadd.s32 $0xFFFFD800  }
0x648: {  	v18 =	vld [tilespmem:s14+$0x180]  }
0x649: {  	v19 =	vld [tilespmem:s14+$0x190]  }
0x64a: {  	v21 =	vld [tilespmem:s14+$0x1A0]  }
0x64b: {  	v22 =	vld [tilespmem:s14+$0x1B0]  }
0x64c: {  	v23 =	vld [tilespmem:s14+$0x1C0]  }
0x64d: {  	v24 =	vld [tilespmem:s14+$0x1D0]  }
0x64e: {  	v25 =	vld [tilespmem:s14+$0x1E0]  }
0x64f: {  	v26 =	vld [tilespmem:s14+$0x1F0]  }
0x650: {  	v27 =	vld [tilespmem:s14+$0xFFFFFE10]  }
0x651: {  	v28 =	vld [tilespmem:s14+$0xFFFFFE20]  }
0x652: {  	v29 =	vld [tilespmem:s14+$0xFFFFFE30]  }
0x653: {  	v20 =	vld [tilespmem:s14+$0xFFFFFE40]  }
0x654: {  	v30 =	vld [tilespmem:s14+$0xFFFFFE50]  }
0x655: {  	v31 =	vld [tilespmem:s14+$0xFFFFFE60]  }
0x656: {  	v32 =	vld [tilespmem:s14+$0xFFFFFE70]  }
0x657: {  	v33 =	vld [tilespmem:s14+$0xFFFFFE80]  }
0x658: {  	v34 =	vld [tilespmem:s14+$0xFFFFFE90]  }
0x659: {  	v35 =	vld [tilespmem:s14+$0xFFFFFEA0]  }
0x65a: {  	v36 =	vld [tilespmem:s14+$0xFFFFFEB0]  }
0x65b: {  	v37 =	vld [tilespmem:s14+$0xFFFFFEC0]  }
0x65c: {  	v38 =	vld [tilespmem:s14+$0xFFFFFED0]  }
0x65d: {  	v39 =	vld [tilespmem:s14+$0xFFFFFEE0]  }
0x65e: {  	v40 =	vld [tilespmem:s14+$0xFFFFFEF0]  }
0x65f: {  	v41 =	vld [tilespmem:s14+$0xFFFFFF00]  }
0x660: {  	v42 =	vld [tilespmem:s14+$0xFFFFFF10]  }
0x661: {  	v43 =	vld [tilespmem:s14+$0xFFFFFF20];
	v18 =	vmul.f32 v18, v18  }
0x662: {  	v44 =	vld [tilespmem:s14+$0xFFFFFF30];
	v19 =	vmul.f32 v19, v19;
	v21 =	vmul.f32 v21, v21  }
0x663: {  	v45 =	vld [tilespmem:s14+$0xFFFFFF40];
	v22 =	vmul.f32 v22, v22;
	v23 =	vmul.f32 v23, v23  }
0x664: {  	v50 =	vld [tilespmem:s14+$0xFFFFFFA0];
	v24 =	vmul.f32 v24, v24;
	v25 =	vmul.f32 v25, v25  }
0x665: {  	v51 =	vld [tilespmem:s14+$0xFFFFFFB0];
	v26 =	vmul.f32 v26, v26;
	v30 =	vmul.f32 v30, v30  }
0x666: {  	v54 =	vld [tilespmem:s14+$0xFFFFFFC0];
	v52 =	vmul.f32 v35, v35;
	v53 =	vmul.f32 v36, v36  }
0x667: {  	v55 =	vld [tilespmem:s14+$0xFFFFFFD0];
	v56 =	vmul.f32 v40, v40;
	v18 =	vadd.f32 v23, v18;
	v19 =	vadd.f32 v24, v19  }
0x668: {  	v58 =	vmul.f32 v42, v42;
	v23 =	vld [tilespmem:s14+$0xFFFFFF50];
	v21 =	vadd.f32 v25, v21;
	v22 =	vadd.f32 v26, v22  }
0x669: {  	v60 =	vmul.f32 v44, v44;
	v62 =	vmul.f32 v45, v45;
	v24 =	vld [tilespmem:s14+$0xFFFFFF60]  }
0x66a: {  	v57 =	vld [tilespmem:s14+$0xFFFFFFE0];
	v25 =	vmul.f32 v27, v27;
	v18 =	vadd.f32 v19, v18;
	v19 =	vadd.f32 v22, v21  }
0x66b: {  	v26 =	vld [tilespmem:s14+$0xFFFFFF70];
	v27 =	vmul.f32 v28, v28;
	v28 =	vmul.f32 v31, v31  }
0x66c: {  	v59 =	vld [tilespmem:s14+$0xFFFFFFF0];
	v22 =	vmul.f32 v29, v29;
	v31 =	vadd.f32 v19, v18;
	v18 =	vmul.f32 v32, v32  }
0x66d: {  	v61 =	vld [tilespmem:s14+$0x0];
	v19 =	vadd.f32 v28, v27;
	v27 =	vmul.f32 v33, v33;
	v28 =	vmul.f32 v34, v34  }
0x66e: {  	v63 =	vld [tilespmem:s14+$0x10];
	v35 =	vadd.f32 v56, v53;
	v23 =	vmul.f32 v23, v23;
	v24 =	vmul.f32 v24, v24  }
0x66f: {  	v46 =	vld [tilespmem:s14+$0x20];
	v22 =	vadd.f32 v18, v22;
	v18 =	vadd.f32 v30, v25;
	v25 =	vmul.f32 v37, v37  }
0x670: {  	v47 =	vld [tilespmem:s14+$0x30];
	v26 =	vmul.f32 v26, v26;
	v30 =	vmul.f32 v38, v38;
	v23 =	vadd.f32 v23, v58  }
0x671: {  	v48 =	vld [tilespmem:s14+$0x80];
	v19 =	vadd.f32 v22, v19;
	v22 =	vmul.f32 v39, v39;
	v25 =	vadd.f32 v25, v27  }
0x672: {  	v21 =	vld [tilespmem:s14+$0xFFFFFF80];
	v27 =	vmul.f32 v41, v41;
	v28 =	vadd.f32 v30, v28;
	v30 =	vmul.f32 v43, v43  }
0x673: {  	v29 =	vld [tilespmem:s14+$0xFFFFFF90];
	v26 =	vadd.f32 v26, v60;
	v22 =	vadd.f32 v22, v52  }
0x674: {  	v49 =	vld [tilespmem:s14+$0x90];
	v27 =	vadd.f32 v62, v27;
	v24 =	vadd.f32 v24, v30  }
0x675: {  	v56 =	vld [tilespmem:s14+$0xF0];
	v32 =	vmul.f32 v50, v50;
	v25 =	vadd.f32 v28, v25;
	v22 =	vadd.f32 v35, v22  }
0x676: {  	v33 =	vmul.f32 v51, v51;
	v30 =	vld [tilespmem:s14+$0x40];
	v23 =	vadd.f32 v23, v27;
	v24 =	vadd.f32 v26, v24  }
0x677: {  	v21 =	vmul.f32 v21, v21;
	v26 =	vld [tilespmem:s14+$0x60];
	v22 =	vadd.f32 v22, v25;
	v25 =	vmul.f32 v54, v54  }
0x678: {  	v29 =	vmul.f32 v29, v29;
	v27 =	vld [tilespmem:s14+$0x70];
	v24 =	vadd.f32 v24, v23;
	v23 =	vmul.f32 v55, v55  }
0x679: {  	v51 =	vmul.f32 v61, v61;
	v34 =	vmul.f32 v47, v47;
	v28 =	vld [tilespmem:s14+$0x50];
	v21 =	vadd.f32 v25, v21  }
0x67a: {  	s1 =	simm.s32 $0xEEC0;
	v53 =	vld [tilespmem:s14+$0xB0];
	v25 =	vmul.f32 v57, v57;
	v23 =	vadd.f32 v23, v29;
	v29 =	vmul.f32 v59, v59  }
0x67b: {  	[tilespmem:s1+$0x30] =	vst v31;
	v31 =	vmul.f32 v56, v56;
	v54 =	vmul.f32 v46, v46;
	v55 =	vld [tilespmem:s14+$0xC0]  }
0x67c: {  	v50 =	vld [tilespmem:s14+$0xA0];
	v26 =	vmul.f32 v26, v26;
	v25 =	vadd.f32 v25, v32;
	v29 =	vadd.f32 v29, v33  }
0x67d: {  	v27 =	vmul.f32 v27, v27;
	v21 =	vadd.f32 v23, v21;
	v23 =	vmul.f32 v30, v30;
	v30 =	vld [tilespmem:s14+$0xD0]  }
0x67e: {  	v52 =	vmul.f32 v63, v63;
	v28 =	vmul.f32 v28, v28;
	v25 =	vadd.f32 v29, v25;
	v29 =	vld [tilespmem:s14+$0xE0]  }
0x67f: {  	v61 =	vld [tilespmem:s14+$0x120];
	v58 =	vmul.f32 v48, v48;
	v26 =	vadd.f32 v26, v54;
	v27 =	vadd.f32 v27, v34  }
0x680: {  	v57 =	vld [tilespmem:s14+$0x100];
	v28 =	vadd.f32 v28, v52;
	v38 =	vmul.f32 v55, v55;
	v23 =	vadd.f32 v23, v51  }
0x681: {  	v60 =	vmul.f32 v50, v50;
	v59 =	vld [tilespmem:s14+$0x110];
	v26 =	vadd.f32 v27, v26;
	v27 =	vmul.f32 v53, v53  }
0x682: {  	v62 =	vld [tilespmem:s14+$0x130];
	[tilespmem:s1+$0xFFFFFFD0] =	vst v22;
	v22 =	vadd.f32 v38, v58;
	v23 =	vadd.f32 v28, v23;
	v28 =	vmul.f32 v49, v49  }
0x683: {  	v25 =	vadd.f32 v25, v21;
	v21 =	vld [tilespmem:s14+$0x140];
	v30 =	vmul.f32 v30, v30;
	v29 =	vmul.f32 v29, v29  }
0x684: {  	v20 =	vmul.f32 v20, v20;
	[tilespmem:s1+$0xFFFFFFE0] =	vst v24;
	v31 =	vadd.f32 v31, v27;
	v26 =	vadd.f32 v26, v23;
	v23 =	vld [tilespmem:s14+$0x150]  }
0x685: {  	v24 =	vmul.f32 v57, v57;
	v27 =	vld [tilespmem:s14+$0x160];
	[tilespmem:s1+$0xFFFFFFF0] =	vst v25;
	v28 =	vadd.f32 v30, v28;
	v63 =	vadd.f32 v29, v60  }
0x686: {  	v25 =	vmul.f32 v59, v59;
	[tilespmem:s1+$0x0] =	vst v26;
	v26 =	vmul.f32 v61, v61;
	v29 =	vld [tilespmem:s14+$0x170]  }
0x687: {  	s26 =	simm.s32 $0x0;
	s0 =	simm.s32 $0x75C0;
	v30 =	vld [tilespmem:s14+$0xFFFFFE00];
	v22 =	vadd.f32 v28, v22;
	v28 =	vmul.f32 v62, v62;
	s14 =	simm.s32 $0xA480;
	v31 =	vadd.f32 v31, v63  }
.LBB2_20:
0x688: {  	v32 =	vld [tilespmem:s14+$0x180];
	v21 =	vmul.f32 v21, v21  }
0x689: {  	v33 =	vld [tilespmem:s14+$0x190];
	v22 =	vadd.f32 v31, v22;
	v23 =	vmul.f32 v23, v23  }
0x68a: {  	v31 =	vld [tilespmem:s14+$0x1A0];
	v21 =	vadd.f32 v21, v24;
	v24 =	vmul.f32 v27, v27  }
0x68b: {  	v27 =	vld [tilespmem:s14+$0x1B0];
	[tilespmem:s1+$0x10] =	vst v22;
	v22 =	vadd.f32 v23, v25;
	v23 =	vmul.f32 v29, v29  }
0x68c: {  	v25 =	vld [tilespmem:s14+$0x1C0];
	v29 =	vmul.f32 v30, v30;
	v24 =	vadd.f32 v24, v26  }
0x68d: {  	v26 =	vld [tilespmem:s14+$0x1D0];
	v23 =	vadd.f32 v23, v28;
	v21 =	vadd.f32 v22, v21  }
0x68e: {  	v22 =	vld [tilespmem:s14+$0x1E0];
	v20 =	vadd.f32 v20, v29  }
0x68f: {  	s26 =	sadd.s32 $0x8, s26;
	v28 =	vld [tilespmem:s14+$0x1F0];
	v23 =	vadd.f32 v23, v24  }
0x690: {  	p0 =	slt.u32 s26, $0x48;
	v24 =	vld [tilespmem:s14+$0xFFFFFE10];
	v18 =	vadd.f32 v18, v20  }
0x691: {  	v29 =	vmul.f32 v32, v32;
	v30 =	vmul.f32 v33, v33;
	v20 =	vld [tilespmem:s14+$0xFFFFFE20];
	v21 =	vadd.f32 v23, v21  }
0x692: {  	v31 =	vmul.f32 v31, v31;
	v27 =	vmul.f32 v27, v27;
	v23 =	vld [tilespmem:s14+$0xFFFFFE30];
	v18 =	vadd.f32 v19, v18  }
0x693: {  	v25 =	vmul.f32 v25, v25;
	v26 =	vmul.f32 v26, v26;
	v19 =	vld [tilespmem:s14+$0xFFFFFE40];
	[tilespmem:s1+$0x20] =	vst v21  }
0x694: {  	v22 =	vmul.f32 v22, v22;
	v21 =	vld [tilespmem:s14+$0xFFFFFE50];
	v28 =	vmul.f32 v28, v28;
	[tilespmem:s1+$0xFFFFFFC0] =	vst v18  }
0x695: {  	v25 =	vadd.f32 v25, v29;
	v26 =	vadd.f32 v26, v30;
	v18 =	vmul.f32 v24, v24;
	v24 =	vld [tilespmem:s14+$0xFFFFFE60]  }
0x696: {  	v22 =	vadd.f32 v22, v31;
	v29 =	vmul.f32 v20, v20;
	v30 =	vld [tilespmem:s14+$0xFFFFFE70];
	v27 =	vadd.f32 v28, v27  }
0x697: {  	v23 =	vmul.f32 v23, v23;
	v28 =	vld [tilespmem:s14+$0xFFFFFE80]  }
0x698: {  	v25 =	vadd.f32 v26, v25;
	v20 =	vmul.f32 v19, v19;
	v19 =	vld [tilespmem:s14+$0xFFFFFE90];
	v22 =	vadd.f32 v27, v22  }
0x699: {  	v21 =	vmul.f32 v21, v21;
	v26 =	vld [tilespmem:s14+$0xFFFFFEA0]  }
0x69a: {  	v24 =	vmul.f32 v24, v24;
	v27 =	vld [tilespmem:s14+$0xFFFFFEB0];
	v22 =	vadd.f32 v22, v25  }
0x69b: {  	s1 =	sadd.s32 $0x80, s1;
	v18 =	vadd.f32 v21, v18;
	v21 =	vmul.f32 v30, v30;
	v25 =	vld [tilespmem:s14+$0xFFFFFEC0]  }
0x69c: {  	s18 =	simm.s32 $0x0;
	v24 =	vadd.f32 v24, v29;
	v28 =	vmul.f32 v28, v28;
	v29 =	vld [tilespmem:s14+$0xFFFFFED0];
	[tilespmem:s1+$0x30] =	vst v22  }
0x69d: {  	v21 =	vadd.f32 v21, v23;
	v22 =	vmul.f32 v19, v19;
	v23 =	vld [tilespmem:s14+$0xFFFFFEE0]  }
0x69e: {  	v26 =	vmul.f32 v26, v26;
	v30 =	vld [tilespmem:s14+$0xFFFFFEF0]  }
0x69f: {  	v19 =	vadd.f32 v21, v24;
	v21 =	vmul.f32 v27, v27;
	v24 =	vld [tilespmem:s14+$0xFFFFFF00]  }
0x6a0: {  	v25 =	vmul.f32 v25, v25;
	v27 =	vld [tilespmem:s14+$0xFFFFFF10]  }
0x6a1: {  	v29 =	vmul.f32 v29, v29;
	v31 =	vld [tilespmem:s14+$0xFFFFFF20]  }
0x6a2: {  	v25 =	vadd.f32 v25, v28;
	v23 =	vmul.f32 v23, v23;
	v28 =	vld [tilespmem:s14+$0xFFFFFF30]  }
0x6a3: {  	v22 =	vadd.f32 v29, v22;
	v29 =	vmul.f32 v30, v30;
	v30 =	vld [tilespmem:s14+$0xFFFFFF40]  }
0x6a4: {  	v23 =	vadd.f32 v23, v26;
	v24 =	vmul.f32 v24, v24;
	v26 =	vld [tilespmem:s14+$0xFFFFFF50]  }
0x6a5: {  	v21 =	vadd.f32 v29, v21;
	v22 =	vadd.f32 v22, v25;
	v25 =	vmul.f32 v27, v27;
	v27 =	vld [tilespmem:s14+$0xFFFFFF60]  }
0x6a6: {  	v29 =	vmul.f32 v31, v31;
	v31 =	vld [tilespmem:s14+$0xFFFFFF70]  }
0x6a7: {  	v21 =	vadd.f32 v21, v23;
	v23 =	vmul.f32 v28, v28;
	v28 =	vld [tilespmem:s14+$0xFFFFFF80]  }
0x6a8: {  	v30 =	vmul.f32 v30, v30;
	v32 =	vld [tilespmem:s14+$0xFFFFFF90]  }
0x6a9: {  	v21 =	vadd.f32 v21, v22;
	v22 =	vmul.f32 v26, v26;
	v26 =	vld [tilespmem:s14+$0xFFFFFFA0]  }
0x6aa: {  	v24 =	vadd.f32 v30, v24;
	v27 =	vmul.f32 v27, v27;
	v30 =	vld [tilespmem:s14+$0xFFFFFFB0]  }
0x6ab: {  	[tilespmem:s1+$0xFFFFFFD0] =	vst v21;
	v21 =	vadd.f32 v22, v25;
	v22 =	vmul.f32 v31, v31;
	v25 =	vld [tilespmem:s14+$0xFFFFFFC0]  }
0x6ac: {  	v27 =	vadd.f32 v27, v29;
	v28 =	vmul.f32 v28, v28;
	v29 =	vld [tilespmem:s14+$0xFFFFFFD0]  }
0x6ad: {  	v22 =	vadd.f32 v22, v23;
	v21 =	vadd.f32 v21, v24;
	v23 =	vmul.f32 v32, v32;
	v24 =	vld [tilespmem:s14+$0xFFFFFFE0]  }
0x6ae: {  	v26 =	vmul.f32 v26, v26;
	v31 =	vld [tilespmem:s14+$0xFFFFFFF0]  }
0x6af: {  	v22 =	vadd.f32 v22, v27;
	v27 =	vmul.f32 v30, v30;
	v30 =	vld [tilespmem:s14+$0x0]  }
0x6b0: {  	v25 =	vmul.f32 v25, v25;
	v32 =	vld [tilespmem:s14+$0x10]  }
0x6b1: {  	v21 =	vadd.f32 v22, v21;
	v22 =	vmul.f32 v29, v29;
	v29 =	vld [tilespmem:s14+$0x20]  }
0x6b2: {  	v25 =	vadd.f32 v25, v28;
	v24 =	vmul.f32 v24, v24;
	v28 =	vld [tilespmem:s14+$0x30]  }
0x6b3: {  	[tilespmem:s1+$0xFFFFFFE0] =	vst v21;
	v21 =	vadd.f32 v22, v23;
	v22 =	vmul.f32 v31, v31;
	v23 =	vld [tilespmem:s14+$0x40]  }
0x6b4: {  	v24 =	vadd.f32 v24, v26;
	v26 =	vmul.f32 v30, v30;
	v30 =	vld [tilespmem:s14+$0x50]  }
0x6b5: {  	v22 =	vadd.f32 v22, v27;
	v21 =	vadd.f32 v21, v25;
	v25 =	vmul.f32 v32, v32;
	v27 =	vld [tilespmem:s14+$0x60]  }
0x6b6: {  	v29 =	vmul.f32 v29, v29;
	v31 =	vld [tilespmem:s14+$0x70]  }
0x6b7: {  	v22 =	vadd.f32 v22, v24;
	v24 =	vmul.f32 v28, v28;
	v28 =	vld [tilespmem:s14+$0x80]  }
0x6b8: {  	v23 =	vmul.f32 v23, v23;
	v32 =	vld [tilespmem:s14+$0x90]  }
0x6b9: {  	v21 =	vadd.f32 v22, v21;
	v22 =	vmul.f32 v30, v30;
	v30 =	vld [tilespmem:s14+$0xA0]  }
0x6ba: {  	v23 =	vadd.f32 v23, v26;
	v26 =	vmul.f32 v27, v27;
	v27 =	vld [tilespmem:s14+$0xB0]  }
0x6bb: {  	[tilespmem:s1+$0xFFFFFFF0] =	vst v21;
	v21 =	vadd.f32 v22, v25;
	v22 =	vmul.f32 v31, v31;
	v25 =	vld [tilespmem:s14+$0xC0]  }
0x6bc: {  	v26 =	vadd.f32 v26, v29;
	v28 =	vmul.f32 v28, v28;
	v29 =	vld [tilespmem:s14+$0xD0]  }
0x6bd: {  	v22 =	vadd.f32 v22, v24;
	v21 =	vadd.f32 v21, v23;
	v23 =	vmul.f32 v32, v32;
	v24 =	vld [tilespmem:s14+$0xE0]  }
0x6be: {  	v30 =	vmul.f32 v30, v30;
	v31 =	vld [tilespmem:s14+$0xF0]  }
0x6bf: {  	v22 =	vadd.f32 v22, v26;
	v26 =	vmul.f32 v27, v27;
	v27 =	vld [tilespmem:s14+$0x100]  }
0x6c0: {  	v25 =	vmul.f32 v25, v25;
	v32 =	vld [tilespmem:s14+$0x110]  }
0x6c1: {  	v21 =	vadd.f32 v22, v21;
	v22 =	vmul.f32 v29, v29;
	v29 =	vld [tilespmem:s14+$0x120]  }
0x6c2: {  	v25 =	vadd.f32 v25, v28;
	v24 =	vmul.f32 v24, v24;
	v28 =	vld [tilespmem:s14+$0x130]  }
.Ltmp9:
0x6c3: {  	[tilespmem:s1+$0x0] =	vst v21;
	v22 =	vadd.f32 v22, v23;
	v31 =	vmul.f32 v31, v31;
	v21 =	vld [tilespmem:s14+$0x140];
	(pc) =	sbr.rel @p0 .LBB2_20-.Ltmp9, $4  }
0x6c4: {  	v33 =	vadd.f32 v24, v30;
	v24 =	vmul.f32 v27, v27;
	v23 =	vld [tilespmem:s14+$0x150]  }
0x6c5: {  	v31 =	vadd.f32 v31, v26;
	v22 =	vadd.f32 v22, v25;
	v25 =	vmul.f32 v32, v32;
	v27 =	vld [tilespmem:s14+$0x160]  }
0x6c6: {  	v26 =	vmul.f32 v29, v29;
	v29 =	vld [tilespmem:s14+$0x170]  }
0x6c7: {  	v30 =	vld [tilespmem:s14+$0xFFFFFE00];
	v31 =	vadd.f32 v31, v33;
	v28 =	vmul.f32 v28, v28;
	s14 =	sadd.s32 $0x400, s14  }
0x6c8: {  	_ =	sdelay $0x1  }
0x6c9: {  	v21 =	vmul.f32 v21, v21;
	v23 =	vmul.f32 v23, v23  }
0x6ca: {  	v27 =	vmul.f32 v27, v27;
	v29 =	vmul.f32 v29, v29  }
0x6cb: {  	v21 =	vadd.f32 v21, v24;
	v23 =	vadd.f32 v23, v25;
	v59 =	vmul.f32 v30, v30  }
0x6cc: {  	v60 =	vadd.f32 v27, v26;
	v61 =	vadd.f32 v29, v28  }
0x6cd: {  	v20 =	vadd.f32 v20, v59  }
0x6ce: {  	v63 =	vor.u32 s18, v1;
	v21 =	vadd.f32 v23, v21;
	v62 =	vadd.f32 v61, v60  }
0x6cf: {  	v22 =	vadd.f32 v31, v22;
	v18 =	vadd.f32 v18, v20;
	v20 =	vand.u32 v2, v63  }
0x6d0: {  	v21 =	vadd.f32 v62, v21  }
0x6d1: {  	[tilespmem:s1+$0x10] =	vst v22;
	v18 =	vadd.f32 v19, v18;
	v19 =	vor.u32 s18, v5  }
0x6d2: {  	[tilespmem:s1+$0x20] =	vst v21  }
0x6d3: {  	[tilespmem:s1+$0xFFFFFFC0] =	vst v18;
	v18 =	vor.u32 s18, v3  }
0x6d4: {  	v20 =	vld.idx.msk [tilespmem:v20+s20+$0x0], $0xffff  }
0x6d5: {  	v28 =	vor.u32 s18, v4  }
0x6d6: {  	v19 =	vld.idx.msk [tilespmem:v19+s20+$0x0], $0xffff  }
0x6d7: {  	v29 =	vor.u32 s18, v6  }
0x6d8: {  	v18 =	vld.idx.msk [tilespmem:v18+s20+$0x0], $0xffff  }
0x6d9: {  	v30 =	vor.u32 s18, v7;
	v20 =	vadd.f32 $0.0e+00, v20  }
0x6da: {  	v21 =	vld.idx.msk [tilespmem:v28+s20+$0x0], $0xffff  }
0x6db: {  	v31 =	vor.u32 s18, v8;
	v19 =	vadd.f32 v19, v20  }
0x6dc: {  	v20 =	vld.idx.msk [tilespmem:v29+s20+$0x0], $0xffff  }
0x6dd: {  	v32 =	vor.u32 s18, v9;
	v18 =	vadd.f32 v18, v19  }
0x6de: {  	v19 =	vld.idx.msk [tilespmem:v30+s20+$0x0], $0xffff  }
0x6df: {  	v33 =	vor.u32 s18, v10;
	v18 =	vadd.f32 v21, v18  }
0x6e0: {  	v34 =	vld.idx.msk [tilespmem:v31+s20+$0x0], $0xffff  }
0x6e1: {  	v35 =	vor.u32 s18, v11;
	v18 =	vadd.f32 v20, v18  }
0x6e2: {  	v20 =	vld.idx.msk [tilespmem:v32+s20+$0x0], $0xffff  }
0x6e3: {  	v36 =	vor.u32 s18, v12;
	v18 =	vadd.f32 v19, v18  }
0x6e4: {  	v19 =	vld.idx.msk [tilespmem:v33+s20+$0x0], $0xffff  }
0x6e5: {  	v37 =	vor.u32 s18, v13;
	v18 =	vadd.f32 v34, v18  }
0x6e6: {  	v38 =	vld.idx.msk [tilespmem:v35+s20+$0x0], $0xffff  }
0x6e7: {  	v39 =	vor.u32 s18, v14;
	v18 =	vadd.f32 v20, v18  }
0x6e8: {  	v20 =	vld.idx.msk [tilespmem:v36+s20+$0x0], $0xffff  }
0x6e9: {  	v40 =	vor.u32 s18, v15;
	v18 =	vadd.f32 v19, v18  }
0x6ea: {  	v19 =	vld.idx.msk [tilespmem:v37+s20+$0x0], $0xffff  }
0x6eb: {  	v41 =	vor.u32 s18, v16;
	v18 =	vadd.f32 v38, v18  }
0x6ec: {  	v42 =	vld.idx.msk [tilespmem:v39+s20+$0x0], $0xffff  }
0x6ed: {  	v43 =	vor.u32 s18, v17;
	v18 =	vadd.f32 v20, v18  }
0x6ee: {  	v20 =	vld.idx.msk [tilespmem:v40+s20+$0x0], $0xffff  }
0x6ef: {  	v18 =	vadd.f32 v19, v18  }
0x6f0: {  	v19 =	vld.idx.msk [tilespmem:v41+s20+$0x0], $0xffff  }
0x6f1: {  	v18 =	vadd.f32 v42, v18  }
0x6f2: {  	v44 =	vld.idx.msk [tilespmem:v43+s20+$0x0], $0xffff  }
0x6f3: {  	v18 =	vadd.f32 v20, v18;
	_ =	sdelay $0x1  }
0x6f4: {  	v18 =	vadd.f32 v19, v18;
	_ =	sdelay $0x1  }
0x6f5: {  	v18 =	vadd.f32 v44, v18;
	_ =	sdelay $0x1  }
0x6f6: {  	v18 =	vmax.f32 v18, $1.000000000e-30  }
0x6f7: {  	v19 =	vshra.s32 v18, $0x1;
	v20 =	vmul.f32 $5.000000000e-01, v18  }
0x6f8: {  	v19 =	vsub.s32 $0x5F3759DF, v19  }
0x6f9: {  	v45 =	vmul.f32 v19, v20;
	_ =	sdelay $0x1  }
0x6fa: {  	v21 =	vmul.f32 v19, v45;
	_ =	sdelay $0x1  }
0x6fb: {  	v21 =	vsub.f32 $1.500000000e+00, v21;
	_ =	sdelay $0x1  }
0x6fc: {  	v19 =	vmul.f32 v19, v21;
	_ =	sdelay $0x1  }
0x6fd: {  	v21 =	vmul.f32 v19, v20;
	_ =	sdelay $0x1  }
0x6fe: {  	v21 =	vmul.f32 v21, v19;
	_ =	sdelay $0x1  }
0x6ff: {  	v21 =	vsub.f32 $1.500000000e+00, v21;
	_ =	sdelay $0x1  }
0x700: {  	v19 =	vmul.f32 v21, v19;
	_ =	sdelay $0x1  }
0x701: {  	v20 =	vmul.f32 v19, v20;
	_ =	sdelay $0x1  }
0x702: {  	v20 =	vmul.f32 v20, v19;
	_ =	sdelay $0x1  }
0x703: {  	v20 =	vsub.f32 $1.500000000e+00, v20;
	_ =	sdelay $0x1  }
0x704: {  	v19 =	vmul.f32 v20, v19;
	_ =	sdelay $0x1  }
0x705: {  	v18 =	vmul.f32 v19, v18;
	_ =	sdelay $0x1  }
0x706: {  	v18 =	vadd.f32 $-1.000000000e+00, v18;
	_ =	sdelay $0x1  }
0x707: {  	v18 =	vmul.f32 $1.442695020e+00, v18;
	_ =	sdelay $0x1  }
0x708: {  	(erf) = vpow2.f32 v18;
	_ =	sdelay $0x8  }
0x709: {  	v18 =	vpop (erf)  }
0x70a: {  	v18 =	vadd.f32 $1.000000000e+00, v18;
	_ =	sdelay $0x1  }
0x70b: {  	(erf) = vrcp.f32 v18;
	_ =	sdelay $0x3  }
0x70c: {  	s31 =	simm.s32 $0x100  }
0x70d: {  	v18 =	vor.u32 s31, v1  }
0x70e: {  	v18 =	vand.u32 v2, v18;
	_ =	sdelay $0x1  }
0x70f: {  	v19 =	vor.u32 s31, v5  }
0x710: {  	v20 =	vpop (erf)  }
0x711: {  	v46 =	vor.u32 s31, v3;
	[tilespmem:s0+$0x0] =	vst v20  }
0x712: {  	v18 =	vld.idx.msk [tilespmem:v18+s20+$0x0], $0xffff  }
0x713: {  	v20 =	vor.u32 s31, v4  }
0x714: {  	v19 =	vld.idx.msk [tilespmem:v19+s20+$0x0], $0xffff  }
0x715: {  	v47 =	vor.u32 s31, v6  }
0x716: {  	v21 =	vld.idx.msk [tilespmem:v46+s20+$0x0], $0xffff  }
0x717: {  	v48 =	vor.u32 s31, v7;
	v18 =	vadd.f32 $0.0e+00, v18  }
0x718: {  	v20 =	vld.idx.msk [tilespmem:v20+s20+$0x0], $0xffff  }
0x719: {  	v49 =	vor.u32 s31, v8;
	v18 =	vadd.f32 v19, v18  }
0x71a: {  	v19 =	vld.idx.msk [tilespmem:v47+s20+$0x0], $0xffff  }
0x71b: {  	v50 =	vor.u32 s31, v9;
	v18 =	vadd.f32 v21, v18  }
0x71c: {  	v51 =	vld.idx.msk [tilespmem:v48+s20+$0x0], $0xffff  }
0x71d: {  	v52 =	vor.u32 s31, v10;
	v18 =	vadd.f32 v20, v18  }
0x71e: {  	v20 =	vld.idx.msk [tilespmem:v49+s20+$0x0], $0xffff  }
0x71f: {  	v53 =	vor.u32 s31, v11;
	v18 =	vadd.f32 v19, v18  }
0x720: {  	v19 =	vld.idx.msk [tilespmem:v50+s20+$0x0], $0xffff  }
0x721: {  	v54 =	vor.u32 s31, v12;
	v18 =	vadd.f32 v51, v18  }
0x722: {  	v55 =	vld.idx.msk [tilespmem:v52+s20+$0x0], $0xffff  }
0x723: {  	v56 =	vor.u32 s31, v13;
	v18 =	vadd.f32 v20, v18  }
0x724: {  	v20 =	vld.idx.msk [tilespmem:v53+s20+$0x0], $0xffff  }
0x725: {  	v57 =	vor.u32 s31, v14;
	v18 =	vadd.f32 v19, v18  }
0x726: {  	v19 =	vld.idx.msk [tilespmem:v54+s20+$0x0], $0xffff  }
0x727: {  	v58 =	vor.u32 s31, v15;
	v18 =	vadd.f32 v55, v18  }
0x728: {  	v59 =	vld.idx.msk [tilespmem:v56+s20+$0x0], $0xffff  }
0x729: {  	v60 =	vor.u32 s31, v16;
	v18 =	vadd.f32 v20, v18  }
0x72a: {  	v20 =	vld.idx.msk [tilespmem:v57+s20+$0x0], $0xffff  }
0x72b: {  	v61 =	vor.u32 s31, v17;
	v18 =	vadd.f32 v19, v18  }
0x72c: {  	v19 =	vld.idx.msk [tilespmem:v58+s20+$0x0], $0xffff  }
0x72d: {  	v18 =	vadd.f32 v59, v18  }
0x72e: {  	v62 =	vld.idx.msk [tilespmem:v60+s20+$0x0], $0xffff  }
0x72f: {  	v18 =	vadd.f32 v20, v18  }
0x730: {  	v20 =	vld.idx.msk [tilespmem:v61+s20+$0x0], $0xffff  }
0x731: {  	v18 =	vadd.f32 v19, v18;
	_ =	sdelay $0x1  }
0x732: {  	v18 =	vadd.f32 v62, v18;
	_ =	sdelay $0x1  }
0x733: {  	v18 =	vadd.f32 v20, v18;
	_ =	sdelay $0x1  }
0x734: {  	v18 =	vmax.f32 v18, $1.000000000e-30  }
0x735: {  	v19 =	vshra.s32 v18, $0x1;
	v20 =	vmul.f32 $5.000000000e-01, v18  }
0x736: {  	v19 =	vsub.s32 $0x5F3759DF, v19  }
0x737: {  	v63 =	vmul.f32 v19, v20;
	_ =	sdelay $0x1  }
0x738: {  	v21 =	vmul.f32 v19, v63;
	_ =	sdelay $0x1  }
0x739: {  	v21 =	vsub.f32 $1.500000000e+00, v21;
	_ =	sdelay $0x1  }
0x73a: {  	v19 =	vmul.f32 v19, v21;
	_ =	sdelay $0x1  }
0x73b: {  	v21 =	vmul.f32 v19, v20;
	_ =	sdelay $0x1  }
0x73c: {  	v21 =	vmul.f32 v21, v19;
	_ =	sdelay $0x1  }
0x73d: {  	v21 =	vsub.f32 $1.500000000e+00, v21;
	_ =	sdelay $0x1  }
0x73e: {  	v19 =	vmul.f32 v21, v19;
	_ =	sdelay $0x1  }
0x73f: {  	v20 =	vmul.f32 v19, v20;
	_ =	sdelay $0x1  }
0x740: {  	v20 =	vmul.f32 v20, v19;
	_ =	sdelay $0x1  }
0x741: {  	v20 =	vsub.f32 $1.500000000e+00, v20;
	_ =	sdelay $0x1  }
0x742: {  	v19 =	vmul.f32 v20, v19;
	_ =	sdelay $0x1  }
0x743: {  	v18 =	vmul.f32 v19, v18;
	_ =	sdelay $0x1  }
0x744: {  	v18 =	vadd.f32 $-1.000000000e+00, v18;
	_ =	sdelay $0x1  }
0x745: {  	v18 =	vmul.f32 $1.442695020e+00, v18;
	_ =	sdelay $0x1  }
0x746: {  	(erf) = vpow2.f32 v18;
	_ =	sdelay $0x8  }
0x747: {  	v18 =	vpop (erf)  }
0x748: {  	v18 =	vadd.f32 $1.000000000e+00, v18;
	_ =	sdelay $0x1  }
0x749: {  	(erf) = vrcp.f32 v18;
	_ =	sdelay $0x3  }
0x74a: {  	s1 =	simm.s32 $0x200  }
0x74b: {  	s14 =	simm.s32 $0x300;
	v18 =	vor.u32 s1, v1  }
.LBB2_22:
0x74c: {  	p0 =	sne.s32 s14, $0x400;
	v18 =	vand.u32 v2, v18;
	_ =	sdelay $0x1  }
0x74d: {  	v19 =	vor.u32 s1, v5  }
0x74e: {  	s0 =	sadd.s32 $0x10, s0;
	v20 =	vpop (erf)  }
0x74f: {  	v21 =	vor.u32 s1, v3;
	[tilespmem:s0+$0x0] =	vst v20  }
0x750: {  	v18 =	vld.idx.msk [tilespmem:v18+s20+$0x0], $0xffff  }
0x751: {  	v20 =	vor.u32 s1, v4  }
0x752: {  	v19 =	vld.idx.msk [tilespmem:v19+s20+$0x0], $0xffff  }
0x753: {  	v22 =	vor.u32 s1, v6  }
0x754: {  	v21 =	vld.idx.msk [tilespmem:v21+s20+$0x0], $0xffff  }
0x755: {  	v23 =	vor.u32 s1, v7  }
0x756: {  	v18 =	vadd.f32 $0.0e+00, v18;
	v20 =	vld.idx.msk [tilespmem:v20+s20+$0x0], $0xffff  }
0x757: {  	v24 =	vor.u32 s1, v8  }
0x758: {  	v18 =	vadd.f32 v19, v18;
	v19 =	vld.idx.msk [tilespmem:v22+s20+$0x0], $0xffff  }
0x759: {  	v22 =	vor.u32 s1, v9  }
0x75a: {  	v18 =	vadd.f32 v21, v18;
	v21 =	vld.idx.msk [tilespmem:v23+s20+$0x0], $0xffff  }
0x75b: {  	v23 =	vor.u32 s1, v10  }
0x75c: {  	v18 =	vadd.f32 v20, v18;
	v20 =	vld.idx.msk [tilespmem:v24+s20+$0x0], $0xffff  }
0x75d: {  	v24 =	vor.u32 s1, v11  }
0x75e: {  	v18 =	vadd.f32 v19, v18;
	v19 =	vld.idx.msk [tilespmem:v22+s20+$0x0], $0xffff  }
0x75f: {  	v22 =	vor.u32 s1, v12  }
0x760: {  	v18 =	vadd.f32 v21, v18;
	v21 =	vld.idx.msk [tilespmem:v23+s20+$0x0], $0xffff  }
0x761: {  	v23 =	vor.u32 s1, v13  }
0x762: {  	v18 =	vadd.f32 v20, v18;
	v20 =	vld.idx.msk [tilespmem:v24+s20+$0x0], $0xffff  }
0x763: {  	v24 =	vor.u32 s1, v14  }
0x764: {  	v18 =	vadd.f32 v19, v18;
	v19 =	vld.idx.msk [tilespmem:v22+s20+$0x0], $0xffff  }
0x765: {  	v22 =	vor.u32 s1, v15  }
0x766: {  	v18 =	vadd.f32 v21, v18;
	v21 =	vld.idx.msk [tilespmem:v23+s20+$0x0], $0xffff  }
0x767: {  	v23 =	vor.u32 s1, v16  }
0x768: {  	v18 =	vadd.f32 v20, v18;
	v20 =	vld.idx.msk [tilespmem:v24+s20+$0x0], $0xffff  }
0x769: {  	v24 =	vor.u32 s1, v17;
	s1 =	smov.u32 s14  }
0x76a: {  	v18 =	vadd.f32 v19, v18;
	v19 =	vld.idx.msk [tilespmem:v22+s20+$0x0], $0xffff;
	_ =	sdelay $0x1  }
0x76b: {  	v18 =	vadd.f32 v21, v18;
	v21 =	vld.idx.msk [tilespmem:v23+s20+$0x0], $0xffff;
	_ =	sdelay $0x1  }
0x76c: {  	v18 =	vadd.f32 v20, v18;
	v20 =	vld.idx.msk [tilespmem:v24+s20+$0x0], $0xffff;
	_ =	sdelay $0x1  }
0x76d: {  	v18 =	vadd.f32 v19, v18;
	_ =	sdelay $0x1  }
0x76e: {  	v18 =	vadd.f32 v21, v18;
	_ =	sdelay $0x1  }
0x76f: {  	v18 =	vadd.f32 v20, v18;
	_ =	sdelay $0x1  }
0x770: {  	v18 =	vmax.f32 v18, $1.000000000e-30  }
0x771: {  	v19 =	vshra.s32 v18, $0x1;
	v20 =	vmul.f32 $5.000000000e-01, v18  }
0x772: {  	v19 =	vsub.s32 $0x5F3759DF, v19  }
0x773: {  	v21 =	vmul.f32 v19, v20;
	_ =	sdelay $0x1  }
0x774: {  	v21 =	vmul.f32 v19, v21;
	_ =	sdelay $0x1  }
0x775: {  	v21 =	vsub.f32 $1.500000000e+00, v21;
	_ =	sdelay $0x1  }
0x776: {  	v19 =	vmul.f32 v19, v21;
	_ =	sdelay $0x1  }
0x777: {  	v21 =	vmul.f32 v19, v20;
	_ =	sdelay $0x1  }
0x778: {  	v21 =	vmul.f32 v21, v19;
	_ =	sdelay $0x1  }
0x779: {  	v21 =	vsub.f32 $1.500000000e+00, v21;
	_ =	sdelay $0x1  }
0x77a: {  	v19 =	vmul.f32 v21, v19;
	_ =	sdelay $0x1  }
0x77b: {  	v20 =	vmul.f32 v19, v20;
	_ =	sdelay $0x1  }
0x77c: {  	v20 =	vmul.f32 v20, v19;
	_ =	sdelay $0x1  }
0x77d: {  	v20 =	vsub.f32 $1.500000000e+00, v20;
	_ =	sdelay $0x1  }
0x77e: {  	v19 =	vmul.f32 v20, v19;
	_ =	sdelay $0x1  }
0x77f: {  	v18 =	vmul.f32 v19, v18;
	_ =	sdelay $0x1  }
0x780: {  	v18 =	vadd.f32 $-1.000000000e+00, v18;
	_ =	sdelay $0x1  }
0x781: {  	v18 =	vmul.f32 $1.442695020e+00, v18;
	_ =	sdelay $0x1  }
0x782: {  	(erf) = vpow2.f32 v18;
	_ =	sdelay $0x8  }
0x783: {  	v18 =	vpop (erf)  }
0x784: {  	v18 =	vadd.f32 $1.000000000e+00, v18;
	_ =	sdelay $0x1  }
0x785: {  	(erf) = vrcp.f32 v18  }
.Ltmp10:
0x786: {  	(pc) =	sbr.rel @p0 .LBB2_22-.Ltmp10, $2  }
0x787: {  	_ =	sdelay $0x2  }
0x788: {  	s14 =	sadd.s32 $0x100, s14;
	v18 =	vor.u32 s1, v1  }
0x789: {  	v1 =	vand.u32 v2, v18;
	_ =	sdelay $0x1  }
0x78a: {  	v2 =	vor.u32 s1, v5  }
0x78b: {  	s0 =	sadd.s32 $0x10, s0;
	v46 =	vpop (erf)  }
0x78c: {  	v3 =	vor.u32 s1, v3;
	[tilespmem:s0+$0x0] =	vst v46  }
0x78d: {  	v1 =	vld.idx.msk [tilespmem:v1+s20+$0x0], $0xffff  }
0x78e: {  	v4 =	vor.u32 s1, v4  }
0x78f: {  	v2 =	vld.idx.msk [tilespmem:v2+s20+$0x0], $0xffff  }
0x790: {  	v47 =	vor.u32 s1, v6  }
0x791: {  	v3 =	vld.idx.msk [tilespmem:v3+s20+$0x0], $0xffff  }
0x792: {  	v48 =	vor.u32 s1, v7;
	v1 =	vadd.f32 $0.0e+00, v1  }
0x793: {  	v4 =	vld.idx.msk [tilespmem:v4+s20+$0x0], $0xffff  }
0x794: {  	v49 =	vor.u32 s1, v8;
	v1 =	vadd.f32 v2, v1  }
0x795: {  	v2 =	vld.idx.msk [tilespmem:v47+s20+$0x0], $0xffff  }
0x796: {  	v50 =	vor.u32 s1, v9;
	v1 =	vadd.f32 v3, v1  }
0x797: {  	v3 =	vld.idx.msk [tilespmem:v48+s20+$0x0], $0xffff  }
0x798: {  	v51 =	vor.u32 s1, v10;
	v1 =	vadd.f32 v4, v1  }
0x799: {  	v52 =	vld.idx.msk [tilespmem:v49+s20+$0x0], $0xffff  }
0x79a: {  	v53 =	vor.u32 s1, v11;
	v1 =	vadd.f32 v2, v1  }
0x79b: {  	v2 =	vld.idx.msk [tilespmem:v50+s20+$0x0], $0xffff  }
0x79c: {  	v54 =	vor.u32 s1, v12;
	v1 =	vadd.f32 v3, v1  }
0x79d: {  	v3 =	vld.idx.msk [tilespmem:v51+s20+$0x0], $0xffff  }
0x79e: {  	v55 =	vor.u32 s1, v13;
	v1 =	vadd.f32 v52, v1  }
0x79f: {  	v56 =	vld.idx.msk [tilespmem:v53+s20+$0x0], $0xffff  }
0x7a0: {  	v57 =	vor.u32 s1, v14;
	v1 =	vadd.f32 v2, v1  }
0x7a1: {  	v2 =	vld.idx.msk [tilespmem:v54+s20+$0x0], $0xffff  }
0x7a2: {  	v58 =	vor.u32 s1, v15;
	v1 =	vadd.f32 v3, v1  }
0x7a3: {  	v3 =	vld.idx.msk [tilespmem:v55+s20+$0x0], $0xffff  }
0x7a4: {  	v59 =	vor.u32 s1, v16;
	v1 =	vadd.f32 v56, v1  }
0x7a5: {  	v60 =	vld.idx.msk [tilespmem:v57+s20+$0x0], $0xffff  }
0x7a6: {  	v61 =	vor.u32 s1, v17;
	v1 =	vadd.f32 v2, v1  }
0x7a7: {  	v2 =	vld.idx.msk [tilespmem:v58+s20+$0x0], $0xffff  }
0x7a8: {  	v1 =	vadd.f32 v3, v1  }
0x7a9: {  	v3 =	vld.idx.msk [tilespmem:v59+s20+$0x0], $0xffff  }
0x7aa: {  	v1 =	vadd.f32 v60, v1  }
0x7ab: {  	v62 =	vld.idx.msk [tilespmem:v61+s20+$0x0], $0xffff  }
0x7ac: {  	v1 =	vadd.f32 v2, v1;
	_ =	sdelay $0x1  }
0x7ad: {  	v1 =	vadd.f32 v3, v1;
	_ =	sdelay $0x1  }
0x7ae: {  	v1 =	vadd.f32 v62, v1;
	_ =	sdelay $0x1  }
0x7af: {  	v1 =	vmax.f32 v1, $1.000000000e-30  }
0x7b0: {  	v2 =	vshra.s32 v1, $0x1;
	v3 =	vmul.f32 $5.000000000e-01, v1  }
0x7b1: {  	v2 =	vsub.s32 $0x5F3759DF, v2  }
0x7b2: {  	v63 =	vmul.f32 v2, v3;
	_ =	sdelay $0x1  }
0x7b3: {  	v4 =	vmul.f32 v2, v63;
	_ =	sdelay $0x1  }
0x7b4: {  	v4 =	vsub.f32 $1.500000000e+00, v4;
	_ =	sdelay $0x1  }
0x7b5: {  	v2 =	vmul.f32 v2, v4;
	_ =	sdelay $0x1  }
0x7b6: {  	v4 =	vmul.f32 v2, v3;
	_ =	sdelay $0x1  }
0x7b7: {  	v4 =	vmul.f32 v4, v2;
	_ =	sdelay $0x1  }
0x7b8: {  	v4 =	vsub.f32 $1.500000000e+00, v4;
	_ =	sdelay $0x1  }
0x7b9: {  	v2 =	vmul.f32 v4, v2;
	_ =	sdelay $0x1  }
0x7ba: {  	v3 =	vmul.f32 v2, v3;
	_ =	sdelay $0x1  }
0x7bb: {  	v3 =	vmul.f32 v3, v2;
	_ =	sdelay $0x1  }
0x7bc: {  	v3 =	vsub.f32 $1.500000000e+00, v3;
	_ =	sdelay $0x1  }
0x7bd: {  	v2 =	vmul.f32 v3, v2;
	_ =	sdelay $0x1  }
0x7be: {  	v1 =	vmul.f32 v2, v1;
	_ =	sdelay $0x1  }
0x7bf: {  	v1 =	vadd.f32 $-1.000000000e+00, v1;
	_ =	sdelay $0x1  }
0x7c0: {  	v1 =	vmul.f32 $1.442695020e+00, v1;
	_ =	sdelay $0x1  }
0x7c1: {  	(erf) = vpow2.f32 v1;
	_ =	sdelay $0x8  }
0x7c2: {  	v1 =	vpop (erf)  }
0x7c3: {  	v1 =	vadd.f32 $1.000000000e+00, v1;
	_ =	sdelay $0x1  }
0x7c4: {  	(erf) = vrcp.f32 v1;
	_ =	sdelay $0x7  }
0x7c5: {  	s25 =	sadd.s32 $0x1, s25  }
0x7c6: {  	p0 =	sne.s32 s25, s8;
	s0 =	sadd.s32 $0x10, s0;
	v1 =	vpop (erf)  }
.Ltmp11:
0x7c7: {  	s31 =	simm.s32 $0x4F00;
	[tilespmem:s0+$0x0] =	vst v1;
	(pc) =	sbr.rel @p0 .LBB2_1-.Ltmp11, $4  }
0x7c8: {  	[hbm4b:s7+s2] =	stream.linear.scatter [tilespmem:s31], [sflag:$0x7], $0x2710, $0x38;
	[tilespmem:$0xF380] =	vst v63  }
0x7c9: {  	_ =	swait.ge [sflag:s9], $0x2710  }
0x7ca: {  	[sflag:s9] =	ssyncset.done $0x0  }
0x7cb: {  	[sflag:s9] =	ssyncadd.s32 $0xFFFFD8F0  }
0x7cc: {  	_ =	sfence.sel $0x180000  }
0x7cd: {  	[bflag:$0x0] =	sbarrier.arrive $0xFFFF  }
0x7ce: {  	_ =	strace $0x90000047  }
0x7cf: {  	s0 =	stileid.u32;
	[bflag:$0x2] =	sbarrier.arrive $0xFFFF  }
0x7d0: {  	p0 =	sne.s32 s0, $0x0;
	s0 =	rddreg [dreg:$0x2]  }
0x7d1: {  	s0 =	sadd.s32 @!p0 $0x100000, s0  }
0x7d2: {  	[sflag:s0] =	ssyncadd.tile.s32 @!p0 $0x1;
	_ =	shalt  }
.Lfunc_end2:
_tile_overlayer_lowered:
.L_overlay_start_2:
0x7d3: {  	(tag) =	ssettag $0x2  }
0x7d4: {  	s0 =	rddreg [dreg:$0x0];
	s2 =	stileid.u32  }
0x7d5: {  	s1 =	rddreg [dreg:$0x1];
	p0 =	sne.s32 s2, $0x0  }
0x7d6: {  	s3 =	rddreg [dreg:$0x2];
	[bflag:$0x3] =	sbarrier.arrive $0xFFFF;
	s2 =	simm.s32 @!p0 $0x1C07  }
0x7d7: {  	[timem:s3], [sflag:s2] =	dma.local @!p0 [hbm:s0], s1  }
0x7d8: {  	s0 =	simm.s32 @!p0 $0x7  }
0x7d9: {  	_ =	swait.ge @!p0 [sflag:s0], s1  }
0x7da: {  	s1 =	ssub.s32 @!p0 $0x0, s1;
	[sflag:s0] =	ssyncset.done @!p0 $0x0  }
0x7db: {  	[sflag:s0] =	ssyncadd.s32 @!p0 s1  }
0x7dc: {  	[bflag:$0x3] =	sbarrier.arrive $0xFFFF  }
0x7dd: {  	_ =	shalt  }

</sc_bundles>
